<compile_context>
chip_gen: v7x
topology: tpu7x:2x2x1
jax: 0.10.2.dev20260603
libtpu: 0.0.44.dev20260713+nightly
codegen_flags: <defaults>
</compile_context>

<pallas_src>
import functools

import jax
import jax.numpy as jnp
from jax import lax
from jax.experimental import pallas as pl
from jax.experimental.pallas import tpu as pltpu
from jax.experimental.pallas import tpu_sc as plsc

_LANES = 16


def _emb_kernel_body(Bp, BC, F, D, num_cores,
                     ids_hbm, vals_hbm, table_hbm, out_hbm,
                     idx_v, val_v, rows_v, out_v, gsem, osem):
    wid = lax.axis_index("s") * num_cores + lax.axis_index("c")
    b_base = wid * Bp
    iota = lax.iota(jnp.int32, _LANES)

    def gather_descs(f, u):
        return [pltpu.make_async_copy(
            table_hbm.at[idx_v.at[f, pl.ds(q * 128, 128)]],
            rows_v.at[pl.ds(u * BC + q * 128, 128)], gsem)
            for q in range(BC // 128)]

    def out_desc(f, u, b0):
        return pltpu.make_async_copy(
            out_v.at[u],
            out_hbm.at[f, :, pl.ds(b0, BC)], osem)

    def chunk_body(c, carry):
        b0 = b_base + c * BC
        pltpu.sync_copy(ids_hbm.at[:, pl.ds(b0, BC)], idx_v)
        pltpu.sync_copy(vals_hbm.at[:, pl.ds(b0, BC)], val_v)

        for _d in gather_descs(0, 0):
            _d.start()

        def pair_body(g, c1):
            for u in range(2):
                f = 2 * g + u
                for _d in gather_descs(f, u):
                    _d.wait()

                @pl.when(f + 1 < F)
                def _():
                    for _d in gather_descs(f + 1, 1 - u):
                        _d.start()

                @pl.when(g > 0)
                def _():
                    out_desc(f - 2, u, b0).wait()

                def jb_body(jb, c2, u=u, f=f):
                    j0 = jb * _LANES
                    rowv = u * BC + j0 + iota
                    jv = j0 + iota
                    uv = jnp.full((_LANES,), u, jnp.int32)
                    vv = val_v[f, pl.ds(j0, _LANES)]
                    for k in range(D):
                        dv = (iota + k) % D
                        col = plsc.load_gather(rows_v, [rowv, dv])
                        plsc.store_scatter(out_v, [uv, dv, jv], col * vv)
                    return c2

                lax.fori_loop(0, BC // _LANES, jb_body, 0)
                out_desc(f, u, b0).start()
            return c1

        lax.fori_loop(0, F // 2, pair_body, 0)
        out_desc(F - 2, 0, b0).wait()
        out_desc(F - 1, 1, b0).wait()
        return carry

    lax.fori_loop(0, Bp // BC, chunk_body, 0)


def kernel(feature_id, feature_val, embedding_weight):
    B, F = feature_id.shape
    V, D = embedding_weight.shape
    ids_t = feature_id.T.astype(jnp.int32)
    vals_t = feature_val.T

    info = plsc.get_sparse_core_info()
    NW = info.num_cores * info.num_subcores
    Bp = B // NW
    BC = 256

    mesh = plsc.VectorSubcoreMesh(core_axis_name="c", subcore_axis_name="s")
    body = functools.partial(_emb_kernel_body, Bp, BC, F, D, info.num_cores)
    emb = pl.kernel(
        body,
        mesh=mesh,
        compiler_params=pltpu.CompilerParams(
            use_tc_tiling_on_sc=False, needs_layout_passes=False),
        out_type=jax.ShapeDtypeStruct((F, D, B), jnp.float32),
        scratch_types=[
            pltpu.VMEM((F, BC), jnp.int32),
            pltpu.VMEM((F, BC), jnp.float32),
            pltpu.VMEM((2 * BC, D), jnp.float32),
            pltpu.VMEM((2, D, BC), jnp.float32),
            pltpu.SemaphoreType.DMA,
            pltpu.SemaphoreType.DMA,
        ],
    )
    out_t = emb(ids_t, vals_t, embedding_weight)
    return jnp.transpose(out_t, (2, 0, 1))

# --- scband reference (transcript-rebuilt; emitter-appended) ---
"""Pipeline reference for scband-embedding-layer-10557029614038 (READ-ONLY COPY).

The authoritative reference and input builder live on the scoring server;
editing this copy changes nothing except your own understanding.
"""

import jax, jax.numpy as jnp
import numpy as np

INPUT_DIM = 1000000
EMBED_DIM = 32
BATCH = 16384
FIELDS = 26

def setup_inputs(seed: int = 0) -> dict:
    key = jax.random.key(seed)
    k1, k2, k3 = jax.random.split(key, 3)
    feature_id = jax.random.randint(k1, (BATCH, FIELDS), 0, INPUT_DIM, dtype=jnp.int64 if jax.config.jax_enable_x64 else jnp.int32)
    feature_val = jax.random.uniform(k2, (BATCH, FIELDS), dtype=jnp.float32)
    # xavier_uniform init for embedding table: bound = sqrt(6/(fan_in+fan_out))
    bound = float(np.sqrt(6.0 / (INPUT_DIM + EMBED_DIM)))
    embedding_weight = jax.random.uniform(k3, (INPUT_DIM, EMBED_DIM), minval=-bound, maxval=bound, dtype=jnp.float32)
    return {"feature_id": feature_id, "feature_val": feature_val, "embedding_weight": embedding_weight}

def reference(feature_id, feature_val, embedding_weight):
    # embedding lookup: gather rows from table
    emb = jnp.take(embedding_weight, feature_id, axis=0)  # (B, F, D)
    return emb * feature_val[..., None]

if __name__ == "__main__":
    import jax
    _d = setup_inputs()
    print(jax.jit(kernel)(*tuple(_d.values())))

</pallas_src>

<mosaic_0001>
#map = affine_map<(d0, d1) -> (0, 0)>
#map1 = affine_map<(d0, d1) -> (0, 0, 0)>
module attributes {stable_mosaic.version = 14 : i64} {
  func.func @_emb_kernel_body(%arg0: i32, %arg1: i32, %arg2: memref<26x16384xi32, #tpu.memory_space<hbm>>, %arg3: memref<26x16384xf32, #tpu.memory_space<hbm>>, %arg4: memref<1000000x32xf32, #tpu.memory_space<hbm>>, %arg5: memref<26x32x16384xf32, #tpu.memory_space<hbm>>, %arg6: memref<26x256xi32, #tpu.memory_space<vmem>>, %arg7: memref<26x256xf32, #tpu.memory_space<vmem>>, %arg8: memref<512x32xf32, #tpu.memory_space<vmem>>, %arg9: memref<2x32x256xf32, #tpu.memory_space<vmem>>, %arg10: memref<!tpu.dma_semaphore, #tpu.memory_space<semaphore_mem>>, %arg11: memref<!tpu.dma_semaphore, #tpu.memory_space<semaphore_mem>>) attributes {dimension_semantics = [#tpu.dimension_semantics<core_parallel>, #tpu.dimension_semantics<subcore_parallel>], iteration_bounds = array<i64: 2, 16>, scalar_prefetch = 0 : i64, scratch_operands = 6 : i64, tpu.core_type = #tpu.core_type<sc_vector_subcore>, window_params = [{transform_indices = #map}, {transform_indices = #map}, {transform_indices = #map}, {transform_indices = #map1}]} {
    %mul3A = arith.constant 2 : i32
    %mul3A_0 = arith.muli %arg1, %mul3A : i32
    %add3A = arith.addi %mul3A_0, %arg0 : i32
    %mul3A_1 = arith.constant 512 : i32
    %mul3A_2 = arith.muli %add3A, %mul3A_1 : i32
    %iota3A = tpu.iota {dimensions = array<i32: 0>} : vector<16xi32>
    %scan3A = arith.constant 0 : i32
    %scan3A_3 = arith.constant 0 : i32
    %scan3A_4 = arith.constant 2 : i32
    %scan3A_5 = arith.addi %scan3A_3, %scan3A_4 : i32
    %scan3A_6 = arith.constant 1 : i32
    scf.for %scan3A_8 = %scan3A_3 to %scan3A_5 step %scan3A_6  : i32 {
      %mul3A_9 = arith.constant 256 : i32
      %mul3A_10 = arith.muli %scan3A_8, %mul3A_9 : i32
      %add3A_11 = arith.addi %mul3A_2, %mul3A_10 : i32
      "tpu.region"() ({
        %run_scoped3A = tpu.sem_alloc : memref<!tpu.dma_semaphore, #tpu.memory_space<semaphore_mem>>
        %dma_start3A_68 = arith.constant 0 : i32
        %dma_start3A_69 = tpu.memref_slice %arg2[%dma_start3A_68, %add3A_11] : memref<26x16384xi32, #tpu.memory_space<hbm>> -> memref<26x256xi32, #tpu.memory_space<hbm>>
        %dma_start3A_70 = arith.constant 0 : i32
        %dma_start3A_71 = tpu.memref_slice %arg2[%dma_start3A_70, %add3A_11] : memref<26x16384xi32, #tpu.memory_space<hbm>> -> memref<26x256xi32, #tpu.memory_space<hbm>>
        tpu.enqueue_dma source(%dma_start3A_71 : memref<26x256xi32, #tpu.memory_space<hbm>>) target(%arg6 : memref<26x256xi32, #tpu.memory_space<vmem>>) target_semaphore(%run_scoped3A : memref<!tpu.dma_semaphore, #tpu.memory_space<semaphore_mem>>)
        %dma_wait3A_72 = arith.constant 0 : i32
        %dma_wait3A_73 = tpu.memref_slice %arg2[%dma_wait3A_72, %add3A_11] : memref<26x16384xi32, #tpu.memory_space<hbm>> -> memref<26x256xi32, #tpu.memory_space<hbm>>
        %dma_wait3A_74 = arith.constant 0 : i32
        %dma_wait3A_75 = tpu.memref_slice %arg2[%dma_wait3A_74, %add3A_11] : memref<26x16384xi32, #tpu.memory_space<hbm>> -> memref<26x256xi32, #tpu.memory_space<hbm>>
        tpu.wait_dma2 semaphore(%run_scoped3A : memref<!tpu.dma_semaphore, #tpu.memory_space<semaphore_mem>>) src(%dma_wait3A_75 : memref<26x256xi32, #tpu.memory_space<hbm>>) dst(%arg6 : memref<26x256xi32, #tpu.memory_space<vmem>>)
        tpu.yield
      }) : () -> ()
      "tpu.region"() ({
        %run_scoped3A = tpu.sem_alloc : memref<!tpu.dma_semaphore, #tpu.memory_space<semaphore_mem>>
        %dma_start3A_68 = arith.constant 0 : i32
        %dma_start3A_69 = tpu.memref_slice %arg3[%dma_start3A_68, %add3A_11] : memref<26x16384xf32, #tpu.memory_space<hbm>> -> memref<26x256xf32, #tpu.memory_space<hbm>>
        %dma_start3A_70 = arith.constant 0 : i32
        %dma_start3A_71 = tpu.memref_slice %arg3[%dma_start3A_70, %add3A_11] : memref<26x16384xf32, #tpu.memory_space<hbm>> -> memref<26x256xf32, #tpu.memory_space<hbm>>
        tpu.enqueue_dma source(%dma_start3A_71 : memref<26x256xf32, #tpu.memory_space<hbm>>) target(%arg7 : memref<26x256xf32, #tpu.memory_space<vmem>>) target_semaphore(%run_scoped3A : memref<!tpu.dma_semaphore, #tpu.memory_space<semaphore_mem>>)
        %dma_wait3A_72 = arith.constant 0 : i32
        %dma_wait3A_73 = tpu.memref_slice %arg3[%dma_wait3A_72, %add3A_11] : memref<26x16384xf32, #tpu.memory_space<hbm>> -> memref<26x256xf32, #tpu.memory_space<hbm>>
        %dma_wait3A_74 = arith.constant 0 : i32
        %dma_wait3A_75 = tpu.memref_slice %arg3[%dma_wait3A_74, %add3A_11] : memref<26x16384xf32, #tpu.memory_space<hbm>> -> memref<26x256xf32, #tpu.memory_space<hbm>>
        tpu.wait_dma2 semaphore(%run_scoped3A : memref<!tpu.dma_semaphore, #tpu.memory_space<semaphore_mem>>) src(%dma_wait3A_75 : memref<26x256xf32, #tpu.memory_space<hbm>>) dst(%arg7 : memref<26x256xf32, #tpu.memory_space<vmem>>)
        tpu.yield
      }) : () -> ()
      %dma_start3A = arith.constant 0 : i32
      %dma_start3A_12 = arith.constant 0 : i32
      %dma_start3A_13 = arith.constant 0 : i32
      %dma_start3A_14 = tpu.memref_slice %arg8[%dma_start3A_12, %dma_start3A_13] : memref<512x32xf32, #tpu.memory_space<vmem>> -> memref<128x32xf32, #tpu.memory_space<vmem>>
      %dma_start3A_15 = arith.constant 0 : i32
      %dma_start3A_16 = tpu.memref_slice %arg6[%dma_start3A, %dma_start3A_15] : memref<26x256xi32, #tpu.memory_space<vmem>> -> memref<1x128xi32, #tpu.memory_space<vmem>>
      %dma_start3A_17 = tpu.memref_squeeze %dma_start3A_16 : memref<1x128xi32, #tpu.memory_space<vmem>> -> memref<128xi32, #tpu.memory_space<vmem>>
      %dma_start3A_18 = arith.constant 0 : i32
      %dma_start3A_19 = arith.constant 0 : i32
      %dma_start3A_20 = tpu.memref_slice %arg4[%dma_start3A_18, %dma_start3A_19] : memref<1000000x32xf32, #tpu.memory_space<hbm>> -> memref<1000000x32xf32, #tpu.memory_space<hbm>>
      tpu.enqueue_indirect_dma source(%dma_start3A_20 : memref<1000000x32xf32, #tpu.memory_space<hbm>>) target(%dma_start3A_14 : memref<128x32xf32, #tpu.memory_space<vmem>>) offsets(%dma_start3A_17 : memref<128xi32, #tpu.memory_space<vmem>>) semaphore(%arg10 : memref<!tpu.dma_semaphore, #tpu.memory_space<semaphore_mem>>)
      %dma_start3A_21 = arith.constant 0 : i32
      %dma_start3A_22 = arith.constant 128 : i32
      %dma_start3A_23 = arith.constant 0 : i32
      %dma_start3A_24 = tpu.memref_slice %arg8[%dma_start3A_22, %dma_start3A_23] : memref<512x32xf32, #tpu.memory_space<vmem>> -> memref<128x32xf32, #tpu.memory_space<vmem>>
      %dma_start3A_25 = arith.constant 128 : i32
      %dma_start3A_26 = tpu.memref_slice %arg6[%dma_start3A_21, %dma_start3A_25] : memref<26x256xi32, #tpu.memory_space<vmem>> -> memref<1x128xi32, #tpu.memory_space<vmem>>
      %dma_start3A_27 = tpu.memref_squeeze %dma_start3A_26 : memref<1x128xi32, #tpu.memory_space<vmem>> -> memref<128xi32, #tpu.memory_space<vmem>>
      %dma_start3A_28 = arith.constant 0 : i32
      %dma_start3A_29 = arith.constant 0 : i32
      %dma_start3A_30 = tpu.memref_slice %arg4[%dma_start3A_28, %dma_start3A_29] : memref<1000000x32xf32, #tpu.memory_space<hbm>> -> memref<1000000x32xf32, #tpu.memory_space<hbm>>
      tpu.enqueue_indirect_dma source(%dma_start3A_30 : memref<1000000x32xf32, #tpu.memory_space<hbm>>) target(%dma_start3A_24 : memref<128x32xf32, #tpu.memory_space<vmem>>) offsets(%dma_start3A_27 : memref<128xi32, #tpu.memory_space<vmem>>) semaphore(%arg10 : memref<!tpu.dma_semaphore, #tpu.memory_space<semaphore_mem>>)
      %scan3A_31 = arith.constant 0 : i32
      %scan3A_32 = arith.constant 0 : i32
      %scan3A_33 = arith.constant 13 : i32
      %scan3A_34 = arith.addi %scan3A_32, %scan3A_33 : i32
      %scan3A_35 = arith.constant 1 : i32
      scf.for %scan3A_68 = %scan3A_32 to %scan3A_34 step %scan3A_35  : i32 {
        %mul3A_69 = arith.constant 2 : i32
        %mul3A_70 = arith.muli %mul3A_69, %scan3A_68 : i32
        %add3A_71 = arith.constant 0 : i32
        %add3A_72 = arith.addi %mul3A_70, %add3A_71 : i32
        %dma_wait3A_73 = arith.constant 0 : i32
        %dma_wait3A_74 = arith.constant 0 : i32
        %dma_wait3A_75 = tpu.memref_slice %arg8[%dma_wait3A_73, %dma_wait3A_74] : memref<512x32xf32, #tpu.memory_space<vmem>> -> memref<128x32xf32, #tpu.memory_space<vmem>>
        %dma_wait3A_76 = arith.constant 0 : i32
        %dma_wait3A_77 = tpu.memref_slice %arg6[%add3A_72, %dma_wait3A_76] : memref<26x256xi32, #tpu.memory_space<vmem>> -> memref<1x128xi32, #tpu.memory_space<vmem>>
        %dma_wait3A_78 = tpu.memref_squeeze %dma_wait3A_77 : memref<1x128xi32, #tpu.memory_space<vmem>> -> memref<128xi32, #tpu.memory_space<vmem>>
        %dma_wait3A_79 = arith.constant 0 : i32
        %dma_wait3A_80 = arith.constant 0 : i32
        %dma_wait3A_81 = tpu.memref_slice %arg4[%dma_wait3A_79, %dma_wait3A_80] : memref<1000000x32xf32, #tpu.memory_space<hbm>> -> memref<1000000x32xf32, #tpu.memory_space<hbm>>
        tpu.wait_indirect_dma semaphore(%arg10 : memref<!tpu.dma_semaphore, #tpu.memory_space<semaphore_mem>>) src(%dma_wait3A_81 : memref<1000000x32xf32, #tpu.memory_space<hbm>>) dst(%dma_wait3A_75 : memref<128x32xf32, #tpu.memory_space<vmem>>)
        %dma_wait3A_82 = arith.constant 128 : i32
        %dma_wait3A_83 = arith.constant 0 : i32
        %dma_wait3A_84 = tpu.memref_slice %arg8[%dma_wait3A_82, %dma_wait3A_83] : memref<512x32xf32, #tpu.memory_space<vmem>> -> memref<128x32xf32, #tpu.memory_space<vmem>>
        %dma_wait3A_85 = arith.constant 128 : i32
        %dma_wait3A_86 = tpu.memref_slice %arg6[%add3A_72, %dma_wait3A_85] : memref<26x256xi32, #tpu.memory_space<vmem>> -> memref<1x128xi32, #tpu.memory_space<vmem>>
        %dma_wait3A_87 = tpu.memref_squeeze %dma_wait3A_86 : memref<1x128xi32, #tpu.memory_space<vmem>> -> memref<128xi32, #tpu.memory_space<vmem>>
        %dma_wait3A_88 = arith.constant 0 : i32
        %dma_wait3A_89 = arith.constant 0 : i32
        %dma_wait3A_90 = tpu.memref_slice %arg4[%dma_wait3A_88, %dma_wait3A_89] : memref<1000000x32xf32, #tpu.memory_space<hbm>> -> memref<1000000x32xf32, #tpu.memory_space<hbm>>
        tpu.wait_indirect_dma semaphore(%arg10 : memref<!tpu.dma_semaphore, #tpu.memory_space<semaphore_mem>>) src(%dma_wait3A_90 : memref<1000000x32xf32, #tpu.memory_space<hbm>>) dst(%dma_wait3A_84 : memref<128x32xf32, #tpu.memory_space<vmem>>)
        %add3A_91 = arith.constant 1 : i32
        %add3A_92 = arith.addi %add3A_72, %add3A_91 : i32
        %lt3A = arith.constant 26 : i32
        %lt3A_93 = arith.cmpi slt, %add3A_92, %lt3A : i32
        %convert_element_type3A = arith.extui %lt3A_93 : i1 to i32
        %cond3A = arith.constant 0 : i32
        %cond3A_94 = arith.cmpi ne, %convert_element_type3A, %cond3A : i32
        scf.if %cond3A_94 {
          %add3A_175 = arith.constant 1 : i32
          %add3A_176 = arith.addi %add3A_72, %add3A_175 : i32
          %dma_start3A_177 = arith.constant 256 : i32
          %dma_start3A_178 = arith.constant 0 : i32
          %dma_start3A_179 = tpu.memref_slice %arg8[%dma_start3A_177, %dma_start3A_178] : memref<512x32xf32, #tpu.memory_space<vmem>> -> memref<128x32xf32, #tpu.memory_space<vmem>>
          %dma_start3A_180 = arith.constant 0 : i32
          %dma_start3A_181 = tpu.memref_slice %arg6[%add3A_176, %dma_start3A_180] : memref<26x256xi32, #tpu.memory_space<vmem>> -> memref<1x128xi32, #tpu.memory_space<vmem>>
          %dma_start3A_182 = tpu.memref_squeeze %dma_start3A_181 : memref<1x128xi32, #tpu.memory_space<vmem>> -> memref<128xi32, #tpu.memory_space<vmem>>
          %dma_start3A_183 = arith.constant 0 : i32
          %dma_start3A_184 = arith.constant 0 : i32
          %dma_start3A_185 = tpu.memref_slice %arg4[%dma_start3A_183, %dma_start3A_184] : memref<1000000x32xf32, #tpu.memory_space<hbm>> -> memref<1000000x32xf32, #tpu.memory_space<hbm>>
          tpu.enqueue_indirect_dma source(%dma_start3A_185 : memref<1000000x32xf32, #tpu.memory_space<hbm>>) target(%dma_start3A_179 : memref<128x32xf32, #tpu.memory_space<vmem>>) offsets(%dma_start3A_182 : memref<128xi32, #tpu.memory_space<vmem>>) semaphore(%arg10 : memref<!tpu.dma_semaphore, #tpu.memory_space<semaphore_mem>>)
          %dma_start3A_186 = arith.constant 384 : i32
          %dma_start3A_187 = arith.constant 0 : i32
          %dma_start3A_188 = tpu.memref_slice %arg8[%dma_start3A_186, %dma_start3A_187] : memref<512x32xf32, #tpu.memory_space<vmem>> -> memref<128x32xf32, #tpu.memory_space<vmem>>
          %dma_start3A_189 = arith.constant 128 : i32
          %dma_start3A_190 = tpu.memref_slice %arg6[%add3A_176, %dma_start3A_189] : memref<26x256xi32, #tpu.memory_space<vmem>> -> memref<1x128xi32, #tpu.memory_space<vmem>>
          %dma_start3A_191 = tpu.memref_squeeze %dma_start3A_190 : memref<1x128xi32, #tpu.memory_space<vmem>> -> memref<128xi32, #tpu.memory_space<vmem>>
          %dma_start3A_192 = arith.constant 0 : i32
          %dma_start3A_193 = arith.constant 0 : i32
          %dma_start3A_194 = tpu.memref_slice %arg4[%dma_start3A_192, %dma_start3A_193] : memref<1000000x32xf32, #tpu.memory_space<hbm>> -> memref<1000000x32xf32, #tpu.memory_space<hbm>>
          tpu.enqueue_indirect_dma source(%dma_start3A_194 : memref<1000000x32xf32, #tpu.memory_space<hbm>>) target(%dma_start3A_188 : memref<128x32xf32, #tpu.memory_space<vmem>>) offsets(%dma_start3A_191 : memref<128xi32, #tpu.memory_space<vmem>>) semaphore(%arg10 : memref<!tpu.dma_semaphore, #tpu.memory_space<semaphore_mem>>)
        } else {
        }
        %gt3A = arith.constant 0 : i32
        %gt3A_95 = arith.cmpi sgt, %scan3A_68, %gt3A : i32
        %convert_element_type3A_96 = arith.extui %gt3A_95 : i1 to i32
        %cond3A_97 = arith.constant 0 : i32
        %cond3A_98 = arith.cmpi ne, %convert_element_type3A_96, %cond3A_97 : i32
        scf.if %cond3A_98 {
          %sub3A = arith.constant 2 : i32
          %sub3A_175 = arith.subi %add3A_72, %sub3A : i32
          %dma_wait3A_176 = arith.constant 0 : i32
          %dma_wait3A_177 = arith.constant 0 : i32
          %dma_wait3A_178 = arith.constant 0 : i32
          %dma_wait3A_179 = tpu.memref_slice %arg9[%dma_wait3A_176, %dma_wait3A_177, %dma_wait3A_178] : memref<2x32x256xf32, #tpu.memory_space<vmem>> -> memref<1x32x256xf32, #tpu.memory_space<vmem>>
          %dma_wait3A_180 = tpu.memref_squeeze %dma_wait3A_179 : memref<1x32x256xf32, #tpu.memory_space<vmem>> -> memref<32x256xf32, #tpu.memory_space<vmem>>
          %dma_wait3A_181 = arith.constant 0 : i32
          %dma_wait3A_182 = tpu.memref_slice %arg5[%sub3A_175, %dma_wait3A_181, %add3A_11] : memref<26x32x16384xf32, #tpu.memory_space<hbm>> -> memref<1x32x256xf32, #tpu.memory_space<hbm>>
          %dma_wait3A_183 = tpu.memref_squeeze %dma_wait3A_182 : memref<1x32x256xf32, #tpu.memory_space<hbm>> -> memref<32x256xf32, #tpu.memory_space<hbm>>
          %dma_wait3A_184 = arith.constant 0 : i32
          %dma_wait3A_185 = tpu.memref_slice %arg5[%sub3A_175, %dma_wait3A_184, %add3A_11] : memref<26x32x16384xf32, #tpu.memory_space<hbm>> -> memref<1x32x256xf32, #tpu.memory_space<hbm>>
          %dma_wait3A_186 = tpu.memref_squeeze %dma_wait3A_185 : memref<1x32x256xf32, #tpu.memory_space<hbm>> -> memref<32x256xf32, #tpu.memory_space<hbm>>
          %dma_wait3A_187 = arith.constant 0 : i32
          %dma_wait3A_188 = arith.constant 0 : i32
          %dma_wait3A_189 = tpu.memref_slice %arg9[%dma_wait3A_176, %dma_wait3A_187, %dma_wait3A_188] : memref<2x32x256xf32, #tpu.memory_space<vmem>> -> memref<1x32x256xf32, #tpu.memory_space<vmem>>
          %dma_wait3A_190 = tpu.memref_squeeze %dma_wait3A_189 : memref<1x32x256xf32, #tpu.memory_space<vmem>> -> memref<32x256xf32, #tpu.memory_space<vmem>>
          tpu.wait_dma2 semaphore(%arg11 : memref<!tpu.dma_semaphore, #tpu.memory_space<semaphore_mem>>) src(%dma_wait3A_190 : memref<32x256xf32, #tpu.memory_space<vmem>>) dst(%dma_wait3A_186 : memref<32x256xf32, #tpu.memory_space<hbm>>)
        } else {
        }
        %scan3A_99 = arith.constant 0 : i32
        %scan3A_100 = arith.constant 0 : i32
        %scan3A_101 = arith.constant 16 : i32
        %scan3A_102 = arith.addi %scan3A_100, %scan3A_101 : i32
        %scan3A_103 = arith.constant 1 : i32
        scf.for %scan3A_175 = %scan3A_100 to %scan3A_102 step %scan3A_103  : i32 {
          %mul3A_176 = arith.constant 16 : i32
          %mul3A_177 = arith.muli %scan3A_175, %mul3A_176 : i32
          %add3A_178 = arith.constant 0 : i32
          %add3A_179 = arith.addi %add3A_178, %mul3A_177 : i32
          %add3A_180 = vector.broadcast %add3A_179 : i32 to vector<16xi32>
          %add3A_181 = arith.addi %add3A_180, %iota3A : vector<16xi32>
          %add3A_182 = vector.broadcast %mul3A_177 : i32 to vector<16xi32>
          %add3A_183 = arith.addi %add3A_182, %iota3A : vector<16xi32>
          %broadcast_in_dim3A = arith.constant 0 : i32
          %broadcast_in_dim3A_184 = vector.broadcast %broadcast_in_dim3A : i32 to vector<16xi32>
          %get3A = arith.index_cast %add3A_72 : i32 to index
          %get3A_185 = arith.index_cast %mul3A_177 : i32 to index
          %get3A_186 = tpu.vector_load %arg7[%get3A, %get3A_185] {strides = array<i32>} : memref<26x256xf32, #tpu.memory_space<vmem>>, vector<16xf32>,
          %add3A_187 = arith.constant 0 : i32
          %add3A_188 = vector.broadcast %add3A_187 : i32 to vector<16xi32>
          %add3A_189 = arith.addi %iota3A, %add3A_188 : vector<16xi32>
          %jit3A = arith.constant 32 : i32
          %eq3A = arith.constant 0 : i32
          %eq3A_190 = arith.cmpi eq, %jit3A, %eq3A : i32
          %jit3A_191 = arith.constant 1 : i32
          %select_n3A = arith.select %eq3A_190, %jit3A_191, %jit3A : i32
          %rem3A = vector.broadcast %select_n3A : i32 to vector<16xi32>
          %rem3A_192 = arith.remsi %add3A_189, %rem3A : vector<16xi32>
          %ne3A = arith.constant 0 : i32
          %ne3A_193 = vector.broadcast %ne3A : i32 to vector<16xi32>
          %ne3A_194 = arith.cmpi ne, %rem3A_192, %ne3A_193 : vector<16xi32>
          %lt3A_195 = arith.constant 0 : i32
          %lt3A_196 = vector.broadcast %lt3A_195 : i32 to vector<16xi32>
          %lt3A_197 = arith.cmpi slt, %rem3A_192, %lt3A_196 : vector<16xi32>
          %lt3A_198 = arith.constant 0 : i32
          %lt3A_199 = arith.cmpi slt, %select_n3A, %lt3A_198 : i32
          %ne3A_200 = vector.broadcast %lt3A_199 : i1 to vector<16xi1>
          %ne3A_201 = vector.broadcast %ne3A_200 : vector<16xi1> to vector<16xi1>
          %ne3A_202 = arith.xori %lt3A_197, %ne3A_201 : vector<16xi1>
          %and3A = arith.andi %ne3A_202, %ne3A_194 : vector<16xi1>
          %add3A_203 = vector.broadcast %select_n3A : i32 to vector<16xi32>
          %add3A_204 = arith.addi %rem3A_192, %add3A_203 : vector<16xi32>
          %select_n3A_205 = arith.select %and3A, %add3A_204, %rem3A_192 : vector<16xi1>, vector<16xi32>
          %gather3A = tpu.vector_load_idx %arg8[%add3A_181, %select_n3A_205] : memref<512x32xf32, #tpu.memory_space<vmem>>[vector<16xi32>, vector<16xi32>], vector<16xf32>,
          %mul3A_206 = arith.mulf %gather3A, %get3A_186 : vector<16xf32>
          tpu.vector_store_idx %arg9[%broadcast_in_dim3A_184, %select_n3A_205, %add3A_183], %mul3A_206 : memref<2x32x256xf32, #tpu.memory_space<vmem>>[vector<16xi32>, vector<16xi32>, vector<16xi32>], vector<16xf32>,
          %add3A_207 = arith.constant 1 : i32
          %add3A_208 = vector.broadcast %add3A_207 : i32 to vector<16xi32>
          %add3A_209 = arith.addi %iota3A, %add3A_208 : vector<16xi32>
          %jit3A_210 = arith.constant 32 : i32
          %eq3A_211 = arith.constant 0 : i32
          %eq3A_212 = arith.cmpi eq, %jit3A_210, %eq3A_211 : i32
          %jit3A_213 = arith.constant 1 : i32
          %select_n3A_214 = arith.select %eq3A_212, %jit3A_213, %jit3A_210 : i32
          %rem3A_215 = vector.broadcast %select_n3A_214 : i32 to vector<16xi32>
          %rem3A_216 = arith.remsi %add3A_209, %rem3A_215 : vector<16xi32>
          %ne3A_217 = arith.constant 0 : i32
          %ne3A_218 = vector.broadcast %ne3A_217 : i32 to vector<16xi32>
          %ne3A_219 = arith.cmpi ne, %rem3A_216, %ne3A_218 : vector<16xi32>
          %lt3A_220 = arith.constant 0 : i32
          %lt3A_221 = vector.broadcast %lt3A_220 : i32 to vector<16xi32>
          %lt3A_222 = arith.cmpi slt, %rem3A_216, %lt3A_221 : vector<16xi32>
          %lt3A_223 = arith.constant 0 : i32
          %lt3A_224 = arith.cmpi slt, %select_n3A_214, %lt3A_223 : i32
          %ne3A_225 = vector.broadcast %lt3A_224 : i1 to vector<16xi1>
          %ne3A_226 = vector.broadcast %ne3A_225 : vector<16xi1> to vector<16xi1>
          %ne3A_227 = arith.xori %lt3A_222, %ne3A_226 : vector<16xi1>
          %and3A_228 = arith.andi %ne3A_227, %ne3A_219 : vector<16xi1>
          %add3A_229 = vector.broadcast %select_n3A_214 : i32 to vector<16xi32>
          %add3A_230 = arith.addi %rem3A_216, %add3A_229 : vector<16xi32>
          %select_n3A_231 = arith.select %and3A_228, %add3A_230, %rem3A_216 : vector<16xi1>, vector<16xi32>
          %gather3A_232 = tpu.vector_load_idx %arg8[%add3A_181, %select_n3A_231] : memref<512x32xf32, #tpu.memory_space<vmem>>[vector<16xi32>, vector<16xi32>], vector<16xf32>,
          %mul3A_233 = arith.mulf %gather3A_232, %get3A_186 : vector<16xf32>
          tpu.vector_store_idx %arg9[%broadcast_in_dim3A_184, %select_n3A_231, %add3A_183], %mul3A_233 : memref<2x32x256xf32, #tpu.memory_space<vmem>>[vector<16xi32>, vector<16xi32>, vector<16xi32>], vector<16xf32>,
          %add3A_234 = arith.constant 2 : i32
          %add3A_235 = vector.broadcast %add3A_234 : i32 to vector<16xi32>
          %add3A_236 = arith.addi %iota3A, %add3A_235 : vector<16xi32>
          %jit3A_237 = arith.constant 32 : i32
          %eq3A_238 = arith.constant 0 : i32
          %eq3A_239 = arith.cmpi eq, %jit3A_237, %eq3A_238 : i32
          %jit3A_240 = arith.constant 1 : i32
          %select_n3A_241 = arith.select %eq3A_239, %jit3A_240, %jit3A_237 : i32
          %rem3A_242 = vector.broadcast %select_n3A_241 : i32 to vector<16xi32>
          %rem3A_243 = arith.remsi %add3A_236, %rem3A_242 : vector<16xi32>
          %ne3A_244 = arith.constant 0 : i32
          %ne3A_245 = vector.broadcast %ne3A_244 : i32 to vector<16xi32>
          %ne3A_246 = arith.cmpi ne, %rem3A_243, %ne3A_245 : vector<16xi32>
          %lt3A_247 = arith.constant 0 : i32
          %lt3A_248 = vector.broadcast %lt3A_247 : i32 to vector<16xi32>
          %lt3A_249 = arith.cmpi slt, %rem3A_243, %lt3A_248 : vector<16xi32>
          %lt3A_250 = arith.constant 0 : i32
          %lt3A_251 = arith.cmpi slt, %select_n3A_241, %lt3A_250 : i32
          %ne3A_252 = vector.broadcast %lt3A_251 : i1 to vector<16xi1>
          %ne3A_253 = vector.broadcast %ne3A_252 : vector<16xi1> to vector<16xi1>
          %ne3A_254 = arith.xori %lt3A_249, %ne3A_253 : vector<16xi1>
          %and3A_255 = arith.andi %ne3A_254, %ne3A_246 : vector<16xi1>
          %add3A_256 = vector.broadcast %select_n3A_241 : i32 to vector<16xi32>
          %add3A_257 = arith.addi %rem3A_243, %add3A_256 : vector<16xi32>
          %select_n3A_258 = arith.select %and3A_255, %add3A_257, %rem3A_243 : vector<16xi1>, vector<16xi32>
          %gather3A_259 = tpu.vector_load_idx %arg8[%add3A_181, %select_n3A_258] : memref<512x32xf32, #tpu.memory_space<vmem>>[vector<16xi32>, vector<16xi32>], vector<16xf32>,
          %mul3A_260 = arith.mulf %gather3A_259, %get3A_186 : vector<16xf32>
          tpu.vector_store_idx %arg9[%broadcast_in_dim3A_184, %select_n3A_258, %add3A_183], %mul3A_260 : memref<2x32x256xf32, #tpu.memory_space<vmem>>[vector<16xi32>, vector<16xi32>, vector<16xi32>], vector<16xf32>,
          %add3A_261 = arith.constant 3 : i32
          %add3A_262 = vector.broadcast %add3A_261 : i32 to vector<16xi32>
          %add3A_263 = arith.addi %iota3A, %add3A_262 : vector<16xi32>
          %jit3A_264 = arith.constant 32 : i32
          %eq3A_265 = arith.constant 0 : i32
          %eq3A_266 = arith.cmpi eq, %jit3A_264, %eq3A_265 : i32
          %jit3A_267 = arith.constant 1 : i32
          %select_n3A_268 = arith.select %eq3A_266, %jit3A_267, %jit3A_264 : i32
          %rem3A_269 = vector.broadcast %select_n3A_268 : i32 to vector<16xi32>
          %rem3A_270 = arith.remsi %add3A_263, %rem3A_269 : vector<16xi32>
          %ne3A_271 = arith.constant 0 : i32
          %ne3A_272 = vector.broadcast %ne3A_271 : i32 to vector<16xi32>
          %ne3A_273 = arith.cmpi ne, %rem3A_270, %ne3A_272 : vector<16xi32>
          %lt3A_274 = arith.constant 0 : i32
          %lt3A_275 = vector.broadcast %lt3A_274 : i32 to vector<16xi32>
          %lt3A_276 = arith.cmpi slt, %rem3A_270, %lt3A_275 : vector<16xi32>
          %lt3A_277 = arith.constant 0 : i32
          %lt3A_278 = arith.cmpi slt, %select_n3A_268, %lt3A_277 : i32
          %ne3A_279 = vector.broadcast %lt3A_278 : i1 to vector<16xi1>
          %ne3A_280 = vector.broadcast %ne3A_279 : vector<16xi1> to vector<16xi1>
          %ne3A_281 = arith.xori %lt3A_276, %ne3A_280 : vector<16xi1>
          %and3A_282 = arith.andi %ne3A_281, %ne3A_273 : vector<16xi1>
          %add3A_283 = vector.broadcast %select_n3A_268 : i32 to vector<16xi32>
          %add3A_284 = arith.addi %rem3A_270, %add3A_283 : vector<16xi32>
          %select_n3A_285 = arith.select %and3A_282, %add3A_284, %rem3A_270 : vector<16xi1>, vector<16xi32>
          %gather3A_286 = tpu.vector_load_idx %arg8[%add3A_181, %select_n3A_285] : memref<512x32xf32, #tpu.memory_space<vmem>>[vector<16xi32>, vector<16xi32>], vector<16xf32>,
          %mul3A_287 = arith.mulf %gather3A_286, %get3A_186 : vector<16xf32>
          tpu.vector_store_idx %arg9[%broadcast_in_dim3A_184, %select_n3A_285, %add3A_183], %mul3A_287 : memref<2x32x256xf32, #tpu.memory_space<vmem>>[vector<16xi32>, vector<16xi32>, vector<16xi32>], vector<16xf32>,
          %add3A_288 = arith.constant 4 : i32
          %add3A_289 = vector.broadcast %add3A_288 : i32 to vector<16xi32>
          %add3A_290 = arith.addi %iota3A, %add3A_289 : vector<16xi32>
          %jit3A_291 = arith.constant 32 : i32
          %eq3A_292 = arith.constant 0 : i32
          %eq3A_293 = arith.cmpi eq, %jit3A_291, %eq3A_292 : i32
          %jit3A_294 = arith.constant 1 : i32
          %select_n3A_295 = arith.select %eq3A_293, %jit3A_294, %jit3A_291 : i32
          %rem3A_296 = vector.broadcast %select_n3A_295 : i32 to vector<16xi32>
          %rem3A_297 = arith.remsi %add3A_290, %rem3A_296 : vector<16xi32>
          %ne3A_298 = arith.constant 0 : i32
          %ne3A_299 = vector.broadcast %ne3A_298 : i32 to vector<16xi32>
          %ne3A_300 = arith.cmpi ne, %rem3A_297, %ne3A_299 : vector<16xi32>
          %lt3A_301 = arith.constant 0 : i32
          %lt3A_302 = vector.broadcast %lt3A_301 : i32 to vector<16xi32>
          %lt3A_303 = arith.cmpi slt, %rem3A_297, %lt3A_302 : vector<16xi32>
          %lt3A_304 = arith.constant 0 : i32
          %lt3A_305 = arith.cmpi slt, %select_n3A_295, %lt3A_304 : i32
          %ne3A_306 = vector.broadcast %lt3A_305 : i1 to vector<16xi1>
          %ne3A_307 = vector.broadcast %ne3A_306 : vector<16xi1> to vector<16xi1>
          %ne3A_308 = arith.xori %lt3A_303, %ne3A_307 : vector<16xi1>
          %and3A_309 = arith.andi %ne3A_308, %ne3A_300 : vector<16xi1>
          %add3A_310 = vector.broadcast %select_n3A_295 : i32 to vector<16xi32>
          %add3A_311 = arith.addi %rem3A_297, %add3A_310 : vector<16xi32>
          %select_n3A_312 = arith.select %and3A_309, %add3A_311, %rem3A_297 : vector<16xi1>, vector<16xi32>
          %gather3A_313 = tpu.vector_load_idx %arg8[%add3A_181, %select_n3A_312] : memref<512x32xf32, #tpu.memory_space<vmem>>[vector<16xi32>, vector<16xi32>], vector<16xf32>,
          %mul3A_314 = arith.mulf %gather3A_313, %get3A_186 : vector<16xf32>
          tpu.vector_store_idx %arg9[%broadcast_in_dim3A_184, %select_n3A_312, %add3A_183], %mul3A_314 : memref<2x32x256xf32, #tpu.memory_space<vmem>>[vector<16xi32>, vector<16xi32>, vector<16xi32>], vector<16xf32>,
          %add3A_315 = arith.constant 5 : i32
          %add3A_316 = vector.broadcast %add3A_315 : i32 to vector<16xi32>
          %add3A_317 = arith.addi %iota3A, %add3A_316 : vector<16xi32>
          %jit3A_318 = arith.constant 32 : i32
          %eq3A_319 = arith.constant 0 : i32
          %eq3A_320 = arith.cmpi eq, %jit3A_318, %eq3A_319 : i32
          %jit3A_321 = arith.constant 1 : i32
          %select_n3A_322 = arith.select %eq3A_320, %jit3A_321, %jit3A_318 : i32
          %rem3A_323 = vector.broadcast %select_n3A_322 : i32 to vector<16xi32>
          %rem3A_324 = arith.remsi %add3A_317, %rem3A_323 : vector<16xi32>
          %ne3A_325 = arith.constant 0 : i32
          %ne3A_326 = vector.broadcast %ne3A_325 : i32 to vector<16xi32>
          %ne3A_327 = arith.cmpi ne, %rem3A_324, %ne3A_326 : vector<16xi32>
          %lt3A_328 = arith.constant 0 : i32
          %lt3A_329 = vector.broadcast %lt3A_328 : i32 to vector<16xi32>
          %lt3A_330 = arith.cmpi slt, %rem3A_324, %lt3A_329 : vector<16xi32>
          %lt3A_331 = arith.constant 0 : i32
          %lt3A_332 = arith.cmpi slt, %select_n3A_322, %lt3A_331 : i32
          %ne3A_333 = vector.broadcast %lt3A_332 : i1 to vector<16xi1>
          %ne3A_334 = vector.broadcast %ne3A_333 : vector<16xi1> to vector<16xi1>
          %ne3A_335 = arith.xori %lt3A_330, %ne3A_334 : vector<16xi1>
          %and3A_336 = arith.andi %ne3A_335, %ne3A_327 : vector<16xi1>
          %add3A_337 = vector.broadcast %select_n3A_322 : i32 to vector<16xi32>
          %add3A_338 = arith.addi %rem3A_324, %add3A_337 : vector<16xi32>
          %select_n3A_339 = arith.select %and3A_336, %add3A_338, %rem3A_324 : vector<16xi1>, vector<16xi32>
          %gather3A_340 = tpu.vector_load_idx %arg8[%add3A_181, %select_n3A_339] : memref<512x32xf32, #tpu.memory_space<vmem>>[vector<16xi32>, vector<16xi32>], vector<16xf32>,
          %mul3A_341 = arith.mulf %gather3A_340, %get3A_186 : vector<16xf32>
          tpu.vector_store_idx %arg9[%broadcast_in_dim3A_184, %select_n3A_339, %add3A_183], %mul3A_341 : memref<2x32x256xf32, #tpu.memory_space<vmem>>[vector<16xi32>, vector<16xi32>, vector<16xi32>], vector<16xf32>,
          %add3A_342 = arith.constant 6 : i32
          %add3A_343 = vector.broadcast %add3A_342 : i32 to vector<16xi32>
          %add3A_344 = arith.addi %iota3A, %add3A_343 : vector<16xi32>
          %jit3A_345 = arith.constant 32 : i32
          %eq3A_346 = arith.constant 0 : i32
          %eq3A_347 = arith.cmpi eq, %jit3A_345, %eq3A_346 : i32
          %jit3A_348 = arith.constant 1 : i32
          %select_n3A_349 = arith.select %eq3A_347, %jit3A_348, %jit3A_345 : i32
          %rem3A_350 = vector.broadcast %select_n3A_349 : i32 to vector<16xi32>
          %rem3A_351 = arith.remsi %add3A_344, %rem3A_350 : vector<16xi32>
          %ne3A_352 = arith.constant 0 : i32
          %ne3A_353 = vector.broadcast %ne3A_352 : i32 to vector<16xi32>
          %ne3A_354 = arith.cmpi ne, %rem3A_351, %ne3A_353 : vector<16xi32>
          %lt3A_355 = arith.constant 0 : i32
          %lt3A_356 = vector.broadcast %lt3A_355 : i32 to vector<16xi32>
          %lt3A_357 = arith.cmpi slt, %rem3A_351, %lt3A_356 : vector<16xi32>
          %lt3A_358 = arith.constant 0 : i32
          %lt3A_359 = arith.cmpi slt, %select_n3A_349, %lt3A_358 : i32
          %ne3A_360 = vector.broadcast %lt3A_359 : i1 to vector<16xi1>
          %ne3A_361 = vector.broadcast %ne3A_360 : vector<16xi1> to vector<16xi1>
          %ne3A_362 = arith.xori %lt3A_357, %ne3A_361 : vector<16xi1>
          %and3A_363 = arith.andi %ne3A_362, %ne3A_354 : vector<16xi1>
          %add3A_364 = vector.broadcast %select_n3A_349 : i32 to vector<16xi32>
          %add3A_365 = arith.addi %rem3A_351, %add3A_364 : vector<16xi32>
          %select_n3A_366 = arith.select %and3A_363, %add3A_365, %rem3A_351 : vector<16xi1>, vector<16xi32>
          %gather3A_367 = tpu.vector_load_idx %arg8[%add3A_181, %select_n3A_366] : memref<512x32xf32, #tpu.memory_space<vmem>>[vector<16xi32>, vector<16xi32>], vector<16xf32>,
          %mul3A_368 = arith.mulf %gather3A_367, %get3A_186 : vector<16xf32>
          tpu.vector_store_idx %arg9[%broadcast_in_dim3A_184, %select_n3A_366, %add3A_183], %mul3A_368 : memref<2x32x256xf32, #tpu.memory_space<vmem>>[vector<16xi32>, vector<16xi32>, vector<16xi32>], vector<16xf32>,
          %add3A_369 = arith.constant 7 : i32
          %add3A_370 = vector.broadcast %add3A_369 : i32 to vector<16xi32>
          %add3A_371 = arith.addi %iota3A, %add3A_370 : vector<16xi32>
          %jit3A_372 = arith.constant 32 : i32
          %eq3A_373 = arith.constant 0 : i32
          %eq3A_374 = arith.cmpi eq, %jit3A_372, %eq3A_373 : i32
          %jit3A_375 = arith.constant 1 : i32
          %select_n3A_376 = arith.select %eq3A_374, %jit3A_375, %jit3A_372 : i32
          %rem3A_377 = vector.broadcast %select_n3A_376 : i32 to vector<16xi32>
          %rem3A_378 = arith.remsi %add3A_371, %rem3A_377 : vector<16xi32>
          %ne3A_379 = arith.constant 0 : i32
          %ne3A_380 = vector.broadcast %ne3A_379 : i32 to vector<16xi32>
          %ne3A_381 = arith.cmpi ne, %rem3A_378, %ne3A_380 : vector<16xi32>
          %lt3A_382 = arith.constant 0 : i32
          %lt3A_383 = vector.broadcast %lt3A_382 : i32 to vector<16xi32>
          %lt3A_384 = arith.cmpi slt, %rem3A_378, %lt3A_383 : vector<16xi32>
          %lt3A_385 = arith.constant 0 : i32
          %lt3A_386 = arith.cmpi slt, %select_n3A_376, %lt3A_385 : i32
          %ne3A_387 = vector.broadcast %lt3A_386 : i1 to vector<16xi1>
          %ne3A_388 = vector.broadcast %ne3A_387 : vector<16xi1> to vector<16xi1>
          %ne3A_389 = arith.xori %lt3A_384, %ne3A_388 : vector<16xi1>
          %and3A_390 = arith.andi %ne3A_389, %ne3A_381 : vector<16xi1>
          %add3A_391 = vector.broadcast %select_n3A_376 : i32 to vector<16xi32>
          %add3A_392 = arith.addi %rem3A_378, %add3A_391 : vector<16xi32>
          %select_n3A_393 = arith.select %and3A_390, %add3A_392, %rem3A_378 : vector<16xi1>, vector<16xi32>
          %gather3A_394 = tpu.vector_load_idx %arg8[%add3A_181, %select_n3A_393] : memref<512x32xf32, #tpu.memory_space<vmem>>[vector<16xi32>, vector<16xi32>], vector<16xf32>,
          %mul3A_395 = arith.mulf %gather3A_394, %get3A_186 : vector<16xf32>
          tpu.vector_store_idx %arg9[%broadcast_in_dim3A_184, %select_n3A_393, %add3A_183], %mul3A_395 : memref<2x32x256xf32, #tpu.memory_space<vmem>>[vector<16xi32>, vector<16xi32>, vector<16xi32>], vector<16xf32>,
          %add3A_396 = arith.constant 8 : i32
          %add3A_397 = vector.broadcast %add3A_396 : i32 to vector<16xi32>
          %add3A_398 = arith.addi %iota3A, %add3A_397 : vector<16xi32>
          %jit3A_399 = arith.constant 32 : i32
          %eq3A_400 = arith.constant 0 : i32
          %eq3A_401 = arith.cmpi eq, %jit3A_399, %eq3A_400 : i32
          %jit3A_402 = arith.constant 1 : i32
          %select_n3A_403 = arith.select %eq3A_401, %jit3A_402, %jit3A_399 : i32
          %rem3A_404 = vector.broadcast %select_n3A_403 : i32 to vector<16xi32>
          %rem3A_405 = arith.remsi %add3A_398, %rem3A_404 : vector<16xi32>
          %ne3A_406 = arith.constant 0 : i32
          %ne3A_407 = vector.broadcast %ne3A_406 : i32 to vector<16xi32>
          %ne3A_408 = arith.cmpi ne, %rem3A_405, %ne3A_407 : vector<16xi32>
          %lt3A_409 = arith.constant 0 : i32
          %lt3A_410 = vector.broadcast %lt3A_409 : i32 to vector<16xi32>
          %lt3A_411 = arith.cmpi slt, %rem3A_405, %lt3A_410 : vector<16xi32>
          %lt3A_412 = arith.constant 0 : i32
          %lt3A_413 = arith.cmpi slt, %select_n3A_403, %lt3A_412 : i32
          %ne3A_414 = vector.broadcast %lt3A_413 : i1 to vector<16xi1>
          %ne3A_415 = vector.broadcast %ne3A_414 : vector<16xi1> to vector<16xi1>
          %ne3A_416 = arith.xori %lt3A_411, %ne3A_415 : vector<16xi1>
          %and3A_417 = arith.andi %ne3A_416, %ne3A_408 : vector<16xi1>
          %add3A_418 = vector.broadcast %select_n3A_403 : i32 to vector<16xi32>
          %add3A_419 = arith.addi %rem3A_405, %add3A_418 : vector<16xi32>
          %select_n3A_420 = arith.select %and3A_417, %add3A_419, %rem3A_405 : vector<16xi1>, vector<16xi32>
          %gather3A_421 = tpu.vector_load_idx %arg8[%add3A_181, %select_n3A_420] : memref<512x32xf32, #tpu.memory_space<vmem>>[vector<16xi32>, vector<16xi32>], vector<16xf32>,
          %mul3A_422 = arith.mulf %gather3A_421, %get3A_186 : vector<16xf32>
          tpu.vector_store_idx %arg9[%broadcast_in_dim3A_184, %select_n3A_420, %add3A_183], %mul3A_422 : memref<2x32x256xf32, #tpu.memory_space<vmem>>[vector<16xi32>, vector<16xi32>, vector<16xi32>], vector<16xf32>,
          %add3A_423 = arith.constant 9 : i32
          %add3A_424 = vector.broadcast %add3A_423 : i32 to vector<16xi32>
          %add3A_425 = arith.addi %iota3A, %add3A_424 : vector<16xi32>
          %jit3A_426 = arith.constant 32 : i32
          %eq3A_427 = arith.constant 0 : i32
          %eq3A_428 = arith.cmpi eq, %jit3A_426, %eq3A_427 : i32
          %jit3A_429 = arith.constant 1 : i32
          %select_n3A_430 = arith.select %eq3A_428, %jit3A_429, %jit3A_426 : i32
          %rem3A_431 = vector.broadcast %select_n3A_430 : i32 to vector<16xi32>
          %rem3A_432 = arith.remsi %add3A_425, %rem3A_431 : vector<16xi32>
          %ne3A_433 = arith.constant 0 : i32
          %ne3A_434 = vector.broadcast %ne3A_433 : i32 to vector<16xi32>
          %ne3A_435 = arith.cmpi ne, %rem3A_432, %ne3A_434 : vector<16xi32>
          %lt3A_436 = arith.constant 0 : i32
          %lt3A_437 = vector.broadcast %lt3A_436 : i32 to vector<16xi32>
          %lt3A_438 = arith.cmpi slt, %rem3A_432, %lt3A_437 : vector<16xi32>
          %lt3A_439 = arith.constant 0 : i32
          %lt3A_440 = arith.cmpi slt, %select_n3A_430, %lt3A_439 : i32
          %ne3A_441 = vector.broadcast %lt3A_440 : i1 to vector<16xi1>
          %ne3A_442 = vector.broadcast %ne3A_441 : vector<16xi1> to vector<16xi1>
          %ne3A_443 = arith.xori %lt3A_438, %ne3A_442 : vector<16xi1>
          %and3A_444 = arith.andi %ne3A_443, %ne3A_435 : vector<16xi1>
          %add3A_445 = vector.broadcast %select_n3A_430 : i32 to vector<16xi32>
          %add3A_446 = arith.addi %rem3A_432, %add3A_445 : vector<16xi32>
          %select_n3A_447 = arith.select %and3A_444, %add3A_446, %rem3A_432 : vector<16xi1>, vector<16xi32>
          %gather3A_448 = tpu.vector_load_idx %arg8[%add3A_181, %select_n3A_447] : memref<512x32xf32, #tpu.memory_space<vmem>>[vector<16xi32>, vector<16xi32>], vector<16xf32>,
          %mul3A_449 = arith.mulf %gather3A_448, %get3A_186 : vector<16xf32>
          tpu.vector_store_idx %arg9[%broadcast_in_dim3A_184, %select_n3A_447, %add3A_183], %mul3A_449 : memref<2x32x256xf32, #tpu.memory_space<vmem>>[vector<16xi32>, vector<16xi32>, vector<16xi32>], vector<16xf32>,
          %add3A_450 = arith.constant 10 : i32
          %add3A_451 = vector.broadcast %add3A_450 : i32 to vector<16xi32>
          %add3A_452 = arith.addi %iota3A, %add3A_451 : vector<16xi32>
          %jit3A_453 = arith.constant 32 : i32
          %eq3A_454 = arith.constant 0 : i32
          %eq3A_455 = arith.cmpi eq, %jit3A_453, %eq3A_454 : i32
          %jit3A_456 = arith.constant 1 : i32
          %select_n3A_457 = arith.select %eq3A_455, %jit3A_456, %jit3A_453 : i32
          %rem3A_458 = vector.broadcast %select_n3A_457 : i32 to vector<16xi32>
          %rem3A_459 = arith.remsi %add3A_452, %rem3A_458 : vector<16xi32>
          %ne3A_460 = arith.constant 0 : i32
          %ne3A_461 = vector.broadcast %ne3A_460 : i32 to vector<16xi32>
          %ne3A_462 = arith.cmpi ne, %rem3A_459, %ne3A_461 : vector<16xi32>
          %lt3A_463 = arith.constant 0 : i32
          %lt3A_464 = vector.broadcast %lt3A_463 : i32 to vector<16xi32>
          %lt3A_465 = arith.cmpi slt, %rem3A_459, %lt3A_464 : vector<16xi32>
          %lt3A_466 = arith.constant 0 : i32
          %lt3A_467 = arith.cmpi slt, %select_n3A_457, %lt3A_466 : i32
          %ne3A_468 = vector.broadcast %lt3A_467 : i1 to vector<16xi1>
          %ne3A_469 = vector.broadcast %ne3A_468 : vector<16xi1> to vector<16xi1>
          %ne3A_470 = arith.xori %lt3A_465, %ne3A_469 : vector<16xi1>
          %and3A_471 = arith.andi %ne3A_470, %ne3A_462 : vector<16xi1>
          %add3A_472 = vector.broadcast %select_n3A_457 : i32 to vector<16xi32>
          %add3A_473 = arith.addi %rem3A_459, %add3A_472 : vector<16xi32>
          %select_n3A_474 = arith.select %and3A_471, %add3A_473, %rem3A_459 : vector<16xi1>, vector<16xi32>
          %gather3A_475 = tpu.vector_load_idx %arg8[%add3A_181, %select_n3A_474] : memref<512x32xf32, #tpu.memory_space<vmem>>[vector<16xi32>, vector<16xi32>], vector<16xf32>,
          %mul3A_476 = arith.mulf %gather3A_475, %get3A_186 : vector<16xf32>
          tpu.vector_store_idx %arg9[%broadcast_in_dim3A_184, %select_n3A_474, %add3A_183], %mul3A_476 : memref<2x32x256xf32, #tpu.memory_space<vmem>>[vector<16xi32>, vector<16xi32>, vector<16xi32>], vector<16xf32>,
          %add3A_477 = arith.constant 11 : i32
          %add3A_478 = vector.broadcast %add3A_477 : i32 to vector<16xi32>
          %add3A_479 = arith.addi %iota3A, %add3A_478 : vector<16xi32>
          %jit3A_480 = arith.constant 32 : i32
          %eq3A_481 = arith.constant 0 : i32
          %eq3A_482 = arith.cmpi eq, %jit3A_480, %eq3A_481 : i32
          %jit3A_483 = arith.constant 1 : i32
          %select_n3A_484 = arith.select %eq3A_482, %jit3A_483, %jit3A_480 : i32
          %rem3A_485 = vector.broadcast %select_n3A_484 : i32 to vector<16xi32>
          %rem3A_486 = arith.remsi %add3A_479, %rem3A_485 : vector<16xi32>
          %ne3A_487 = arith.constant 0 : i32
          %ne3A_488 = vector.broadcast %ne3A_487 : i32 to vector<16xi32>
          %ne3A_489 = arith.cmpi ne, %rem3A_486, %ne3A_488 : vector<16xi32>
          %lt3A_490 = arith.constant 0 : i32
          %lt3A_491 = vector.broadcast %lt3A_490 : i32 to vector<16xi32>
          %lt3A_492 = arith.cmpi slt, %rem3A_486, %lt3A_491 : vector<16xi32>
          %lt3A_493 = arith.constant 0 : i32
          %lt3A_494 = arith.cmpi slt, %select_n3A_484, %lt3A_493 : i32
          %ne3A_495 = vector.broadcast %lt3A_494 : i1 to vector<16xi1>
          %ne3A_496 = vector.broadcast %ne3A_495 : vector<16xi1> to vector<16xi1>
          %ne3A_497 = arith.xori %lt3A_492, %ne3A_496 : vector<16xi1>
          %and3A_498 = arith.andi %ne3A_497, %ne3A_489 : vector<16xi1>
          %add3A_499 = vector.broadcast %select_n3A_484 : i32 to vector<16xi32>
          %add3A_500 = arith.addi %rem3A_486, %add3A_499 : vector<16xi32>
          %select_n3A_501 = arith.select %and3A_498, %add3A_500, %rem3A_486 : vector<16xi1>, vector<16xi32>
          %gather3A_502 = tpu.vector_load_idx %arg8[%add3A_181, %select_n3A_501] : memref<512x32xf32, #tpu.memory_space<vmem>>[vector<16xi32>, vector<16xi32>], vector<16xf32>,
          %mul3A_503 = arith.mulf %gather3A_502, %get3A_186 : vector<16xf32>
          tpu.vector_store_idx %arg9[%broadcast_in_dim3A_184, %select_n3A_501, %add3A_183], %mul3A_503 : memref<2x32x256xf32, #tpu.memory_space<vmem>>[vector<16xi32>, vector<16xi32>, vector<16xi32>], vector<16xf32>,
          %add3A_504 = arith.constant 12 : i32
          %add3A_505 = vector.broadcast %add3A_504 : i32 to vector<16xi32>
          %add3A_506 = arith.addi %iota3A, %add3A_505 : vector<16xi32>
          %jit3A_507 = arith.constant 32 : i32
          %eq3A_508 = arith.constant 0 : i32
          %eq3A_509 = arith.cmpi eq, %jit3A_507, %eq3A_508 : i32
          %jit3A_510 = arith.constant 1 : i32
          %select_n3A_511 = arith.select %eq3A_509, %jit3A_510, %jit3A_507 : i32
          %rem3A_512 = vector.broadcast %select_n3A_511 : i32 to vector<16xi32>
          %rem3A_513 = arith.remsi %add3A_506, %rem3A_512 : vector<16xi32>
          %ne3A_514 = arith.constant 0 : i32
          %ne3A_515 = vector.broadcast %ne3A_514 : i32 to vector<16xi32>
          %ne3A_516 = arith.cmpi ne, %rem3A_513, %ne3A_515 : vector<16xi32>
          %lt3A_517 = arith.constant 0 : i32
          %lt3A_518 = vector.broadcast %lt3A_517 : i32 to vector<16xi32>
          %lt3A_519 = arith.cmpi slt, %rem3A_513, %lt3A_518 : vector<16xi32>
          %lt3A_520 = arith.constant 0 : i32
          %lt3A_521 = arith.cmpi slt, %select_n3A_511, %lt3A_520 : i32
          %ne3A_522 = vector.broadcast %lt3A_521 : i1 to vector<16xi1>
          %ne3A_523 = vector.broadcast %ne3A_522 : vector<16xi1> to vector<16xi1>
          %ne3A_524 = arith.xori %lt3A_519, %ne3A_523 : vector<16xi1>
          %and3A_525 = arith.andi %ne3A_524, %ne3A_516 : vector<16xi1>
          %add3A_526 = vector.broadcast %select_n3A_511 : i32 to vector<16xi32>
          %add3A_527 = arith.addi %rem3A_513, %add3A_526 : vector<16xi32>
          %select_n3A_528 = arith.select %and3A_525, %add3A_527, %rem3A_513 : vector<16xi1>, vector<16xi32>
          %gather3A_529 = tpu.vector_load_idx %arg8[%add3A_181, %select_n3A_528] : memref<512x32xf32, #tpu.memory_space<vmem>>[vector<16xi32>, vector<16xi32>], vector<16xf32>,
          %mul3A_530 = arith.mulf %gather3A_529, %get3A_186 : vector<16xf32>
          tpu.vector_store_idx %arg9[%broadcast_in_dim3A_184, %select_n3A_528, %add3A_183], %mul3A_530 : memref<2x32x256xf32, #tpu.memory_space<vmem>>[vector<16xi32>, vector<16xi32>, vector<16xi32>], vector<16xf32>,
          %add3A_531 = arith.constant 13 : i32
          %add3A_532 = vector.broadcast %add3A_531 : i32 to vector<16xi32>
          %add3A_533 = arith.addi %iota3A, %add3A_532 : vector<16xi32>
          %jit3A_534 = arith.constant 32 : i32
          %eq3A_535 = arith.constant 0 : i32
          %eq3A_536 = arith.cmpi eq, %jit3A_534, %eq3A_535 : i32
          %jit3A_537 = arith.constant 1 : i32
          %select_n3A_538 = arith.select %eq3A_536, %jit3A_537, %jit3A_534 : i32
          %rem3A_539 = vector.broadcast %select_n3A_538 : i32 to vector<16xi32>
          %rem3A_540 = arith.remsi %add3A_533, %rem3A_539 : vector<16xi32>
          %ne3A_541 = arith.constant 0 : i32
          %ne3A_542 = vector.broadcast %ne3A_541 : i32 to vector<16xi32>
          %ne3A_543 = arith.cmpi ne, %rem3A_540, %ne3A_542 : vector<16xi32>
          %lt3A_544 = arith.constant 0 : i32
          %lt3A_545 = vector.broadcast %lt3A_544 : i32 to vector<16xi32>
          %lt3A_546 = arith.cmpi slt, %rem3A_540, %lt3A_545 : vector<16xi32>
          %lt3A_547 = arith.constant 0 : i32
          %lt3A_548 = arith.cmpi slt, %select_n3A_538, %lt3A_547 : i32
          %ne3A_549 = vector.broadcast %lt3A_548 : i1 to vector<16xi1>
          %ne3A_550 = vector.broadcast %ne3A_549 : vector<16xi1> to vector<16xi1>
          %ne3A_551 = arith.xori %lt3A_546, %ne3A_550 : vector<16xi1>
          %and3A_552 = arith.andi %ne3A_551, %ne3A_543 : vector<16xi1>
          %add3A_553 = vector.broadcast %select_n3A_538 : i32 to vector<16xi32>
          %add3A_554 = arith.addi %rem3A_540, %add3A_553 : vector<16xi32>
          %select_n3A_555 = arith.select %and3A_552, %add3A_554, %rem3A_540 : vector<16xi1>, vector<16xi32>
          %gather3A_556 = tpu.vector_load_idx %arg8[%add3A_181, %select_n3A_555] : memref<512x32xf32, #tpu.memory_space<vmem>>[vector<16xi32>, vector<16xi32>], vector<16xf32>,
          %mul3A_557 = arith.mulf %gather3A_556, %get3A_186 : vector<16xf32>
          tpu.vector_store_idx %arg9[%broadcast_in_dim3A_184, %select_n3A_555, %add3A_183], %mul3A_557 : memref<2x32x256xf32, #tpu.memory_space<vmem>>[vector<16xi32>, vector<16xi32>, vector<16xi32>], vector<16xf32>,
          %add3A_558 = arith.constant 14 : i32
          %add3A_559 = vector.broadcast %add3A_558 : i32 to vector<16xi32>
          %add3A_560 = arith.addi %iota3A, %add3A_559 : vector<16xi32>
          %jit3A_561 = arith.constant 32 : i32
          %eq3A_562 = arith.constant 0 : i32
          %eq3A_563 = arith.cmpi eq, %jit3A_561, %eq3A_562 : i32
          %jit3A_564 = arith.constant 1 : i32
          %select_n3A_565 = arith.select %eq3A_563, %jit3A_564, %jit3A_561 : i32
          %rem3A_566 = vector.broadcast %select_n3A_565 : i32 to vector<16xi32>
          %rem3A_567 = arith.remsi %add3A_560, %rem3A_566 : vector<16xi32>
          %ne3A_568 = arith.constant 0 : i32
          %ne3A_569 = vector.broadcast %ne3A_568 : i32 to vector<16xi32>
          %ne3A_570 = arith.cmpi ne, %rem3A_567, %ne3A_569 : vector<16xi32>
          %lt3A_571 = arith.constant 0 : i32
          %lt3A_572 = vector.broadcast %lt3A_571 : i32 to vector<16xi32>
          %lt3A_573 = arith.cmpi slt, %rem3A_567, %lt3A_572 : vector<16xi32>
          %lt3A_574 = arith.constant 0 : i32
          %lt3A_575 = arith.cmpi slt, %select_n3A_565, %lt3A_574 : i32
          %ne3A_576 = vector.broadcast %lt3A_575 : i1 to vector<16xi1>
          %ne3A_577 = vector.broadcast %ne3A_576 : vector<16xi1> to vector<16xi1>
          %ne3A_578 = arith.xori %lt3A_573, %ne3A_577 : vector<16xi1>
          %and3A_579 = arith.andi %ne3A_578, %ne3A_570 : vector<16xi1>
          %add3A_580 = vector.broadcast %select_n3A_565 : i32 to vector<16xi32>
          %add3A_581 = arith.addi %rem3A_567, %add3A_580 : vector<16xi32>
          %select_n3A_582 = arith.select %and3A_579, %add3A_581, %rem3A_567 : vector<16xi1>, vector<16xi32>
          %gather3A_583 = tpu.vector_load_idx %arg8[%add3A_181, %select_n3A_582] : memref<512x32xf32, #tpu.memory_space<vmem>>[vector<16xi32>, vector<16xi32>], vector<16xf32>,
          %mul3A_584 = arith.mulf %gather3A_583, %get3A_186 : vector<16xf32>
          tpu.vector_store_idx %arg9[%broadcast_in_dim3A_184, %select_n3A_582, %add3A_183], %mul3A_584 : memref<2x32x256xf32, #tpu.memory_space<vmem>>[vector<16xi32>, vector<16xi32>, vector<16xi32>], vector<16xf32>,
          %add3A_585 = arith.constant 15 : i32
          %add3A_586 = vector.broadcast %add3A_585 : i32 to vector<16xi32>
          %add3A_587 = arith.addi %iota3A, %add3A_586 : vector<16xi32>
          %jit3A_588 = arith.constant 32 : i32
          %eq3A_589 = arith.constant 0 : i32
          %eq3A_590 = arith.cmpi eq, %jit3A_588, %eq3A_589 : i32
          %jit3A_591 = arith.constant 1 : i32
          %select_n3A_592 = arith.select %eq3A_590, %jit3A_591, %jit3A_588 : i32
          %rem3A_593 = vector.broadcast %select_n3A_592 : i32 to vector<16xi32>
          %rem3A_594 = arith.remsi %add3A_587, %rem3A_593 : vector<16xi32>
          %ne3A_595 = arith.constant 0 : i32
          %ne3A_596 = vector.broadcast %ne3A_595 : i32 to vector<16xi32>
          %ne3A_597 = arith.cmpi ne, %rem3A_594, %ne3A_596 : vector<16xi32>
          %lt3A_598 = arith.constant 0 : i32
          %lt3A_599 = vector.broadcast %lt3A_598 : i32 to vector<16xi32>
          %lt3A_600 = arith.cmpi slt, %rem3A_594, %lt3A_599 : vector<16xi32>
          %lt3A_601 = arith.constant 0 : i32
          %lt3A_602 = arith.cmpi slt, %select_n3A_592, %lt3A_601 : i32
          %ne3A_603 = vector.broadcast %lt3A_602 : i1 to vector<16xi1>
          %ne3A_604 = vector.broadcast %ne3A_603 : vector<16xi1> to vector<16xi1>
          %ne3A_605 = arith.xori %lt3A_600, %ne3A_604 : vector<16xi1>
          %and3A_606 = arith.andi %ne3A_605, %ne3A_597 : vector<16xi1>
          %add3A_607 = vector.broadcast %select_n3A_592 : i32 to vector<16xi32>
          %add3A_608 = arith.addi %rem3A_594, %add3A_607 : vector<16xi32>
          %select_n3A_609 = arith.select %and3A_606, %add3A_608, %rem3A_594 : vector<16xi1>, vector<16xi32>
          %gather3A_610 = tpu.vector_load_idx %arg8[%add3A_181, %select_n3A_609] : memref<512x32xf32, #tpu.memory_space<vmem>>[vector<16xi32>, vector<16xi32>], vector<16xf32>,
          %mul3A_611 = arith.mulf %gather3A_610, %get3A_186 : vector<16xf32>
          tpu.vector_store_idx %arg9[%broadcast_in_dim3A_184, %select_n3A_609, %add3A_183], %mul3A_611 : memref<2x32x256xf32, #tpu.memory_space<vmem>>[vector<16xi32>, vector<16xi32>, vector<16xi32>], vector<16xf32>,
          %add3A_612 = arith.constant 16 : i32
          %add3A_613 = vector.broadcast %add3A_612 : i32 to vector<16xi32>
          %add3A_614 = arith.addi %iota3A, %add3A_613 : vector<16xi32>
          %jit3A_615 = arith.constant 32 : i32
          %eq3A_616 = arith.constant 0 : i32
          %eq3A_617 = arith.cmpi eq, %jit3A_615, %eq3A_616 : i32
          %jit3A_618 = arith.constant 1 : i32
          %select_n3A_619 = arith.select %eq3A_617, %jit3A_618, %jit3A_615 : i32
          %rem3A_620 = vector.broadcast %select_n3A_619 : i32 to vector<16xi32>
          %rem3A_621 = arith.remsi %add3A_614, %rem3A_620 : vector<16xi32>
          %ne3A_622 = arith.constant 0 : i32
          %ne3A_623 = vector.broadcast %ne3A_622 : i32 to vector<16xi32>
          %ne3A_624 = arith.cmpi ne, %rem3A_621, %ne3A_623 : vector<16xi32>
          %lt3A_625 = arith.constant 0 : i32
          %lt3A_626 = vector.broadcast %lt3A_625 : i32 to vector<16xi32>
          %lt3A_627 = arith.cmpi slt, %rem3A_621, %lt3A_626 : vector<16xi32>
          %lt3A_628 = arith.constant 0 : i32
          %lt3A_629 = arith.cmpi slt, %select_n3A_619, %lt3A_628 : i32
          %ne3A_630 = vector.broadcast %lt3A_629 : i1 to vector<16xi1>
          %ne3A_631 = vector.broadcast %ne3A_630 : vector<16xi1> to vector<16xi1>
          %ne3A_632 = arith.xori %lt3A_627, %ne3A_631 : vector<16xi1>
          %and3A_633 = arith.andi %ne3A_632, %ne3A_624 : vector<16xi1>
          %add3A_634 = vector.broadcast %select_n3A_619 : i32 to vector<16xi32>
          %add3A_635 = arith.addi %rem3A_621, %add3A_634 : vector<16xi32>
          %select_n3A_636 = arith.select %and3A_633, %add3A_635, %rem3A_621 : vector<16xi1>, vector<16xi32>
          %gather3A_637 = tpu.vector_load_idx %arg8[%add3A_181, %select_n3A_636] : memref<512x32xf32, #tpu.memory_space<vmem>>[vector<16xi32>, vector<16xi32>], vector<16xf32>,
          %mul3A_638 = arith.mulf %gather3A_637, %get3A_186 : vector<16xf32>
          tpu.vector_store_idx %arg9[%broadcast_in_dim3A_184, %select_n3A_636, %add3A_183], %mul3A_638 : memref<2x32x256xf32, #tpu.memory_space<vmem>>[vector<16xi32>, vector<16xi32>, vector<16xi32>], vector<16xf32>,
          %add3A_639 = arith.constant 17 : i32
          %add3A_640 = vector.broadcast %add3A_639 : i32 to vector<16xi32>
          %add3A_641 = arith.addi %iota3A, %add3A_640 : vector<16xi32>
          %jit3A_642 = arith.constant 32 : i32
          %eq3A_643 = arith.constant 0 : i32
          %eq3A_644 = arith.cmpi eq, %jit3A_642, %eq3A_643 : i32
          %jit3A_645 = arith.constant 1 : i32
          %select_n3A_646 = arith.select %eq3A_644, %jit3A_645, %jit3A_642 : i32
          %rem3A_647 = vector.broadcast %select_n3A_646 : i32 to vector<16xi32>
          %rem3A_648 = arith.remsi %add3A_641, %rem3A_647 : vector<16xi32>
          %ne3A_649 = arith.constant 0 : i32
          %ne3A_650 = vector.broadcast %ne3A_649 : i32 to vector<16xi32>
          %ne3A_651 = arith.cmpi ne, %rem3A_648, %ne3A_650 : vector<16xi32>
          %lt3A_652 = arith.constant 0 : i32
          %lt3A_653 = vector.broadcast %lt3A_652 : i32 to vector<16xi32>
          %lt3A_654 = arith.cmpi slt, %rem3A_648, %lt3A_653 : vector<16xi32>
          %lt3A_655 = arith.constant 0 : i32
          %lt3A_656 = arith.cmpi slt, %select_n3A_646, %lt3A_655 : i32
          %ne3A_657 = vector.broadcast %lt3A_656 : i1 to vector<16xi1>
          %ne3A_658 = vector.broadcast %ne3A_657 : vector<16xi1> to vector<16xi1>
          %ne3A_659 = arith.xori %lt3A_654, %ne3A_658 : vector<16xi1>
          %and3A_660 = arith.andi %ne3A_659, %ne3A_651 : vector<16xi1>
          %add3A_661 = vector.broadcast %select_n3A_646 : i32 to vector<16xi32>
          %add3A_662 = arith.addi %rem3A_648, %add3A_661 : vector<16xi32>
          %select_n3A_663 = arith.select %and3A_660, %add3A_662, %rem3A_648 : vector<16xi1>, vector<16xi32>
          %gather3A_664 = tpu.vector_load_idx %arg8[%add3A_181, %select_n3A_663] : memref<512x32xf32, #tpu.memory_space<vmem>>[vector<16xi32>, vector<16xi32>], vector<16xf32>,
          %mul3A_665 = arith.mulf %gather3A_664, %get3A_186 : vector<16xf32>
          tpu.vector_store_idx %arg9[%broadcast_in_dim3A_184, %select_n3A_663, %add3A_183], %mul3A_665 : memref<2x32x256xf32, #tpu.memory_space<vmem>>[vector<16xi32>, vector<16xi32>, vector<16xi32>], vector<16xf32>,
          %add3A_666 = arith.constant 18 : i32
          %add3A_667 = vector.broadcast %add3A_666 : i32 to vector<16xi32>
          %add3A_668 = arith.addi %iota3A, %add3A_667 : vector<16xi32>
          %jit3A_669 = arith.constant 32 : i32
          %eq3A_670 = arith.constant 0 : i32
          %eq3A_671 = arith.cmpi eq, %jit3A_669, %eq3A_670 : i32
          %jit3A_672 = arith.constant 1 : i32
          %select_n3A_673 = arith.select %eq3A_671, %jit3A_672, %jit3A_669 : i32
          %rem3A_674 = vector.broadcast %select_n3A_673 : i32 to vector<16xi32>
          %rem3A_675 = arith.remsi %add3A_668, %rem3A_674 : vector<16xi32>
          %ne3A_676 = arith.constant 0 : i32
          %ne3A_677 = vector.broadcast %ne3A_676 : i32 to vector<16xi32>
          %ne3A_678 = arith.cmpi ne, %rem3A_675, %ne3A_677 : vector<16xi32>
          %lt3A_679 = arith.constant 0 : i32
          %lt3A_680 = vector.broadcast %lt3A_679 : i32 to vector<16xi32>
          %lt3A_681 = arith.cmpi slt, %rem3A_675, %lt3A_680 : vector<16xi32>
          %lt3A_682 = arith.constant 0 : i32
          %lt3A_683 = arith.cmpi slt, %select_n3A_673, %lt3A_682 : i32
          %ne3A_684 = vector.broadcast %lt3A_683 : i1 to vector<16xi1>
          %ne3A_685 = vector.broadcast %ne3A_684 : vector<16xi1> to vector<16xi1>
          %ne3A_686 = arith.xori %lt3A_681, %ne3A_685 : vector<16xi1>
          %and3A_687 = arith.andi %ne3A_686, %ne3A_678 : vector<16xi1>
          %add3A_688 = vector.broadcast %select_n3A_673 : i32 to vector<16xi32>
          %add3A_689 = arith.addi %rem3A_675, %add3A_688 : vector<16xi32>
          %select_n3A_690 = arith.select %and3A_687, %add3A_689, %rem3A_675 : vector<16xi1>, vector<16xi32>
          %gather3A_691 = tpu.vector_load_idx %arg8[%add3A_181, %select_n3A_690] : memref<512x32xf32, #tpu.memory_space<vmem>>[vector<16xi32>, vector<16xi32>], vector<16xf32>,
          %mul3A_692 = arith.mulf %gather3A_691, %get3A_186 : vector<16xf32>
          tpu.vector_store_idx %arg9[%broadcast_in_dim3A_184, %select_n3A_690, %add3A_183], %mul3A_692 : memref<2x32x256xf32, #tpu.memory_space<vmem>>[vector<16xi32>, vector<16xi32>, vector<16xi32>], vector<16xf32>,
          %add3A_693 = arith.constant 19 : i32
          %add3A_694 = vector.broadcast %add3A_693 : i32 to vector<16xi32>
          %add3A_695 = arith.addi %iota3A, %add3A_694 : vector<16xi32>
          %jit3A_696 = arith.constant 32 : i32
          %eq3A_697 = arith.constant 0 : i32
          %eq3A_698 = arith.cmpi eq, %jit3A_696, %eq3A_697 : i32
          %jit3A_699 = arith.constant 1 : i32
          %select_n3A_700 = arith.select %eq3A_698, %jit3A_699, %jit3A_696 : i32
          %rem3A_701 = vector.broadcast %select_n3A_700 : i32 to vector<16xi32>
          %rem3A_702 = arith.remsi %add3A_695, %rem3A_701 : vector<16xi32>
          %ne3A_703 = arith.constant 0 : i32
          %ne3A_704 = vector.broadcast %ne3A_703 : i32 to vector<16xi32>
          %ne3A_705 = arith.cmpi ne, %rem3A_702, %ne3A_704 : vector<16xi32>
          %lt3A_706 = arith.constant 0 : i32
          %lt3A_707 = vector.broadcast %lt3A_706 : i32 to vector<16xi32>
          %lt3A_708 = arith.cmpi slt, %rem3A_702, %lt3A_707 : vector<16xi32>
          %lt3A_709 = arith.constant 0 : i32
          %lt3A_710 = arith.cmpi slt, %select_n3A_700, %lt3A_709 : i32
          %ne3A_711 = vector.broadcast %lt3A_710 : i1 to vector<16xi1>
          %ne3A_712 = vector.broadcast %ne3A_711 : vector<16xi1> to vector<16xi1>
          %ne3A_713 = arith.xori %lt3A_708, %ne3A_712 : vector<16xi1>
          %and3A_714 = arith.andi %ne3A_713, %ne3A_705 : vector<16xi1>
          %add3A_715 = vector.broadcast %select_n3A_700 : i32 to vector<16xi32>
          %add3A_716 = arith.addi %rem3A_702, %add3A_715 : vector<16xi32>
          %select_n3A_717 = arith.select %and3A_714, %add3A_716, %rem3A_702 : vector<16xi1>, vector<16xi32>
          %gather3A_718 = tpu.vector_load_idx %arg8[%add3A_181, %select_n3A_717] : memref<512x32xf32, #tpu.memory_space<vmem>>[vector<16xi32>, vector<16xi32>], vector<16xf32>,
          %mul3A_719 = arith.mulf %gather3A_718, %get3A_186 : vector<16xf32>
          tpu.vector_store_idx %arg9[%broadcast_in_dim3A_184, %select_n3A_717, %add3A_183], %mul3A_719 : memref<2x32x256xf32, #tpu.memory_space<vmem>>[vector<16xi32>, vector<16xi32>, vector<16xi32>], vector<16xf32>,
          %add3A_720 = arith.constant 20 : i32
          %add3A_721 = vector.broadcast %add3A_720 : i32 to vector<16xi32>
          %add3A_722 = arith.addi %iota3A, %add3A_721 : vector<16xi32>
          %jit3A_723 = arith.constant 32 : i32
          %eq3A_724 = arith.constant 0 : i32
          %eq3A_725 = arith.cmpi eq, %jit3A_723, %eq3A_724 : i32
          %jit3A_726 = arith.constant 1 : i32
          %select_n3A_727 = arith.select %eq3A_725, %jit3A_726, %jit3A_723 : i32
          %rem3A_728 = vector.broadcast %select_n3A_727 : i32 to vector<16xi32>
          %rem3A_729 = arith.remsi %add3A_722, %rem3A_728 : vector<16xi32>
          %ne3A_730 = arith.constant 0 : i32
          %ne3A_731 = vector.broadcast %ne3A_730 : i32 to vector<16xi32>
          %ne3A_732 = arith.cmpi ne, %rem3A_729, %ne3A_731 : vector<16xi32>
          %lt3A_733 = arith.constant 0 : i32
          %lt3A_734 = vector.broadcast %lt3A_733 : i32 to vector<16xi32>
          %lt3A_735 = arith.cmpi slt, %rem3A_729, %lt3A_734 : vector<16xi32>
          %lt3A_736 = arith.constant 0 : i32
          %lt3A_737 = arith.cmpi slt, %select_n3A_727, %lt3A_736 : i32
          %ne3A_738 = vector.broadcast %lt3A_737 : i1 to vector<16xi1>
          %ne3A_739 = vector.broadcast %ne3A_738 : vector<16xi1> to vector<16xi1>
          %ne3A_740 = arith.xori %lt3A_735, %ne3A_739 : vector<16xi1>
          %and3A_741 = arith.andi %ne3A_740, %ne3A_732 : vector<16xi1>
          %add3A_742 = vector.broadcast %select_n3A_727 : i32 to vector<16xi32>
          %add3A_743 = arith.addi %rem3A_729, %add3A_742 : vector<16xi32>
          %select_n3A_744 = arith.select %and3A_741, %add3A_743, %rem3A_729 : vector<16xi1>, vector<16xi32>
          %gather3A_745 = tpu.vector_load_idx %arg8[%add3A_181, %select_n3A_744] : memref<512x32xf32, #tpu.memory_space<vmem>>[vector<16xi32>, vector<16xi32>], vector<16xf32>,
          %mul3A_746 = arith.mulf %gather3A_745, %get3A_186 : vector<16xf32>
          tpu.vector_store_idx %arg9[%broadcast_in_dim3A_184, %select_n3A_744, %add3A_183], %mul3A_746 : memref<2x32x256xf32, #tpu.memory_space<vmem>>[vector<16xi32>, vector<16xi32>, vector<16xi32>], vector<16xf32>,
          %add3A_747 = arith.constant 21 : i32
          %add3A_748 = vector.broadcast %add3A_747 : i32 to vector<16xi32>
          %add3A_749 = arith.addi %iota3A, %add3A_748 : vector<16xi32>
          %jit3A_750 = arith.constant 32 : i32
          %eq3A_751 = arith.constant 0 : i32
          %eq3A_752 = arith.cmpi eq, %jit3A_750, %eq3A_751 : i32
          %jit3A_753 = arith.constant 1 : i32
          %select_n3A_754 = arith.select %eq3A_752, %jit3A_753, %jit3A_750 : i32
          %rem3A_755 = vector.broadcast %select_n3A_754 : i32 to vector<16xi32>
          %rem3A_756 = arith.remsi %add3A_749, %rem3A_755 : vector<16xi32>
          %ne3A_757 = arith.constant 0 : i32
          %ne3A_758 = vector.broadcast %ne3A_757 : i32 to vector<16xi32>
          %ne3A_759 = arith.cmpi ne, %rem3A_756, %ne3A_758 : vector<16xi32>
          %lt3A_760 = arith.constant 0 : i32
          %lt3A_761 = vector.broadcast %lt3A_760 : i32 to vector<16xi32>
          %lt3A_762 = arith.cmpi slt, %rem3A_756, %lt3A_761 : vector<16xi32>
          %lt3A_763 = arith.constant 0 : i32
          %lt3A_764 = arith.cmpi slt, %select_n3A_754, %lt3A_763 : i32
          %ne3A_765 = vector.broadcast %lt3A_764 : i1 to vector<16xi1>
          %ne3A_766 = vector.broadcast %ne3A_765 : vector<16xi1> to vector<16xi1>
          %ne3A_767 = arith.xori %lt3A_762, %ne3A_766 : vector<16xi1>
          %and3A_768 = arith.andi %ne3A_767, %ne3A_759 : vector<16xi1>
          %add3A_769 = vector.broadcast %select_n3A_754 : i32 to vector<16xi32>
          %add3A_770 = arith.addi %rem3A_756, %add3A_769 : vector<16xi32>
          %select_n3A_771 = arith.select %and3A_768, %add3A_770, %rem3A_756 : vector<16xi1>, vector<16xi32>
          %gather3A_772 = tpu.vector_load_idx %arg8[%add3A_181, %select_n3A_771] : memref<512x32xf32, #tpu.memory_space<vmem>>[vector<16xi32>, vector<16xi32>], vector<16xf32>,
          %mul3A_773 = arith.mulf %gather3A_772, %get3A_186 : vector<16xf32>
          tpu.vector_store_idx %arg9[%broadcast_in_dim3A_184, %select_n3A_771, %add3A_183], %mul3A_773 : memref<2x32x256xf32, #tpu.memory_space<vmem>>[vector<16xi32>, vector<16xi32>, vector<16xi32>], vector<16xf32>,
          %add3A_774 = arith.constant 22 : i32
          %add3A_775 = vector.broadcast %add3A_774 : i32 to vector<16xi32>
          %add3A_776 = arith.addi %iota3A, %add3A_775 : vector<16xi32>
          %jit3A_777 = arith.constant 32 : i32
          %eq3A_778 = arith.constant 0 : i32
          %eq3A_779 = arith.cmpi eq, %jit3A_777, %eq3A_778 : i32
          %jit3A_780 = arith.constant 1 : i32
          %select_n3A_781 = arith.select %eq3A_779, %jit3A_780, %jit3A_777 : i32
          %rem3A_782 = vector.broadcast %select_n3A_781 : i32 to vector<16xi32>
          %rem3A_783 = arith.remsi %add3A_776, %rem3A_782 : vector<16xi32>
          %ne3A_784 = arith.constant 0 : i32
          %ne3A_785 = vector.broadcast %ne3A_784 : i32 to vector<16xi32>
          %ne3A_786 = arith.cmpi ne, %rem3A_783, %ne3A_785 : vector<16xi32>
          %lt3A_787 = arith.constant 0 : i32
          %lt3A_788 = vector.broadcast %lt3A_787 : i32 to vector<16xi32>
          %lt3A_789 = arith.cmpi slt, %rem3A_783, %lt3A_788 : vector<16xi32>
          %lt3A_790 = arith.constant 0 : i32
          %lt3A_791 = arith.cmpi slt, %select_n3A_781, %lt3A_790 : i32
          %ne3A_792 = vector.broadcast %lt3A_791 : i1 to vector<16xi1>
          %ne3A_793 = vector.broadcast %ne3A_792 : vector<16xi1> to vector<16xi1>
          %ne3A_794 = arith.xori %lt3A_789, %ne3A_793 : vector<16xi1>
          %and3A_795 = arith.andi %ne3A_794, %ne3A_786 : vector<16xi1>
          %add3A_796 = vector.broadcast %select_n3A_781 : i32 to vector<16xi32>
          %add3A_797 = arith.addi %rem3A_783, %add3A_796 : vector<16xi32>
          %select_n3A_798 = arith.select %and3A_795, %add3A_797, %rem3A_783 : vector<16xi1>, vector<16xi32>
          %gather3A_799 = tpu.vector_load_idx %arg8[%add3A_181, %select_n3A_798] : memref<512x32xf32, #tpu.memory_space<vmem>>[vector<16xi32>, vector<16xi32>], vector<16xf32>,
          %mul3A_800 = arith.mulf %gather3A_799, %get3A_186 : vector<16xf32>
          tpu.vector_store_idx %arg9[%broadcast_in_dim3A_184, %select_n3A_798, %add3A_183], %mul3A_800 : memref<2x32x256xf32, #tpu.memory_space<vmem>>[vector<16xi32>, vector<16xi32>, vector<16xi32>], vector<16xf32>,
          %add3A_801 = arith.constant 23 : i32
          %add3A_802 = vector.broadcast %add3A_801 : i32 to vector<16xi32>
          %add3A_803 = arith.addi %iota3A, %add3A_802 : vector<16xi32>
          %jit3A_804 = arith.constant 32 : i32
          %eq3A_805 = arith.constant 0 : i32
          %eq3A_806 = arith.cmpi eq, %jit3A_804, %eq3A_805 : i32
          %jit3A_807 = arith.constant 1 : i32
          %select_n3A_808 = arith.select %eq3A_806, %jit3A_807, %jit3A_804 : i32
          %rem3A_809 = vector.broadcast %select_n3A_808 : i32 to vector<16xi32>
          %rem3A_810 = arith.remsi %add3A_803, %rem3A_809 : vector<16xi32>
          %ne3A_811 = arith.constant 0 : i32
          %ne3A_812 = vector.broadcast %ne3A_811 : i32 to vector<16xi32>
          %ne3A_813 = arith.cmpi ne, %rem3A_810, %ne3A_812 : vector<16xi32>
          %lt3A_814 = arith.constant 0 : i32
          %lt3A_815 = vector.broadcast %lt3A_814 : i32 to vector<16xi32>
          %lt3A_816 = arith.cmpi slt, %rem3A_810, %lt3A_815 : vector<16xi32>
          %lt3A_817 = arith.constant 0 : i32
          %lt3A_818 = arith.cmpi slt, %select_n3A_808, %lt3A_817 : i32
          %ne3A_819 = vector.broadcast %lt3A_818 : i1 to vector<16xi1>
          %ne3A_820 = vector.broadcast %ne3A_819 : vector<16xi1> to vector<16xi1>
          %ne3A_821 = arith.xori %lt3A_816, %ne3A_820 : vector<16xi1>
          %and3A_822 = arith.andi %ne3A_821, %ne3A_813 : vector<16xi1>
          %add3A_823 = vector.broadcast %select_n3A_808 : i32 to vector<16xi32>
          %add3A_824 = arith.addi %rem3A_810, %add3A_823 : vector<16xi32>
          %select_n3A_825 = arith.select %and3A_822, %add3A_824, %rem3A_810 : vector<16xi1>, vector<16xi32>
          %gather3A_826 = tpu.vector_load_idx %arg8[%add3A_181, %select_n3A_825] : memref<512x32xf32, #tpu.memory_space<vmem>>[vector<16xi32>, vector<16xi32>], vector<16xf32>,
          %mul3A_827 = arith.mulf %gather3A_826, %get3A_186 : vector<16xf32>
          tpu.vector_store_idx %arg9[%broadcast_in_dim3A_184, %select_n3A_825, %add3A_183], %mul3A_827 : memref<2x32x256xf32, #tpu.memory_space<vmem>>[vector<16xi32>, vector<16xi32>, vector<16xi32>], vector<16xf32>,
          %add3A_828 = arith.constant 24 : i32
          %add3A_829 = vector.broadcast %add3A_828 : i32 to vector<16xi32>
          %add3A_830 = arith.addi %iota3A, %add3A_829 : vector<16xi32>
          %jit3A_831 = arith.constant 32 : i32
          %eq3A_832 = arith.constant 0 : i32
          %eq3A_833 = arith.cmpi eq, %jit3A_831, %eq3A_832 : i32
          %jit3A_834 = arith.constant 1 : i32
          %select_n3A_835 = arith.select %eq3A_833, %jit3A_834, %jit3A_831 : i32
          %rem3A_836 = vector.broadcast %select_n3A_835 : i32 to vector<16xi32>
          %rem3A_837 = arith.remsi %add3A_830, %rem3A_836 : vector<16xi32>
          %ne3A_838 = arith.constant 0 : i32
          %ne3A_839 = vector.broadcast %ne3A_838 : i32 to vector<16xi32>
          %ne3A_840 = arith.cmpi ne, %rem3A_837, %ne3A_839 : vector<16xi32>
          %lt3A_841 = arith.constant 0 : i32
          %lt3A_842 = vector.broadcast %lt3A_841 : i32 to vector<16xi32>
          %lt3A_843 = arith.cmpi slt, %rem3A_837, %lt3A_842 : vector<16xi32>
          %lt3A_844 = arith.constant 0 : i32
          %lt3A_845 = arith.cmpi slt, %select_n3A_835, %lt3A_844 : i32
          %ne3A_846 = vector.broadcast %lt3A_845 : i1 to vector<16xi1>
          %ne3A_847 = vector.broadcast %ne3A_846 : vector<16xi1> to vector<16xi1>
          %ne3A_848 = arith.xori %lt3A_843, %ne3A_847 : vector<16xi1>
          %and3A_849 = arith.andi %ne3A_848, %ne3A_840 : vector<16xi1>
          %add3A_850 = vector.broadcast %select_n3A_835 : i32 to vector<16xi32>
          %add3A_851 = arith.addi %rem3A_837, %add3A_850 : vector<16xi32>
          %select_n3A_852 = arith.select %and3A_849, %add3A_851, %rem3A_837 : vector<16xi1>, vector<16xi32>
          %gather3A_853 = tpu.vector_load_idx %arg8[%add3A_181, %select_n3A_852] : memref<512x32xf32, #tpu.memory_space<vmem>>[vector<16xi32>, vector<16xi32>], vector<16xf32>,
          %mul3A_854 = arith.mulf %gather3A_853, %get3A_186 : vector<16xf32>
          tpu.vector_store_idx %arg9[%broadcast_in_dim3A_184, %select_n3A_852, %add3A_183], %mul3A_854 : memref<2x32x256xf32, #tpu.memory_space<vmem>>[vector<16xi32>, vector<16xi32>, vector<16xi32>], vector<16xf32>,
          %add3A_855 = arith.constant 25 : i32
          %add3A_856 = vector.broadcast %add3A_855 : i32 to vector<16xi32>
          %add3A_857 = arith.addi %iota3A, %add3A_856 : vector<16xi32>
          %jit3A_858 = arith.constant 32 : i32
          %eq3A_859 = arith.constant 0 : i32
          %eq3A_860 = arith.cmpi eq, %jit3A_858, %eq3A_859 : i32
          %jit3A_861 = arith.constant 1 : i32
          %select_n3A_862 = arith.select %eq3A_860, %jit3A_861, %jit3A_858 : i32
          %rem3A_863 = vector.broadcast %select_n3A_862 : i32 to vector<16xi32>
          %rem3A_864 = arith.remsi %add3A_857, %rem3A_863 : vector<16xi32>
          %ne3A_865 = arith.constant 0 : i32
          %ne3A_866 = vector.broadcast %ne3A_865 : i32 to vector<16xi32>
          %ne3A_867 = arith.cmpi ne, %rem3A_864, %ne3A_866 : vector<16xi32>
          %lt3A_868 = arith.constant 0 : i32
          %lt3A_869 = vector.broadcast %lt3A_868 : i32 to vector<16xi32>
          %lt3A_870 = arith.cmpi slt, %rem3A_864, %lt3A_869 : vector<16xi32>
          %lt3A_871 = arith.constant 0 : i32
          %lt3A_872 = arith.cmpi slt, %select_n3A_862, %lt3A_871 : i32
          %ne3A_873 = vector.broadcast %lt3A_872 : i1 to vector<16xi1>
          %ne3A_874 = vector.broadcast %ne3A_873 : vector<16xi1> to vector<16xi1>
          %ne3A_875 = arith.xori %lt3A_870, %ne3A_874 : vector<16xi1>
          %and3A_876 = arith.andi %ne3A_875, %ne3A_867 : vector<16xi1>
          %add3A_877 = vector.broadcast %select_n3A_862 : i32 to vector<16xi32>
          %add3A_878 = arith.addi %rem3A_864, %add3A_877 : vector<16xi32>
          %select_n3A_879 = arith.select %and3A_876, %add3A_878, %rem3A_864 : vector<16xi1>, vector<16xi32>
          %gather3A_880 = tpu.vector_load_idx %arg8[%add3A_181, %select_n3A_879] : memref<512x32xf32, #tpu.memory_space<vmem>>[vector<16xi32>, vector<16xi32>], vector<16xf32>,
          %mul3A_881 = arith.mulf %gather3A_880, %get3A_186 : vector<16xf32>
          tpu.vector_store_idx %arg9[%broadcast_in_dim3A_184, %select_n3A_879, %add3A_183], %mul3A_881 : memref<2x32x256xf32, #tpu.memory_space<vmem>>[vector<16xi32>, vector<16xi32>, vector<16xi32>], vector<16xf32>,
          %add3A_882 = arith.constant 26 : i32
          %add3A_883 = vector.broadcast %add3A_882 : i32 to vector<16xi32>
          %add3A_884 = arith.addi %iota3A, %add3A_883 : vector<16xi32>
          %jit3A_885 = arith.constant 32 : i32
          %eq3A_886 = arith.constant 0 : i32
          %eq3A_887 = arith.cmpi eq, %jit3A_885, %eq3A_886 : i32
          %jit3A_888 = arith.constant 1 : i32
          %select_n3A_889 = arith.select %eq3A_887, %jit3A_888, %jit3A_885 : i32
          %rem3A_890 = vector.broadcast %select_n3A_889 : i32 to vector<16xi32>
          %rem3A_891 = arith.remsi %add3A_884, %rem3A_890 : vector<16xi32>
          %ne3A_892 = arith.constant 0 : i32
          %ne3A_893 = vector.broadcast %ne3A_892 : i32 to vector<16xi32>
          %ne3A_894 = arith.cmpi ne, %rem3A_891, %ne3A_893 : vector<16xi32>
          %lt3A_895 = arith.constant 0 : i32
          %lt3A_896 = vector.broadcast %lt3A_895 : i32 to vector<16xi32>
          %lt3A_897 = arith.cmpi slt, %rem3A_891, %lt3A_896 : vector<16xi32>
          %lt3A_898 = arith.constant 0 : i32
          %lt3A_899 = arith.cmpi slt, %select_n3A_889, %lt3A_898 : i32
          %ne3A_900 = vector.broadcast %lt3A_899 : i1 to vector<16xi1>
          %ne3A_901 = vector.broadcast %ne3A_900 : vector<16xi1> to vector<16xi1>
          %ne3A_902 = arith.xori %lt3A_897, %ne3A_901 : vector<16xi1>
          %and3A_903 = arith.andi %ne3A_902, %ne3A_894 : vector<16xi1>
          %add3A_904 = vector.broadcast %select_n3A_889 : i32 to vector<16xi32>
          %add3A_905 = arith.addi %rem3A_891, %add3A_904 : vector<16xi32>
          %select_n3A_906 = arith.select %and3A_903, %add3A_905, %rem3A_891 : vector<16xi1>, vector<16xi32>
          %gather3A_907 = tpu.vector_load_idx %arg8[%add3A_181, %select_n3A_906] : memref<512x32xf32, #tpu.memory_space<vmem>>[vector<16xi32>, vector<16xi32>], vector<16xf32>,
          %mul3A_908 = arith.mulf %gather3A_907, %get3A_186 : vector<16xf32>
          tpu.vector_store_idx %arg9[%broadcast_in_dim3A_184, %select_n3A_906, %add3A_183], %mul3A_908 : memref<2x32x256xf32, #tpu.memory_space<vmem>>[vector<16xi32>, vector<16xi32>, vector<16xi32>], vector<16xf32>,
          %add3A_909 = arith.constant 27 : i32
          %add3A_910 = vector.broadcast %add3A_909 : i32 to vector<16xi32>
          %add3A_911 = arith.addi %iota3A, %add3A_910 : vector<16xi32>
          %jit3A_912 = arith.constant 32 : i32
          %eq3A_913 = arith.constant 0 : i32
          %eq3A_914 = arith.cmpi eq, %jit3A_912, %eq3A_913 : i32
          %jit3A_915 = arith.constant 1 : i32
          %select_n3A_916 = arith.select %eq3A_914, %jit3A_915, %jit3A_912 : i32
          %rem3A_917 = vector.broadcast %select_n3A_916 : i32 to vector<16xi32>
          %rem3A_918 = arith.remsi %add3A_911, %rem3A_917 : vector<16xi32>
          %ne3A_919 = arith.constant 0 : i32
          %ne3A_920 = vector.broadcast %ne3A_919 : i32 to vector<16xi32>
          %ne3A_921 = arith.cmpi ne, %rem3A_918, %ne3A_920 : vector<16xi32>
          %lt3A_922 = arith.constant 0 : i32
          %lt3A_923 = vector.broadcast %lt3A_922 : i32 to vector<16xi32>
          %lt3A_924 = arith.cmpi slt, %rem3A_918, %lt3A_923 : vector<16xi32>
          %lt3A_925 = arith.constant 0 : i32
          %lt3A_926 = arith.cmpi slt, %select_n3A_916, %lt3A_925 : i32
          %ne3A_927 = vector.broadcast %lt3A_926 : i1 to vector<16xi1>
          %ne3A_928 = vector.broadcast %ne3A_927 : vector<16xi1> to vector<16xi1>
          %ne3A_929 = arith.xori %lt3A_924, %ne3A_928 : vector<16xi1>
          %and3A_930 = arith.andi %ne3A_929, %ne3A_921 : vector<16xi1>
          %add3A_931 = vector.broadcast %select_n3A_916 : i32 to vector<16xi32>
          %add3A_932 = arith.addi %rem3A_918, %add3A_931 : vector<16xi32>
          %select_n3A_933 = arith.select %and3A_930, %add3A_932, %rem3A_918 : vector<16xi1>, vector<16xi32>
          %gather3A_934 = tpu.vector_load_idx %arg8[%add3A_181, %select_n3A_933] : memref<512x32xf32, #tpu.memory_space<vmem>>[vector<16xi32>, vector<16xi32>], vector<16xf32>,
          %mul3A_935 = arith.mulf %gather3A_934, %get3A_186 : vector<16xf32>
          tpu.vector_store_idx %arg9[%broadcast_in_dim3A_184, %select_n3A_933, %add3A_183], %mul3A_935 : memref<2x32x256xf32, #tpu.memory_space<vmem>>[vector<16xi32>, vector<16xi32>, vector<16xi32>], vector<16xf32>,
          %add3A_936 = arith.constant 28 : i32
          %add3A_937 = vector.broadcast %add3A_936 : i32 to vector<16xi32>
          %add3A_938 = arith.addi %iota3A, %add3A_937 : vector<16xi32>
          %jit3A_939 = arith.constant 32 : i32
          %eq3A_940 = arith.constant 0 : i32
          %eq3A_941 = arith.cmpi eq, %jit3A_939, %eq3A_940 : i32
          %jit3A_942 = arith.constant 1 : i32
          %select_n3A_943 = arith.select %eq3A_941, %jit3A_942, %jit3A_939 : i32
          %rem3A_944 = vector.broadcast %select_n3A_943 : i32 to vector<16xi32>
          %rem3A_945 = arith.remsi %add3A_938, %rem3A_944 : vector<16xi32>
          %ne3A_946 = arith.constant 0 : i32
          %ne3A_947 = vector.broadcast %ne3A_946 : i32 to vector<16xi32>
          %ne3A_948 = arith.cmpi ne, %rem3A_945, %ne3A_947 : vector<16xi32>
          %lt3A_949 = arith.constant 0 : i32
          %lt3A_950 = vector.broadcast %lt3A_949 : i32 to vector<16xi32>
          %lt3A_951 = arith.cmpi slt, %rem3A_945, %lt3A_950 : vector<16xi32>
          %lt3A_952 = arith.constant 0 : i32
          %lt3A_953 = arith.cmpi slt, %select_n3A_943, %lt3A_952 : i32
          %ne3A_954 = vector.broadcast %lt3A_953 : i1 to vector<16xi1>
          %ne3A_955 = vector.broadcast %ne3A_954 : vector<16xi1> to vector<16xi1>
          %ne3A_956 = arith.xori %lt3A_951, %ne3A_955 : vector<16xi1>
          %and3A_957 = arith.andi %ne3A_956, %ne3A_948 : vector<16xi1>
          %add3A_958 = vector.broadcast %select_n3A_943 : i32 to vector<16xi32>
          %add3A_959 = arith.addi %rem3A_945, %add3A_958 : vector<16xi32>
          %select_n3A_960 = arith.select %and3A_957, %add3A_959, %rem3A_945 : vector<16xi1>, vector<16xi32>
          %gather3A_961 = tpu.vector_load_idx %arg8[%add3A_181, %select_n3A_960] : memref<512x32xf32, #tpu.memory_space<vmem>>[vector<16xi32>, vector<16xi32>], vector<16xf32>,
          %mul3A_962 = arith.mulf %gather3A_961, %get3A_186 : vector<16xf32>
          tpu.vector_store_idx %arg9[%broadcast_in_dim3A_184, %select_n3A_960, %add3A_183], %mul3A_962 : memref<2x32x256xf32, #tpu.memory_space<vmem>>[vector<16xi32>, vector<16xi32>, vector<16xi32>], vector<16xf32>,
          %add3A_963 = arith.constant 29 : i32
          %add3A_964 = vector.broadcast %add3A_963 : i32 to vector<16xi32>
          %add3A_965 = arith.addi %iota3A, %add3A_964 : vector<16xi32>
          %jit3A_966 = arith.constant 32 : i32
          %eq3A_967 = arith.constant 0 : i32
          %eq3A_968 = arith.cmpi eq, %jit3A_966, %eq3A_967 : i32
          %jit3A_969 = arith.constant 1 : i32
          %select_n3A_970 = arith.select %eq3A_968, %jit3A_969, %jit3A_966 : i32
          %rem3A_971 = vector.broadcast %select_n3A_970 : i32 to vector<16xi32>
          %rem3A_972 = arith.remsi %add3A_965, %rem3A_971 : vector<16xi32>
          %ne3A_973 = arith.constant 0 : i32
          %ne3A_974 = vector.broadcast %ne3A_973 : i32 to vector<16xi32>
          %ne3A_975 = arith.cmpi ne, %rem3A_972, %ne3A_974 : vector<16xi32>
          %lt3A_976 = arith.constant 0 : i32
          %lt3A_977 = vector.broadcast %lt3A_976 : i32 to vector<16xi32>
          %lt3A_978 = arith.cmpi slt, %rem3A_972, %lt3A_977 : vector<16xi32>
          %lt3A_979 = arith.constant 0 : i32
          %lt3A_980 = arith.cmpi slt, %select_n3A_970, %lt3A_979 : i32
          %ne3A_981 = vector.broadcast %lt3A_980 : i1 to vector<16xi1>
          %ne3A_982 = vector.broadcast %ne3A_981 : vector<16xi1> to vector<16xi1>
          %ne3A_983 = arith.xori %lt3A_978, %ne3A_982 : vector<16xi1>
          %and3A_984 = arith.andi %ne3A_983, %ne3A_975 : vector<16xi1>
          %add3A_985 = vector.broadcast %select_n3A_970 : i32 to vector<16xi32>
          %add3A_986 = arith.addi %rem3A_972, %add3A_985 : vector<16xi32>
          %select_n3A_987 = arith.select %and3A_984, %add3A_986, %rem3A_972 : vector<16xi1>, vector<16xi32>
          %gather3A_988 = tpu.vector_load_idx %arg8[%add3A_181, %select_n3A_987] : memref<512x32xf32, #tpu.memory_space<vmem>>[vector<16xi32>, vector<16xi32>], vector<16xf32>,
          %mul3A_989 = arith.mulf %gather3A_988, %get3A_186 : vector<16xf32>
          tpu.vector_store_idx %arg9[%broadcast_in_dim3A_184, %select_n3A_987, %add3A_183], %mul3A_989 : memref<2x32x256xf32, #tpu.memory_space<vmem>>[vector<16xi32>, vector<16xi32>, vector<16xi32>], vector<16xf32>,
          %add3A_990 = arith.constant 30 : i32
          %add3A_991 = vector.broadcast %add3A_990 : i32 to vector<16xi32>
          %add3A_992 = arith.addi %iota3A, %add3A_991 : vector<16xi32>
          %jit3A_993 = arith.constant 32 : i32
          %eq3A_994 = arith.constant 0 : i32
          %eq3A_995 = arith.cmpi eq, %jit3A_993, %eq3A_994 : i32
          %jit3A_996 = arith.constant 1 : i32
          %select_n3A_997 = arith.select %eq3A_995, %jit3A_996, %jit3A_993 : i32
          %rem3A_998 = vector.broadcast %select_n3A_997 : i32 to vector<16xi32>
          %rem3A_999 = arith.remsi %add3A_992, %rem3A_998 : vector<16xi32>
          %ne3A_1000 = arith.constant 0 : i32
          %ne3A_1001 = vector.broadcast %ne3A_1000 : i32 to vector<16xi32>
          %ne3A_1002 = arith.cmpi ne, %rem3A_999, %ne3A_1001 : vector<16xi32>
          %lt3A_1003 = arith.constant 0 : i32
          %lt3A_1004 = vector.broadcast %lt3A_1003 : i32 to vector<16xi32>
          %lt3A_1005 = arith.cmpi slt, %rem3A_999, %lt3A_1004 : vector<16xi32>
          %lt3A_1006 = arith.constant 0 : i32
          %lt3A_1007 = arith.cmpi slt, %select_n3A_997, %lt3A_1006 : i32
          %ne3A_1008 = vector.broadcast %lt3A_1007 : i1 to vector<16xi1>
          %ne3A_1009 = vector.broadcast %ne3A_1008 : vector<16xi1> to vector<16xi1>
          %ne3A_1010 = arith.xori %lt3A_1005, %ne3A_1009 : vector<16xi1>
          %and3A_1011 = arith.andi %ne3A_1010, %ne3A_1002 : vector<16xi1>
          %add3A_1012 = vector.broadcast %select_n3A_997 : i32 to vector<16xi32>
          %add3A_1013 = arith.addi %rem3A_999, %add3A_1012 : vector<16xi32>
          %select_n3A_1014 = arith.select %and3A_1011, %add3A_1013, %rem3A_999 : vector<16xi1>, vector<16xi32>
          %gather3A_1015 = tpu.vector_load_idx %arg8[%add3A_181, %select_n3A_1014] : memref<512x32xf32, #tpu.memory_space<vmem>>[vector<16xi32>, vector<16xi32>], vector<16xf32>,
          %mul3A_1016 = arith.mulf %gather3A_1015, %get3A_186 : vector<16xf32>
          tpu.vector_store_idx %arg9[%broadcast_in_dim3A_184, %select_n3A_1014, %add3A_183], %mul3A_1016 : memref<2x32x256xf32, #tpu.memory_space<vmem>>[vector<16xi32>, vector<16xi32>, vector<16xi32>], vector<16xf32>,
          %add3A_1017 = arith.constant 31 : i32
          %add3A_1018 = vector.broadcast %add3A_1017 : i32 to vector<16xi32>
          %add3A_1019 = arith.addi %iota3A, %add3A_1018 : vector<16xi32>
          %jit3A_1020 = arith.constant 32 : i32
          %eq3A_1021 = arith.constant 0 : i32
          %eq3A_1022 = arith.cmpi eq, %jit3A_1020, %eq3A_1021 : i32
          %jit3A_1023 = arith.constant 1 : i32
          %select_n3A_1024 = arith.select %eq3A_1022, %jit3A_1023, %jit3A_1020 : i32
          %rem3A_1025 = vector.broadcast %select_n3A_1024 : i32 to vector<16xi32>
          %rem3A_1026 = arith.remsi %add3A_1019, %rem3A_1025 : vector<16xi32>
          %ne3A_1027 = arith.constant 0 : i32
          %ne3A_1028 = vector.broadcast %ne3A_1027 : i32 to vector<16xi32>
          %ne3A_1029 = arith.cmpi ne, %rem3A_1026, %ne3A_1028 : vector<16xi32>
          %lt3A_1030 = arith.constant 0 : i32
          %lt3A_1031 = vector.broadcast %lt3A_1030 : i32 to vector<16xi32>
          %lt3A_1032 = arith.cmpi slt, %rem3A_1026, %lt3A_1031 : vector<16xi32>
          %lt3A_1033 = arith.constant 0 : i32
          %lt3A_1034 = arith.cmpi slt, %select_n3A_1024, %lt3A_1033 : i32
          %ne3A_1035 = vector.broadcast %lt3A_1034 : i1 to vector<16xi1>
          %ne3A_1036 = vector.broadcast %ne3A_1035 : vector<16xi1> to vector<16xi1>
          %ne3A_1037 = arith.xori %lt3A_1032, %ne3A_1036 : vector<16xi1>
          %and3A_1038 = arith.andi %ne3A_1037, %ne3A_1029 : vector<16xi1>
          %add3A_1039 = vector.broadcast %select_n3A_1024 : i32 to vector<16xi32>
          %add3A_1040 = arith.addi %rem3A_1026, %add3A_1039 : vector<16xi32>
          %select_n3A_1041 = arith.select %and3A_1038, %add3A_1040, %rem3A_1026 : vector<16xi1>, vector<16xi32>
          %gather3A_1042 = tpu.vector_load_idx %arg8[%add3A_181, %select_n3A_1041] : memref<512x32xf32, #tpu.memory_space<vmem>>[vector<16xi32>, vector<16xi32>], vector<16xf32>,
          %mul3A_1043 = arith.mulf %gather3A_1042, %get3A_186 : vector<16xf32>
          tpu.vector_store_idx %arg9[%broadcast_in_dim3A_184, %select_n3A_1041, %add3A_183], %mul3A_1043 : memref<2x32x256xf32, #tpu.memory_space<vmem>>[vector<16xi32>, vector<16xi32>, vector<16xi32>], vector<16xf32>,
        }
        %scan3A_104 = arith.constant 16 : i32
        %dma_start3A_105 = arith.constant 0 : i32
        %dma_start3A_106 = arith.constant 0 : i32
        %dma_start3A_107 = arith.constant 0 : i32
        %dma_start3A_108 = tpu.memref_slice %arg9[%dma_start3A_105, %dma_start3A_106, %dma_start3A_107] : memref<2x32x256xf32, #tpu.memory_space<vmem>> -> memref<1x32x256xf32, #tpu.memory_space<vmem>>
        %dma_start3A_109 = tpu.memref_squeeze %dma_start3A_108 : memref<1x32x256xf32, #tpu.memory_space<vmem>> -> memref<32x256xf32, #tpu.memory_space<vmem>>
        %dma_start3A_110 = arith.constant 0 : i32
        %dma_start3A_111 = tpu.memref_slice %arg5[%add3A_72, %dma_start3A_110, %add3A_11] : memref<26x32x16384xf32, #tpu.memory_space<hbm>> -> memref<1x32x256xf32, #tpu.memory_space<hbm>>
        %dma_start3A_112 = tpu.memref_squeeze %dma_start3A_111 : memref<1x32x256xf32, #tpu.memory_space<hbm>> -> memref<32x256xf32, #tpu.memory_space<hbm>>
        %dma_start3A_113 = arith.constant 0 : i32
        %dma_start3A_114 = tpu.memref_slice %arg5[%add3A_72, %dma_start3A_113, %add3A_11] : memref<26x32x16384xf32, #tpu.memory_space<hbm>> -> memref<1x32x256xf32, #tpu.memory_space<hbm>>
        %dma_start3A_115 = tpu.memref_squeeze %dma_start3A_114 : memref<1x32x256xf32, #tpu.memory_space<hbm>> -> memref<32x256xf32, #tpu.memory_space<hbm>>
        %dma_start3A_116 = arith.constant 0 : i32
        %dma_start3A_117 = arith.constant 0 : i32
        %dma_start3A_118 = tpu.memref_slice %arg9[%dma_start3A_105, %dma_start3A_116, %dma_start3A_117] : memref<2x32x256xf32, #tpu.memory_space<vmem>> -> memref<1x32x256xf32, #tpu.memory_space<vmem>>
        %dma_start3A_119 = tpu.memref_squeeze %dma_start3A_118 : memref<1x32x256xf32, #tpu.memory_space<vmem>> -> memref<32x256xf32, #tpu.memory_space<vmem>>
        tpu.enqueue_dma source(%dma_start3A_119 : memref<32x256xf32, #tpu.memory_space<vmem>>) target(%dma_start3A_115 : memref<32x256xf32, #tpu.memory_space<hbm>>) target_semaphore(%arg11 : memref<!tpu.dma_semaphore, #tpu.memory_space<semaphore_mem>>)
        %mul3A_120 = arith.constant 2 : i32
        %mul3A_121 = arith.muli %mul3A_120, %scan3A_68 : i32
        %add3A_122 = arith.constant 1 : i32
        %add3A_123 = arith.addi %mul3A_121, %add3A_122 : i32
        %dma_wait3A_124 = arith.constant 256 : i32
        %dma_wait3A_125 = arith.constant 0 : i32
        %dma_wait3A_126 = tpu.memref_slice %arg8[%dma_wait3A_124, %dma_wait3A_125] : memref<512x32xf32, #tpu.memory_space<vmem>> -> memref<128x32xf32, #tpu.memory_space<vmem>>
        %dma_wait3A_127 = arith.constant 0 : i32
        %dma_wait3A_128 = tpu.memref_slice %arg6[%add3A_123, %dma_wait3A_127] : memref<26x256xi32, #tpu.memory_space<vmem>> -> memref<1x128xi32, #tpu.memory_space<vmem>>
        %dma_wait3A_129 = tpu.memref_squeeze %dma_wait3A_128 : memref<1x128xi32, #tpu.memory_space<vmem>> -> memref<128xi32, #tpu.memory_space<vmem>>
        %dma_wait3A_130 = arith.constant 0 : i32
        %dma_wait3A_131 = arith.constant 0 : i32
        %dma_wait3A_132 = tpu.memref_slice %arg4[%dma_wait3A_130, %dma_wait3A_131] : memref<1000000x32xf32, #tpu.memory_space<hbm>> -> memref<1000000x32xf32, #tpu.memory_space<hbm>>
        tpu.wait_indirect_dma semaphore(%arg10 : memref<!tpu.dma_semaphore, #tpu.memory_space<semaphore_mem>>) src(%dma_wait3A_132 : memref<1000000x32xf32, #tpu.memory_space<hbm>>) dst(%dma_wait3A_126 : memref<128x32xf32, #tpu.memory_space<vmem>>)
        %dma_wait3A_133 = arith.constant 384 : i32
        %dma_wait3A_134 = arith.constant 0 : i32
        %dma_wait3A_135 = tpu.memref_slice %arg8[%dma_wait3A_133, %dma_wait3A_134] : memref<512x32xf32, #tpu.memory_space<vmem>> -> memref<128x32xf32, #tpu.memory_space<vmem>>
        %dma_wait3A_136 = arith.constant 128 : i32
        %dma_wait3A_137 = tpu.memref_slice %arg6[%add3A_123, %dma_wait3A_136] : memref<26x256xi32, #tpu.memory_space<vmem>> -> memref<1x128xi32, #tpu.memory_space<vmem>>
        %dma_wait3A_138 = tpu.memref_squeeze %dma_wait3A_137 : memref<1x128xi32, #tpu.memory_space<vmem>> -> memref<128xi32, #tpu.memory_space<vmem>>
        %dma_wait3A_139 = arith.constant 0 : i32
        %dma_wait3A_140 = arith.constant 0 : i32
        %dma_wait3A_141 = tpu.memref_slice %arg4[%dma_wait3A_139, %dma_wait3A_140] : memref<1000000x32xf32, #tpu.memory_space<hbm>> -> memref<1000000x32xf32, #tpu.memory_space<hbm>>
        tpu.wait_indirect_dma semaphore(%arg10 : memref<!tpu.dma_semaphore, #tpu.memory_space<semaphore_mem>>) src(%dma_wait3A_141 : memref<1000000x32xf32, #tpu.memory_space<hbm>>) dst(%dma_wait3A_135 : memref<128x32xf32, #tpu.memory_space<vmem>>)
        %add3A_142 = arith.constant 1 : i32
        %add3A_143 = arith.addi %add3A_123, %add3A_142 : i32
        %lt3A_144 = arith.constant 26 : i32
        %lt3A_145 = arith.cmpi slt, %add3A_143, %lt3A_144 : i32
        %convert_element_type3A_146 = arith.extui %lt3A_145 : i1 to i32
        %cond3A_147 = arith.constant 0 : i32
        %cond3A_148 = arith.cmpi ne, %convert_element_type3A_146, %cond3A_147 : i32
        scf.if %cond3A_148 {
          %add3A_175 = arith.constant 1 : i32
          %add3A_176 = arith.addi %add3A_123, %add3A_175 : i32
          %dma_start3A_177 = arith.constant 0 : i32
          %dma_start3A_178 = arith.constant 0 : i32
          %dma_start3A_179 = tpu.memref_slice %arg8[%dma_start3A_177, %dma_start3A_178] : memref<512x32xf32, #tpu.memory_space<vmem>> -> memref<128x32xf32, #tpu.memory_space<vmem>>
          %dma_start3A_180 = arith.constant 0 : i32
          %dma_start3A_181 = tpu.memref_slice %arg6[%add3A_176, %dma_start3A_180] : memref<26x256xi32, #tpu.memory_space<vmem>> -> memref<1x128xi32, #tpu.memory_space<vmem>>
          %dma_start3A_182 = tpu.memref_squeeze %dma_start3A_181 : memref<1x128xi32, #tpu.memory_space<vmem>> -> memref<128xi32, #tpu.memory_space<vmem>>
          %dma_start3A_183 = arith.constant 0 : i32
          %dma_start3A_184 = arith.constant 0 : i32
          %dma_start3A_185 = tpu.memref_slice %arg4[%dma_start3A_183, %dma_start3A_184] : memref<1000000x32xf32, #tpu.memory_space<hbm>> -> memref<1000000x32xf32, #tpu.memory_space<hbm>>
          tpu.enqueue_indirect_dma source(%dma_start3A_185 : memref<1000000x32xf32, #tpu.memory_space<hbm>>) target(%dma_start3A_179 : memref<128x32xf32, #tpu.memory_space<vmem>>) offsets(%dma_start3A_182 : memref<128xi32, #tpu.memory_space<vmem>>) semaphore(%arg10 : memref<!tpu.dma_semaphore, #tpu.memory_space<semaphore_mem>>)
          %dma_start3A_186 = arith.constant 128 : i32
          %dma_start3A_187 = arith.constant 0 : i32
          %dma_start3A_188 = tpu.memref_slice %arg8[%dma_start3A_186, %dma_start3A_187] : memref<512x32xf32, #tpu.memory_space<vmem>> -> memref<128x32xf32, #tpu.memory_space<vmem>>
          %dma_start3A_189 = arith.constant 128 : i32
          %dma_start3A_190 = tpu.memref_slice %arg6[%add3A_176, %dma_start3A_189] : memref<26x256xi32, #tpu.memory_space<vmem>> -> memref<1x128xi32, #tpu.memory_space<vmem>>
          %dma_start3A_191 = tpu.memref_squeeze %dma_start3A_190 : memref<1x128xi32, #tpu.memory_space<vmem>> -> memref<128xi32, #tpu.memory_space<vmem>>
          %dma_start3A_192 = arith.constant 0 : i32
          %dma_start3A_193 = arith.constant 0 : i32
          %dma_start3A_194 = tpu.memref_slice %arg4[%dma_start3A_192, %dma_start3A_193] : memref<1000000x32xf32, #tpu.memory_space<hbm>> -> memref<1000000x32xf32, #tpu.memory_space<hbm>>
          tpu.enqueue_indirect_dma source(%dma_start3A_194 : memref<1000000x32xf32, #tpu.memory_space<hbm>>) target(%dma_start3A_188 : memref<128x32xf32, #tpu.memory_space<vmem>>) offsets(%dma_start3A_191 : memref<128xi32, #tpu.memory_space<vmem>>) semaphore(%arg10 : memref<!tpu.dma_semaphore, #tpu.memory_space<semaphore_mem>>)
        } else {
        }
        %gt3A_149 = arith.constant 0 : i32
        %gt3A_150 = arith.cmpi sgt, %scan3A_68, %gt3A_149 : i32
        %convert_element_type3A_151 = arith.extui %gt3A_150 : i1 to i32
        %cond3A_152 = arith.constant 0 : i32
        %cond3A_153 = arith.cmpi ne, %convert_element_type3A_151, %cond3A_152 : i32
        scf.if %cond3A_153 {
          %sub3A = arith.constant 2 : i32
          %sub3A_175 = arith.subi %add3A_123, %sub3A : i32
          %dma_wait3A_176 = arith.constant 1 : i32
          %dma_wait3A_177 = arith.constant 0 : i32
          %dma_wait3A_178 = arith.constant 0 : i32
          %dma_wait3A_179 = tpu.memref_slice %arg9[%dma_wait3A_176, %dma_wait3A_177, %dma_wait3A_178] : memref<2x32x256xf32, #tpu.memory_space<vmem>> -> memref<1x32x256xf32, #tpu.memory_space<vmem>>
          %dma_wait3A_180 = tpu.memref_squeeze %dma_wait3A_179 : memref<1x32x256xf32, #tpu.memory_space<vmem>> -> memref<32x256xf32, #tpu.memory_space<vmem>>
          %dma_wait3A_181 = arith.constant 0 : i32
          %dma_wait3A_182 = tpu.memref_slice %arg5[%sub3A_175, %dma_wait3A_181, %add3A_11] : memref<26x32x16384xf32, #tpu.memory_space<hbm>> -> memref<1x32x256xf32, #tpu.memory_space<hbm>>
          %dma_wait3A_183 = tpu.memref_squeeze %dma_wait3A_182 : memref<1x32x256xf32, #tpu.memory_space<hbm>> -> memref<32x256xf32, #tpu.memory_space<hbm>>
          %dma_wait3A_184 = arith.constant 0 : i32
          %dma_wait3A_185 = tpu.memref_slice %arg5[%sub3A_175, %dma_wait3A_184, %add3A_11] : memref<26x32x16384xf32, #tpu.memory_space<hbm>> -> memref<1x32x256xf32, #tpu.memory_space<hbm>>
          %dma_wait3A_186 = tpu.memref_squeeze %dma_wait3A_185 : memref<1x32x256xf32, #tpu.memory_space<hbm>> -> memref<32x256xf32, #tpu.memory_space<hbm>>
          %dma_wait3A_187 = arith.constant 0 : i32
          %dma_wait3A_188 = arith.constant 0 : i32
          %dma_wait3A_189 = tpu.memref_slice %arg9[%dma_wait3A_176, %dma_wait3A_187, %dma_wait3A_188] : memref<2x32x256xf32, #tpu.memory_space<vmem>> -> memref<1x32x256xf32, #tpu.memory_space<vmem>>
          %dma_wait3A_190 = tpu.memref_squeeze %dma_wait3A_189 : memref<1x32x256xf32, #tpu.memory_space<vmem>> -> memref<32x256xf32, #tpu.memory_space<vmem>>
          tpu.wait_dma2 semaphore(%arg11 : memref<!tpu.dma_semaphore, #tpu.memory_space<semaphore_mem>>) src(%dma_wait3A_190 : memref<32x256xf32, #tpu.memory_space<vmem>>) dst(%dma_wait3A_186 : memref<32x256xf32, #tpu.memory_space<hbm>>)
        } else {
        }
        %scan3A_154 = arith.constant 0 : i32
        %scan3A_155 = arith.constant 0 : i32
        %scan3A_156 = arith.constant 16 : i32
        %scan3A_157 = arith.addi %scan3A_155, %scan3A_156 : i32
        %scan3A_158 = arith.constant 1 : i32
        scf.for %scan3A_175 = %scan3A_155 to %scan3A_157 step %scan3A_158  : i32 {
          %mul3A_176 = arith.constant 16 : i32
          %mul3A_177 = arith.muli %scan3A_175, %mul3A_176 : i32
          %add3A_178 = arith.constant 256 : i32
          %add3A_179 = arith.addi %add3A_178, %mul3A_177 : i32
          %add3A_180 = vector.broadcast %add3A_179 : i32 to vector<16xi32>
          %add3A_181 = arith.addi %add3A_180, %iota3A : vector<16xi32>
          %add3A_182 = vector.broadcast %mul3A_177 : i32 to vector<16xi32>
          %add3A_183 = arith.addi %add3A_182, %iota3A : vector<16xi32>
          %broadcast_in_dim3A = arith.constant 1 : i32
          %broadcast_in_dim3A_184 = vector.broadcast %broadcast_in_dim3A : i32 to vector<16xi32>
          %get3A = arith.index_cast %add3A_123 : i32 to index
          %get3A_185 = arith.index_cast %mul3A_177 : i32 to index
          %get3A_186 = tpu.vector_load %arg7[%get3A, %get3A_185] {strides = array<i32>} : memref<26x256xf32, #tpu.memory_space<vmem>>, vector<16xf32>,
          %add3A_187 = arith.constant 0 : i32
          %add3A_188 = vector.broadcast %add3A_187 : i32 to vector<16xi32>
          %add3A_189 = arith.addi %iota3A, %add3A_188 : vector<16xi32>
          %jit3A = arith.constant 32 : i32
          %eq3A = arith.constant 0 : i32
          %eq3A_190 = arith.cmpi eq, %jit3A, %eq3A : i32
          %jit3A_191 = arith.constant 1 : i32
          %select_n3A = arith.select %eq3A_190, %jit3A_191, %jit3A : i32
          %rem3A = vector.broadcast %select_n3A : i32 to vector<16xi32>
          %rem3A_192 = arith.remsi %add3A_189, %rem3A : vector<16xi32>
          %ne3A = arith.constant 0 : i32
          %ne3A_193 = vector.broadcast %ne3A : i32 to vector<16xi32>
          %ne3A_194 = arith.cmpi ne, %rem3A_192, %ne3A_193 : vector<16xi32>
          %lt3A_195 = arith.constant 0 : i32
          %lt3A_196 = vector.broadcast %lt3A_195 : i32 to vector<16xi32>
          %lt3A_197 = arith.cmpi slt, %rem3A_192, %lt3A_196 : vector<16xi32>
          %lt3A_198 = arith.constant 0 : i32
          %lt3A_199 = arith.cmpi slt, %select_n3A, %lt3A_198 : i32
          %ne3A_200 = vector.broadcast %lt3A_199 : i1 to vector<16xi1>
          %ne3A_201 = vector.broadcast %ne3A_200 : vector<16xi1> to vector<16xi1>
          %ne3A_202 = arith.xori %lt3A_197, %ne3A_201 : vector<16xi1>
          %and3A = arith.andi %ne3A_202, %ne3A_194 : vector<16xi1>
          %add3A_203 = vector.broadcast %select_n3A : i32 to vector<16xi32>
          %add3A_204 = arith.addi %rem3A_192, %add3A_203 : vector<16xi32>
          %select_n3A_205 = arith.select %and3A, %add3A_204, %rem3A_192 : vector<16xi1>, vector<16xi32>
          %gather3A = tpu.vector_load_idx %arg8[%add3A_181, %select_n3A_205] : memref<512x32xf32, #tpu.memory_space<vmem>>[vector<16xi32>, vector<16xi32>], vector<16xf32>,
          %mul3A_206 = arith.mulf %gather3A, %get3A_186 : vector<16xf32>
          tpu.vector_store_idx %arg9[%broadcast_in_dim3A_184, %select_n3A_205, %add3A_183], %mul3A_206 : memref<2x32x256xf32, #tpu.memory_space<vmem>>[vector<16xi32>, vector<16xi32>, vector<16xi32>], vector<16xf32>,
          %add3A_207 = arith.constant 1 : i32
          %add3A_208 = vector.broadcast %add3A_207 : i32 to vector<16xi32>
          %add3A_209 = arith.addi %iota3A, %add3A_208 : vector<16xi32>
          %jit3A_210 = arith.constant 32 : i32
          %eq3A_211 = arith.constant 0 : i32
          %eq3A_212 = arith.cmpi eq, %jit3A_210, %eq3A_211 : i32
          %jit3A_213 = arith.constant 1 : i32
          %select_n3A_214 = arith.select %eq3A_212, %jit3A_213, %jit3A_210 : i32
          %rem3A_215 = vector.broadcast %select_n3A_214 : i32 to vector<16xi32>
          %rem3A_216 = arith.remsi %add3A_209, %rem3A_215 : vector<16xi32>
          %ne3A_217 = arith.constant 0 : i32
          %ne3A_218 = vector.broadcast %ne3A_217 : i32 to vector<16xi32>
          %ne3A_219 = arith.cmpi ne, %rem3A_216, %ne3A_218 : vector<16xi32>
          %lt3A_220 = arith.constant 0 : i32
          %lt3A_221 = vector.broadcast %lt3A_220 : i32 to vector<16xi32>
          %lt3A_222 = arith.cmpi slt, %rem3A_216, %lt3A_221 : vector<16xi32>
          %lt3A_223 = arith.constant 0 : i32
          %lt3A_224 = arith.cmpi slt, %select_n3A_214, %lt3A_223 : i32
          %ne3A_225 = vector.broadcast %lt3A_224 : i1 to vector<16xi1>
          %ne3A_226 = vector.broadcast %ne3A_225 : vector<16xi1> to vector<16xi1>
          %ne3A_227 = arith.xori %lt3A_222, %ne3A_226 : vector<16xi1>
          %and3A_228 = arith.andi %ne3A_227, %ne3A_219 : vector<16xi1>
          %add3A_229 = vector.broadcast %select_n3A_214 : i32 to vector<16xi32>
          %add3A_230 = arith.addi %rem3A_216, %add3A_229 : vector<16xi32>
          %select_n3A_231 = arith.select %and3A_228, %add3A_230, %rem3A_216 : vector<16xi1>, vector<16xi32>
          %gather3A_232 = tpu.vector_load_idx %arg8[%add3A_181, %select_n3A_231] : memref<512x32xf32, #tpu.memory_space<vmem>>[vector<16xi32>, vector<16xi32>], vector<16xf32>,
          %mul3A_233 = arith.mulf %gather3A_232, %get3A_186 : vector<16xf32>
          tpu.vector_store_idx %arg9[%broadcast_in_dim3A_184, %select_n3A_231, %add3A_183], %mul3A_233 : memref<2x32x256xf32, #tpu.memory_space<vmem>>[vector<16xi32>, vector<16xi32>, vector<16xi32>], vector<16xf32>,
          %add3A_234 = arith.constant 2 : i32
          %add3A_235 = vector.broadcast %add3A_234 : i32 to vector<16xi32>
          %add3A_236 = arith.addi %iota3A, %add3A_235 : vector<16xi32>
          %jit3A_237 = arith.constant 32 : i32
          %eq3A_238 = arith.constant 0 : i32
          %eq3A_239 = arith.cmpi eq, %jit3A_237, %eq3A_238 : i32
          %jit3A_240 = arith.constant 1 : i32
          %select_n3A_241 = arith.select %eq3A_239, %jit3A_240, %jit3A_237 : i32
          %rem3A_242 = vector.broadcast %select_n3A_241 : i32 to vector<16xi32>
          %rem3A_243 = arith.remsi %add3A_236, %rem3A_242 : vector<16xi32>
          %ne3A_244 = arith.constant 0 : i32
          %ne3A_245 = vector.broadcast %ne3A_244 : i32 to vector<16xi32>
          %ne3A_246 = arith.cmpi ne, %rem3A_243, %ne3A_245 : vector<16xi32>
          %lt3A_247 = arith.constant 0 : i32
          %lt3A_248 = vector.broadcast %lt3A_247 : i32 to vector<16xi32>
          %lt3A_249 = arith.cmpi slt, %rem3A_243, %lt3A_248 : vector<16xi32>
          %lt3A_250 = arith.constant 0 : i32
          %lt3A_251 = arith.cmpi slt, %select_n3A_241, %lt3A_250 : i32
          %ne3A_252 = vector.broadcast %lt3A_251 : i1 to vector<16xi1>
          %ne3A_253 = vector.broadcast %ne3A_252 : vector<16xi1> to vector<16xi1>
          %ne3A_254 = arith.xori %lt3A_249, %ne3A_253 : vector<16xi1>
          %and3A_255 = arith.andi %ne3A_254, %ne3A_246 : vector<16xi1>
          %add3A_256 = vector.broadcast %select_n3A_241 : i32 to vector<16xi32>
          %add3A_257 = arith.addi %rem3A_243, %add3A_256 : vector<16xi32>
          %select_n3A_258 = arith.select %and3A_255, %add3A_257, %rem3A_243 : vector<16xi1>, vector<16xi32>
          %gather3A_259 = tpu.vector_load_idx %arg8[%add3A_181, %select_n3A_258] : memref<512x32xf32, #tpu.memory_space<vmem>>[vector<16xi32>, vector<16xi32>], vector<16xf32>,
          %mul3A_260 = arith.mulf %gather3A_259, %get3A_186 : vector<16xf32>
          tpu.vector_store_idx %arg9[%broadcast_in_dim3A_184, %select_n3A_258, %add3A_183], %mul3A_260 : memref<2x32x256xf32, #tpu.memory_space<vmem>>[vector<16xi32>, vector<16xi32>, vector<16xi32>], vector<16xf32>,
          %add3A_261 = arith.constant 3 : i32
          %add3A_262 = vector.broadcast %add3A_261 : i32 to vector<16xi32>
          %add3A_263 = arith.addi %iota3A, %add3A_262 : vector<16xi32>
          %jit3A_264 = arith.constant 32 : i32
          %eq3A_265 = arith.constant 0 : i32
          %eq3A_266 = arith.cmpi eq, %jit3A_264, %eq3A_265 : i32
          %jit3A_267 = arith.constant 1 : i32
          %select_n3A_268 = arith.select %eq3A_266, %jit3A_267, %jit3A_264 : i32
          %rem3A_269 = vector.broadcast %select_n3A_268 : i32 to vector<16xi32>
          %rem3A_270 = arith.remsi %add3A_263, %rem3A_269 : vector<16xi32>
          %ne3A_271 = arith.constant 0 : i32
          %ne3A_272 = vector.broadcast %ne3A_271 : i32 to vector<16xi32>
          %ne3A_273 = arith.cmpi ne, %rem3A_270, %ne3A_272 : vector<16xi32>
          %lt3A_274 = arith.constant 0 : i32
          %lt3A_275 = vector.broadcast %lt3A_274 : i32 to vector<16xi32>
          %lt3A_276 = arith.cmpi slt, %rem3A_270, %lt3A_275 : vector<16xi32>
          %lt3A_277 = arith.constant 0 : i32
          %lt3A_278 = arith.cmpi slt, %select_n3A_268, %lt3A_277 : i32
          %ne3A_279 = vector.broadcast %lt3A_278 : i1 to vector<16xi1>
          %ne3A_280 = vector.broadcast %ne3A_279 : vector<16xi1> to vector<16xi1>
          %ne3A_281 = arith.xori %lt3A_276, %ne3A_280 : vector<16xi1>
          %and3A_282 = arith.andi %ne3A_281, %ne3A_273 : vector<16xi1>
          %add3A_283 = vector.broadcast %select_n3A_268 : i32 to vector<16xi32>
          %add3A_284 = arith.addi %rem3A_270, %add3A_283 : vector<16xi32>
          %select_n3A_285 = arith.select %and3A_282, %add3A_284, %rem3A_270 : vector<16xi1>, vector<16xi32>
          %gather3A_286 = tpu.vector_load_idx %arg8[%add3A_181, %select_n3A_285] : memref<512x32xf32, #tpu.memory_space<vmem>>[vector<16xi32>, vector<16xi32>], vector<16xf32>,
          %mul3A_287 = arith.mulf %gather3A_286, %get3A_186 : vector<16xf32>
          tpu.vector_store_idx %arg9[%broadcast_in_dim3A_184, %select_n3A_285, %add3A_183], %mul3A_287 : memref<2x32x256xf32, #tpu.memory_space<vmem>>[vector<16xi32>, vector<16xi32>, vector<16xi32>], vector<16xf32>,
          %add3A_288 = arith.constant 4 : i32
          %add3A_289 = vector.broadcast %add3A_288 : i32 to vector<16xi32>
          %add3A_290 = arith.addi %iota3A, %add3A_289 : vector<16xi32>
          %jit3A_291 = arith.constant 32 : i32
          %eq3A_292 = arith.constant 0 : i32
          %eq3A_293 = arith.cmpi eq, %jit3A_291, %eq3A_292 : i32
          %jit3A_294 = arith.constant 1 : i32
          %select_n3A_295 = arith.select %eq3A_293, %jit3A_294, %jit3A_291 : i32
          %rem3A_296 = vector.broadcast %select_n3A_295 : i32 to vector<16xi32>
          %rem3A_297 = arith.remsi %add3A_290, %rem3A_296 : vector<16xi32>
          %ne3A_298 = arith.constant 0 : i32
          %ne3A_299 = vector.broadcast %ne3A_298 : i32 to vector<16xi32>
          %ne3A_300 = arith.cmpi ne, %rem3A_297, %ne3A_299 : vector<16xi32>
          %lt3A_301 = arith.constant 0 : i32
          %lt3A_302 = vector.broadcast %lt3A_301 : i32 to vector<16xi32>
          %lt3A_303 = arith.cmpi slt, %rem3A_297, %lt3A_302 : vector<16xi32>
          %lt3A_304 = arith.constant 0 : i32
          %lt3A_305 = arith.cmpi slt, %select_n3A_295, %lt3A_304 : i32
          %ne3A_306 = vector.broadcast %lt3A_305 : i1 to vector<16xi1>
          %ne3A_307 = vector.broadcast %ne3A_306 : vector<16xi1> to vector<16xi1>
          %ne3A_308 = arith.xori %lt3A_303, %ne3A_307 : vector<16xi1>
          %and3A_309 = arith.andi %ne3A_308, %ne3A_300 : vector<16xi1>
          %add3A_310 = vector.broadcast %select_n3A_295 : i32 to vector<16xi32>
          %add3A_311 = arith.addi %rem3A_297, %add3A_310 : vector<16xi32>
          %select_n3A_312 = arith.select %and3A_309, %add3A_311, %rem3A_297 : vector<16xi1>, vector<16xi32>
          %gather3A_313 = tpu.vector_load_idx %arg8[%add3A_181, %select_n3A_312] : memref<512x32xf32, #tpu.memory_space<vmem>>[vector<16xi32>, vector<16xi32>], vector<16xf32>,
          %mul3A_314 = arith.mulf %gather3A_313, %get3A_186 : vector<16xf32>
          tpu.vector_store_idx %arg9[%broadcast_in_dim3A_184, %select_n3A_312, %add3A_183], %mul3A_314 : memref<2x32x256xf32, #tpu.memory_space<vmem>>[vector<16xi32>, vector<16xi32>, vector<16xi32>], vector<16xf32>,
          %add3A_315 = arith.constant 5 : i32
          %add3A_316 = vector.broadcast %add3A_315 : i32 to vector<16xi32>
          %add3A_317 = arith.addi %iota3A, %add3A_316 : vector<16xi32>
          %jit3A_318 = arith.constant 32 : i32
          %eq3A_319 = arith.constant 0 : i32
          %eq3A_320 = arith.cmpi eq, %jit3A_318, %eq3A_319 : i32
          %jit3A_321 = arith.constant 1 : i32
          %select_n3A_322 = arith.select %eq3A_320, %jit3A_321, %jit3A_318 : i32
          %rem3A_323 = vector.broadcast %select_n3A_322 : i32 to vector<16xi32>
          %rem3A_324 = arith.remsi %add3A_317, %rem3A_323 : vector<16xi32>
          %ne3A_325 = arith.constant 0 : i32
          %ne3A_326 = vector.broadcast %ne3A_325 : i32 to vector<16xi32>
          %ne3A_327 = arith.cmpi ne, %rem3A_324, %ne3A_326 : vector<16xi32>
          %lt3A_328 = arith.constant 0 : i32
          %lt3A_329 = vector.broadcast %lt3A_328 : i32 to vector<16xi32>
          %lt3A_330 = arith.cmpi slt, %rem3A_324, %lt3A_329 : vector<16xi32>
          %lt3A_331 = arith.constant 0 : i32
          %lt3A_332 = arith.cmpi slt, %select_n3A_322, %lt3A_331 : i32
          %ne3A_333 = vector.broadcast %lt3A_332 : i1 to vector<16xi1>
          %ne3A_334 = vector.broadcast %ne3A_333 : vector<16xi1> to vector<16xi1>
          %ne3A_335 = arith.xori %lt3A_330, %ne3A_334 : vector<16xi1>
          %and3A_336 = arith.andi %ne3A_335, %ne3A_327 : vector<16xi1>
          %add3A_337 = vector.broadcast %select_n3A_322 : i32 to vector<16xi32>
          %add3A_338 = arith.addi %rem3A_324, %add3A_337 : vector<16xi32>
          %select_n3A_339 = arith.select %and3A_336, %add3A_338, %rem3A_324 : vector<16xi1>, vector<16xi32>
          %gather3A_340 = tpu.vector_load_idx %arg8[%add3A_181, %select_n3A_339] : memref<512x32xf32, #tpu.memory_space<vmem>>[vector<16xi32>, vector<16xi32>], vector<16xf32>,
          %mul3A_341 = arith.mulf %gather3A_340, %get3A_186 : vector<16xf32>
          tpu.vector_store_idx %arg9[%broadcast_in_dim3A_184, %select_n3A_339, %add3A_183], %mul3A_341 : memref<2x32x256xf32, #tpu.memory_space<vmem>>[vector<16xi32>, vector<16xi32>, vector<16xi32>], vector<16xf32>,
          %add3A_342 = arith.constant 6 : i32
          %add3A_343 = vector.broadcast %add3A_342 : i32 to vector<16xi32>
          %add3A_344 = arith.addi %iota3A, %add3A_343 : vector<16xi32>
          %jit3A_345 = arith.constant 32 : i32
          %eq3A_346 = arith.constant 0 : i32
          %eq3A_347 = arith.cmpi eq, %jit3A_345, %eq3A_346 : i32
          %jit3A_348 = arith.constant 1 : i32
          %select_n3A_349 = arith.select %eq3A_347, %jit3A_348, %jit3A_345 : i32
          %rem3A_350 = vector.broadcast %select_n3A_349 : i32 to vector<16xi32>
          %rem3A_351 = arith.remsi %add3A_344, %rem3A_350 : vector<16xi32>
          %ne3A_352 = arith.constant 0 : i32
          %ne3A_353 = vector.broadcast %ne3A_352 : i32 to vector<16xi32>
          %ne3A_354 = arith.cmpi ne, %rem3A_351, %ne3A_353 : vector<16xi32>
          %lt3A_355 = arith.constant 0 : i32
          %lt3A_356 = vector.broadcast %lt3A_355 : i32 to vector<16xi32>
          %lt3A_357 = arith.cmpi slt, %rem3A_351, %lt3A_356 : vector<16xi32>
          %lt3A_358 = arith.constant 0 : i32
          %lt3A_359 = arith.cmpi slt, %select_n3A_349, %lt3A_358 : i32
          %ne3A_360 = vector.broadcast %lt3A_359 : i1 to vector<16xi1>
          %ne3A_361 = vector.broadcast %ne3A_360 : vector<16xi1> to vector<16xi1>
          %ne3A_362 = arith.xori %lt3A_357, %ne3A_361 : vector<16xi1>
          %and3A_363 = arith.andi %ne3A_362, %ne3A_354 : vector<16xi1>
          %add3A_364 = vector.broadcast %select_n3A_349 : i32 to vector<16xi32>
          %add3A_365 = arith.addi %rem3A_351, %add3A_364 : vector<16xi32>
          %select_n3A_366 = arith.select %and3A_363, %add3A_365, %rem3A_351 : vector<16xi1>, vector<16xi32>
          %gather3A_367 = tpu.vector_load_idx %arg8[%add3A_181, %select_n3A_366] : memref<512x32xf32, #tpu.memory_space<vmem>>[vector<16xi32>, vector<16xi32>], vector<16xf32>,
          %mul3A_368 = arith.mulf %gather3A_367, %get3A_186 : vector<16xf32>
          tpu.vector_store_idx %arg9[%broadcast_in_dim3A_184, %select_n3A_366, %add3A_183], %mul3A_368 : memref<2x32x256xf32, #tpu.memory_space<vmem>>[vector<16xi32>, vector<16xi32>, vector<16xi32>], vector<16xf32>,
          %add3A_369 = arith.constant 7 : i32
          %add3A_370 = vector.broadcast %add3A_369 : i32 to vector<16xi32>
          %add3A_371 = arith.addi %iota3A, %add3A_370 : vector<16xi32>
          %jit3A_372 = arith.constant 32 : i32
          %eq3A_373 = arith.constant 0 : i32
          %eq3A_374 = arith.cmpi eq, %jit3A_372, %eq3A_373 : i32
          %jit3A_375 = arith.constant 1 : i32
          %select_n3A_376 = arith.select %eq3A_374, %jit3A_375, %jit3A_372 : i32
          %rem3A_377 = vector.broadcast %select_n3A_376 : i32 to vector<16xi32>
          %rem3A_378 = arith.remsi %add3A_371, %rem3A_377 : vector<16xi32>
          %ne3A_379 = arith.constant 0 : i32
          %ne3A_380 = vector.broadcast %ne3A_379 : i32 to vector<16xi32>
          %ne3A_381 = arith.cmpi ne, %rem3A_378, %ne3A_380 : vector<16xi32>
          %lt3A_382 = arith.constant 0 : i32
          %lt3A_383 = vector.broadcast %lt3A_382 : i32 to vector<16xi32>
          %lt3A_384 = arith.cmpi slt, %rem3A_378, %lt3A_383 : vector<16xi32>
          %lt3A_385 = arith.constant 0 : i32
          %lt3A_386 = arith.cmpi slt, %select_n3A_376, %lt3A_385 : i32
          %ne3A_387 = vector.broadcast %lt3A_386 : i1 to vector<16xi1>
          %ne3A_388 = vector.broadcast %ne3A_387 : vector<16xi1> to vector<16xi1>
          %ne3A_389 = arith.xori %lt3A_384, %ne3A_388 : vector<16xi1>
          %and3A_390 = arith.andi %ne3A_389, %ne3A_381 : vector<16xi1>
          %add3A_391 = vector.broadcast %select_n3A_376 : i32 to vector<16xi32>
          %add3A_392 = arith.addi %rem3A_378, %add3A_391 : vector<16xi32>
          %select_n3A_393 = arith.select %and3A_390, %add3A_392, %rem3A_378 : vector<16xi1>, vector<16xi32>
          %gather3A_394 = tpu.vector_load_idx %arg8[%add3A_181, %select_n3A_393] : memref<512x32xf32, #tpu.memory_space<vmem>>[vector<16xi32>, vector<16xi32>], vector<16xf32>,
          %mul3A_395 = arith.mulf %gather3A_394, %get3A_186 : vector<16xf32>
          tpu.vector_store_idx %arg9[%broadcast_in_dim3A_184, %select_n3A_393, %add3A_183], %mul3A_395 : memref<2x32x256xf32, #tpu.memory_space<vmem>>[vector<16xi32>, vector<16xi32>, vector<16xi32>], vector<16xf32>,
          %add3A_396 = arith.constant 8 : i32
          %add3A_397 = vector.broadcast %add3A_396 : i32 to vector<16xi32>
          %add3A_398 = arith.addi %iota3A, %add3A_397 : vector<16xi32>
          %jit3A_399 = arith.constant 32 : i32
          %eq3A_400 = arith.constant 0 : i32
          %eq3A_401 = arith.cmpi eq, %jit3A_399, %eq3A_400 : i32
          %jit3A_402 = arith.constant 1 : i32
          %select_n3A_403 = arith.select %eq3A_401, %jit3A_402, %jit3A_399 : i32
          %rem3A_404 = vector.broadcast %select_n3A_403 : i32 to vector<16xi32>
          %rem3A_405 = arith.remsi %add3A_398, %rem3A_404 : vector<16xi32>
          %ne3A_406 = arith.constant 0 : i32
          %ne3A_407 = vector.broadcast %ne3A_406 : i32 to vector<16xi32>
          %ne3A_408 = arith.cmpi ne, %rem3A_405, %ne3A_407 : vector<16xi32>
          %lt3A_409 = arith.constant 0 : i32
          %lt3A_410 = vector.broadcast %lt3A_409 : i32 to vector<16xi32>
          %lt3A_411 = arith.cmpi slt, %rem3A_405, %lt3A_410 : vector<16xi32>
          %lt3A_412 = arith.constant 0 : i32
          %lt3A_413 = arith.cmpi slt, %select_n3A_403, %lt3A_412 : i32
          %ne3A_414 = vector.broadcast %lt3A_413 : i1 to vector<16xi1>
          %ne3A_415 = vector.broadcast %ne3A_414 : vector<16xi1> to vector<16xi1>
          %ne3A_416 = arith.xori %lt3A_411, %ne3A_415 : vector<16xi1>
          %and3A_417 = arith.andi %ne3A_416, %ne3A_408 : vector<16xi1>
          %add3A_418 = vector.broadcast %select_n3A_403 : i32 to vector<16xi32>
          %add3A_419 = arith.addi %rem3A_405, %add3A_418 : vector<16xi32>
          %select_n3A_420 = arith.select %and3A_417, %add3A_419, %rem3A_405 : vector<16xi1>, vector<16xi32>
          %gather3A_421 = tpu.vector_load_idx %arg8[%add3A_181, %select_n3A_420] : memref<512x32xf32, #tpu.memory_space<vmem>>[vector<16xi32>, vector<16xi32>], vector<16xf32>,
          %mul3A_422 = arith.mulf %gather3A_421, %get3A_186 : vector<16xf32>
          tpu.vector_store_idx %arg9[%broadcast_in_dim3A_184, %select_n3A_420, %add3A_183], %mul3A_422 : memref<2x32x256xf32, #tpu.memory_space<vmem>>[vector<16xi32>, vector<16xi32>, vector<16xi32>], vector<16xf32>,
          %add3A_423 = arith.constant 9 : i32
          %add3A_424 = vector.broadcast %add3A_423 : i32 to vector<16xi32>
          %add3A_425 = arith.addi %iota3A, %add3A_424 : vector<16xi32>
          %jit3A_426 = arith.constant 32 : i32
          %eq3A_427 = arith.constant 0 : i32
          %eq3A_428 = arith.cmpi eq, %jit3A_426, %eq3A_427 : i32
          %jit3A_429 = arith.constant 1 : i32
          %select_n3A_430 = arith.select %eq3A_428, %jit3A_429, %jit3A_426 : i32
          %rem3A_431 = vector.broadcast %select_n3A_430 : i32 to vector<16xi32>
          %rem3A_432 = arith.remsi %add3A_425, %rem3A_431 : vector<16xi32>
          %ne3A_433 = arith.constant 0 : i32
          %ne3A_434 = vector.broadcast %ne3A_433 : i32 to vector<16xi32>
          %ne3A_435 = arith.cmpi ne, %rem3A_432, %ne3A_434 : vector<16xi32>
          %lt3A_436 = arith.constant 0 : i32
          %lt3A_437 = vector.broadcast %lt3A_436 : i32 to vector<16xi32>
          %lt3A_438 = arith.cmpi slt, %rem3A_432, %lt3A_437 : vector<16xi32>
          %lt3A_439 = arith.constant 0 : i32
          %lt3A_440 = arith.cmpi slt, %select_n3A_430, %lt3A_439 : i32
          %ne3A_441 = vector.broadcast %lt3A_440 : i1 to vector<16xi1>
          %ne3A_442 = vector.broadcast %ne3A_441 : vector<16xi1> to vector<16xi1>
          %ne3A_443 = arith.xori %lt3A_438, %ne3A_442 : vector<16xi1>
          %and3A_444 = arith.andi %ne3A_443, %ne3A_435 : vector<16xi1>
          %add3A_445 = vector.broadcast %select_n3A_430 : i32 to vector<16xi32>
          %add3A_446 = arith.addi %rem3A_432, %add3A_445 : vector<16xi32>
          %select_n3A_447 = arith.select %and3A_444, %add3A_446, %rem3A_432 : vector<16xi1>, vector<16xi32>
          %gather3A_448 = tpu.vector_load_idx %arg8[%add3A_181, %select_n3A_447] : memref<512x32xf32, #tpu.memory_space<vmem>>[vector<16xi32>, vector<16xi32>], vector<16xf32>,
          %mul3A_449 = arith.mulf %gather3A_448, %get3A_186 : vector<16xf32>
          tpu.vector_store_idx %arg9[%broadcast_in_dim3A_184, %select_n3A_447, %add3A_183], %mul3A_449 : memref<2x32x256xf32, #tpu.memory_space<vmem>>[vector<16xi32>, vector<16xi32>, vector<16xi32>], vector<16xf32>,
          %add3A_450 = arith.constant 10 : i32
          %add3A_451 = vector.broadcast %add3A_450 : i32 to vector<16xi32>
          %add3A_452 = arith.addi %iota3A, %add3A_451 : vector<16xi32>
          %jit3A_453 = arith.constant 32 : i32
          %eq3A_454 = arith.constant 0 : i32
          %eq3A_455 = arith.cmpi eq, %jit3A_453, %eq3A_454 : i32
          %jit3A_456 = arith.constant 1 : i32
          %select_n3A_457 = arith.select %eq3A_455, %jit3A_456, %jit3A_453 : i32
          %rem3A_458 = vector.broadcast %select_n3A_457 : i32 to vector<16xi32>
          %rem3A_459 = arith.remsi %add3A_452, %rem3A_458 : vector<16xi32>
          %ne3A_460 = arith.constant 0 : i32
          %ne3A_461 = vector.broadcast %ne3A_460 : i32 to vector<16xi32>
          %ne3A_462 = arith.cmpi ne, %rem3A_459, %ne3A_461 : vector<16xi32>
          %lt3A_463 = arith.constant 0 : i32
          %lt3A_464 = vector.broadcast %lt3A_463 : i32 to vector<16xi32>
          %lt3A_465 = arith.cmpi slt, %rem3A_459, %lt3A_464 : vector<16xi32>
          %lt3A_466 = arith.constant 0 : i32
          %lt3A_467 = arith.cmpi slt, %select_n3A_457, %lt3A_466 : i32
          %ne3A_468 = vector.broadcast %lt3A_467 : i1 to vector<16xi1>
          %ne3A_469 = vector.broadcast %ne3A_468 : vector<16xi1> to vector<16xi1>
          %ne3A_470 = arith.xori %lt3A_465, %ne3A_469 : vector<16xi1>
          %and3A_471 = arith.andi %ne3A_470, %ne3A_462 : vector<16xi1>
          %add3A_472 = vector.broadcast %select_n3A_457 : i32 to vector<16xi32>
          %add3A_473 = arith.addi %rem3A_459, %add3A_472 : vector<16xi32>
          %select_n3A_474 = arith.select %and3A_471, %add3A_473, %rem3A_459 : vector<16xi1>, vector<16xi32>
          %gather3A_475 = tpu.vector_load_idx %arg8[%add3A_181, %select_n3A_474] : memref<512x32xf32, #tpu.memory_space<vmem>>[vector<16xi32>, vector<16xi32>], vector<16xf32>,
          %mul3A_476 = arith.mulf %gather3A_475, %get3A_186 : vector<16xf32>
          tpu.vector_store_idx %arg9[%broadcast_in_dim3A_184, %select_n3A_474, %add3A_183], %mul3A_476 : memref<2x32x256xf32, #tpu.memory_space<vmem>>[vector<16xi32>, vector<16xi32>, vector<16xi32>], vector<16xf32>,
          %add3A_477 = arith.constant 11 : i32
          %add3A_478 = vector.broadcast %add3A_477 : i32 to vector<16xi32>
          %add3A_479 = arith.addi %iota3A, %add3A_478 : vector<16xi32>
          %jit3A_480 = arith.constant 32 : i32
          %eq3A_481 = arith.constant 0 : i32
          %eq3A_482 = arith.cmpi eq, %jit3A_480, %eq3A_481 : i32
          %jit3A_483 = arith.constant 1 : i32
          %select_n3A_484 = arith.select %eq3A_482, %jit3A_483, %jit3A_480 : i32
          %rem3A_485 = vector.broadcast %select_n3A_484 : i32 to vector<16xi32>
          %rem3A_486 = arith.remsi %add3A_479, %rem3A_485 : vector<16xi32>
          %ne3A_487 = arith.constant 0 : i32
          %ne3A_488 = vector.broadcast %ne3A_487 : i32 to vector<16xi32>
          %ne3A_489 = arith.cmpi ne, %rem3A_486, %ne3A_488 : vector<16xi32>
          %lt3A_490 = arith.constant 0 : i32
          %lt3A_491 = vector.broadcast %lt3A_490 : i32 to vector<16xi32>
          %lt3A_492 = arith.cmpi slt, %rem3A_486, %lt3A_491 : vector<16xi32>
          %lt3A_493 = arith.constant 0 : i32
          %lt3A_494 = arith.cmpi slt, %select_n3A_484, %lt3A_493 : i32
          %ne3A_495 = vector.broadcast %lt3A_494 : i1 to vector<16xi1>
          %ne3A_496 = vector.broadcast %ne3A_495 : vector<16xi1> to vector<16xi1>
          %ne3A_497 = arith.xori %lt3A_492, %ne3A_496 : vector<16xi1>
          %and3A_498 = arith.andi %ne3A_497, %ne3A_489 : vector<16xi1>
          %add3A_499 = vector.broadcast %select_n3A_484 : i32 to vector<16xi32>
          %add3A_500 = arith.addi %rem3A_486, %add3A_499 : vector<16xi32>
          %select_n3A_501 = arith.select %and3A_498, %add3A_500, %rem3A_486 : vector<16xi1>, vector<16xi32>
          %gather3A_502 = tpu.vector_load_idx %arg8[%add3A_181, %select_n3A_501] : memref<512x32xf32, #tpu.memory_space<vmem>>[vector<16xi32>, vector<16xi32>], vector<16xf32>,
          %mul3A_503 = arith.mulf %gather3A_502, %get3A_186 : vector<16xf32>
          tpu.vector_store_idx %arg9[%broadcast_in_dim3A_184, %select_n3A_501, %add3A_183], %mul3A_503 : memref<2x32x256xf32, #tpu.memory_space<vmem>>[vector<16xi32>, vector<16xi32>, vector<16xi32>], vector<16xf32>,
          %add3A_504 = arith.constant 12 : i32
          %add3A_505 = vector.broadcast %add3A_504 : i32 to vector<16xi32>
          %add3A_506 = arith.addi %iota3A, %add3A_505 : vector<16xi32>
          %jit3A_507 = arith.constant 32 : i32
          %eq3A_508 = arith.constant 0 : i32
          %eq3A_509 = arith.cmpi eq, %jit3A_507, %eq3A_508 : i32
          %jit3A_510 = arith.constant 1 : i32
          %select_n3A_511 = arith.select %eq3A_509, %jit3A_510, %jit3A_507 : i32
          %rem3A_512 = vector.broadcast %select_n3A_511 : i32 to vector<16xi32>
          %rem3A_513 = arith.remsi %add3A_506, %rem3A_512 : vector<16xi32>
          %ne3A_514 = arith.constant 0 : i32
          %ne3A_515 = vector.broadcast %ne3A_514 : i32 to vector<16xi32>
          %ne3A_516 = arith.cmpi ne, %rem3A_513, %ne3A_515 : vector<16xi32>
          %lt3A_517 = arith.constant 0 : i32
          %lt3A_518 = vector.broadcast %lt3A_517 : i32 to vector<16xi32>
          %lt3A_519 = arith.cmpi slt, %rem3A_513, %lt3A_518 : vector<16xi32>
          %lt3A_520 = arith.constant 0 : i32
          %lt3A_521 = arith.cmpi slt, %select_n3A_511, %lt3A_520 : i32
          %ne3A_522 = vector.broadcast %lt3A_521 : i1 to vector<16xi1>
          %ne3A_523 = vector.broadcast %ne3A_522 : vector<16xi1> to vector<16xi1>
          %ne3A_524 = arith.xori %lt3A_519, %ne3A_523 : vector<16xi1>
          %and3A_525 = arith.andi %ne3A_524, %ne3A_516 : vector<16xi1>
          %add3A_526 = vector.broadcast %select_n3A_511 : i32 to vector<16xi32>
          %add3A_527 = arith.addi %rem3A_513, %add3A_526 : vector<16xi32>
          %select_n3A_528 = arith.select %and3A_525, %add3A_527, %rem3A_513 : vector<16xi1>, vector<16xi32>
          %gather3A_529 = tpu.vector_load_idx %arg8[%add3A_181, %select_n3A_528] : memref<512x32xf32, #tpu.memory_space<vmem>>[vector<16xi32>, vector<16xi32>], vector<16xf32>,
          %mul3A_530 = arith.mulf %gather3A_529, %get3A_186 : vector<16xf32>
          tpu.vector_store_idx %arg9[%broadcast_in_dim3A_184, %select_n3A_528, %add3A_183], %mul3A_530 : memref<2x32x256xf32, #tpu.memory_space<vmem>>[vector<16xi32>, vector<16xi32>, vector<16xi32>], vector<16xf32>,
          %add3A_531 = arith.constant 13 : i32
          %add3A_532 = vector.broadcast %add3A_531 : i32 to vector<16xi32>
          %add3A_533 = arith.addi %iota3A, %add3A_532 : vector<16xi32>
          %jit3A_534 = arith.constant 32 : i32
          %eq3A_535 = arith.constant 0 : i32
          %eq3A_536 = arith.cmpi eq, %jit3A_534, %eq3A_535 : i32
          %jit3A_537 = arith.constant 1 : i32
          %select_n3A_538 = arith.select %eq3A_536, %jit3A_537, %jit3A_534 : i32
          %rem3A_539 = vector.broadcast %select_n3A_538 : i32 to vector<16xi32>
          %rem3A_540 = arith.remsi %add3A_533, %rem3A_539 : vector<16xi32>
          %ne3A_541 = arith.constant 0 : i32
          %ne3A_542 = vector.broadcast %ne3A_541 : i32 to vector<16xi32>
          %ne3A_543 = arith.cmpi ne, %rem3A_540, %ne3A_542 : vector<16xi32>
          %lt3A_544 = arith.constant 0 : i32
          %lt3A_545 = vector.broadcast %lt3A_544 : i32 to vector<16xi32>
          %lt3A_546 = arith.cmpi slt, %rem3A_540, %lt3A_545 : vector<16xi32>
          %lt3A_547 = arith.constant 0 : i32
          %lt3A_548 = arith.cmpi slt, %select_n3A_538, %lt3A_547 : i32
          %ne3A_549 = vector.broadcast %lt3A_548 : i1 to vector<16xi1>
          %ne3A_550 = vector.broadcast %ne3A_549 : vector<16xi1> to vector<16xi1>
          %ne3A_551 = arith.xori %lt3A_546, %ne3A_550 : vector<16xi1>
          %and3A_552 = arith.andi %ne3A_551, %ne3A_543 : vector<16xi1>
          %add3A_553 = vector.broadcast %select_n3A_538 : i32 to vector<16xi32>
          %add3A_554 = arith.addi %rem3A_540, %add3A_553 : vector<16xi32>
          %select_n3A_555 = arith.select %and3A_552, %add3A_554, %rem3A_540 : vector<16xi1>, vector<16xi32>
          %gather3A_556 = tpu.vector_load_idx %arg8[%add3A_181, %select_n3A_555] : memref<512x32xf32, #tpu.memory_space<vmem>>[vector<16xi32>, vector<16xi32>], vector<16xf32>,
          %mul3A_557 = arith.mulf %gather3A_556, %get3A_186 : vector<16xf32>
          tpu.vector_store_idx %arg9[%broadcast_in_dim3A_184, %select_n3A_555, %add3A_183], %mul3A_557 : memref<2x32x256xf32, #tpu.memory_space<vmem>>[vector<16xi32>, vector<16xi32>, vector<16xi32>], vector<16xf32>,
          %add3A_558 = arith.constant 14 : i32
          %add3A_559 = vector.broadcast %add3A_558 : i32 to vector<16xi32>
          %add3A_560 = arith.addi %iota3A, %add3A_559 : vector<16xi32>
          %jit3A_561 = arith.constant 32 : i32
          %eq3A_562 = arith.constant 0 : i32
          %eq3A_563 = arith.cmpi eq, %jit3A_561, %eq3A_562 : i32
          %jit3A_564 = arith.constant 1 : i32
          %select_n3A_565 = arith.select %eq3A_563, %jit3A_564, %jit3A_561 : i32
          %rem3A_566 = vector.broadcast %select_n3A_565 : i32 to vector<16xi32>
          %rem3A_567 = arith.remsi %add3A_560, %rem3A_566 : vector<16xi32>
          %ne3A_568 = arith.constant 0 : i32
          %ne3A_569 = vector.broadcast %ne3A_568 : i32 to vector<16xi32>
          %ne3A_570 = arith.cmpi ne, %rem3A_567, %ne3A_569 : vector<16xi32>
          %lt3A_571 = arith.constant 0 : i32
          %lt3A_572 = vector.broadcast %lt3A_571 : i32 to vector<16xi32>
          %lt3A_573 = arith.cmpi slt, %rem3A_567, %lt3A_572 : vector<16xi32>
          %lt3A_574 = arith.constant 0 : i32
          %lt3A_575 = arith.cmpi slt, %select_n3A_565, %lt3A_574 : i32
          %ne3A_576 = vector.broadcast %lt3A_575 : i1 to vector<16xi1>
          %ne3A_577 = vector.broadcast %ne3A_576 : vector<16xi1> to vector<16xi1>
          %ne3A_578 = arith.xori %lt3A_573, %ne3A_577 : vector<16xi1>
          %and3A_579 = arith.andi %ne3A_578, %ne3A_570 : vector<16xi1>
          %add3A_580 = vector.broadcast %select_n3A_565 : i32 to vector<16xi32>
          %add3A_581 = arith.addi %rem3A_567, %add3A_580 : vector<16xi32>
          %select_n3A_582 = arith.select %and3A_579, %add3A_581, %rem3A_567 : vector<16xi1>, vector<16xi32>
          %gather3A_583 = tpu.vector_load_idx %arg8[%add3A_181, %select_n3A_582] : memref<512x32xf32, #tpu.memory_space<vmem>>[vector<16xi32>, vector<16xi32>], vector<16xf32>,
          %mul3A_584 = arith.mulf %gather3A_583, %get3A_186 : vector<16xf32>
          tpu.vector_store_idx %arg9[%broadcast_in_dim3A_184, %select_n3A_582, %add3A_183], %mul3A_584 : memref<2x32x256xf32, #tpu.memory_space<vmem>>[vector<16xi32>, vector<16xi32>, vector<16xi32>], vector<16xf32>,
          %add3A_585 = arith.constant 15 : i32
          %add3A_586 = vector.broadcast %add3A_585 : i32 to vector<16xi32>
          %add3A_587 = arith.addi %iota3A, %add3A_586 : vector<16xi32>
          %jit3A_588 = arith.constant 32 : i32
          %eq3A_589 = arith.constant 0 : i32
          %eq3A_590 = arith.cmpi eq, %jit3A_588, %eq3A_589 : i32
          %jit3A_591 = arith.constant 1 : i32
          %select_n3A_592 = arith.select %eq3A_590, %jit3A_591, %jit3A_588 : i32
          %rem3A_593 = vector.broadcast %select_n3A_592 : i32 to vector<16xi32>
          %rem3A_594 = arith.remsi %add3A_587, %rem3A_593 : vector<16xi32>
          %ne3A_595 = arith.constant 0 : i32
          %ne3A_596 = vector.broadcast %ne3A_595 : i32 to vector<16xi32>
          %ne3A_597 = arith.cmpi ne, %rem3A_594, %ne3A_596 : vector<16xi32>
          %lt3A_598 = arith.constant 0 : i32
          %lt3A_599 = vector.broadcast %lt3A_598 : i32 to vector<16xi32>
          %lt3A_600 = arith.cmpi slt, %rem3A_594, %lt3A_599 : vector<16xi32>
          %lt3A_601 = arith.constant 0 : i32
          %lt3A_602 = arith.cmpi slt, %select_n3A_592, %lt3A_601 : i32
          %ne3A_603 = vector.broadcast %lt3A_602 : i1 to vector<16xi1>
          %ne3A_604 = vector.broadcast %ne3A_603 : vector<16xi1> to vector<16xi1>
          %ne3A_605 = arith.xori %lt3A_600, %ne3A_604 : vector<16xi1>
          %and3A_606 = arith.andi %ne3A_605, %ne3A_597 : vector<16xi1>
          %add3A_607 = vector.broadcast %select_n3A_592 : i32 to vector<16xi32>
          %add3A_608 = arith.addi %rem3A_594, %add3A_607 : vector<16xi32>
          %select_n3A_609 = arith.select %and3A_606, %add3A_608, %rem3A_594 : vector<16xi1>, vector<16xi32>
          %gather3A_610 = tpu.vector_load_idx %arg8[%add3A_181, %select_n3A_609] : memref<512x32xf32, #tpu.memory_space<vmem>>[vector<16xi32>, vector<16xi32>], vector<16xf32>,
          %mul3A_611 = arith.mulf %gather3A_610, %get3A_186 : vector<16xf32>
          tpu.vector_store_idx %arg9[%broadcast_in_dim3A_184, %select_n3A_609, %add3A_183], %mul3A_611 : memref<2x32x256xf32, #tpu.memory_space<vmem>>[vector<16xi32>, vector<16xi32>, vector<16xi32>], vector<16xf32>,
          %add3A_612 = arith.constant 16 : i32
          %add3A_613 = vector.broadcast %add3A_612 : i32 to vector<16xi32>
          %add3A_614 = arith.addi %iota3A, %add3A_613 : vector<16xi32>
          %jit3A_615 = arith.constant 32 : i32
          %eq3A_616 = arith.constant 0 : i32
          %eq3A_617 = arith.cmpi eq, %jit3A_615, %eq3A_616 : i32
          %jit3A_618 = arith.constant 1 : i32
          %select_n3A_619 = arith.select %eq3A_617, %jit3A_618, %jit3A_615 : i32
          %rem3A_620 = vector.broadcast %select_n3A_619 : i32 to vector<16xi32>
          %rem3A_621 = arith.remsi %add3A_614, %rem3A_620 : vector<16xi32>
          %ne3A_622 = arith.constant 0 : i32
          %ne3A_623 = vector.broadcast %ne3A_622 : i32 to vector<16xi32>
          %ne3A_624 = arith.cmpi ne, %rem3A_621, %ne3A_623 : vector<16xi32>
          %lt3A_625 = arith.constant 0 : i32
          %lt3A_626 = vector.broadcast %lt3A_625 : i32 to vector<16xi32>
          %lt3A_627 = arith.cmpi slt, %rem3A_621, %lt3A_626 : vector<16xi32>
          %lt3A_628 = arith.constant 0 : i32
          %lt3A_629 = arith.cmpi slt, %select_n3A_619, %lt3A_628 : i32
          %ne3A_630 = vector.broadcast %lt3A_629 : i1 to vector<16xi1>
          %ne3A_631 = vector.broadcast %ne3A_630 : vector<16xi1> to vector<16xi1>
          %ne3A_632 = arith.xori %lt3A_627, %ne3A_631 : vector<16xi1>
          %and3A_633 = arith.andi %ne3A_632, %ne3A_624 : vector<16xi1>
          %add3A_634 = vector.broadcast %select_n3A_619 : i32 to vector<16xi32>
          %add3A_635 = arith.addi %rem3A_621, %add3A_634 : vector<16xi32>
          %select_n3A_636 = arith.select %and3A_633, %add3A_635, %rem3A_621 : vector<16xi1>, vector<16xi32>
          %gather3A_637 = tpu.vector_load_idx %arg8[%add3A_181, %select_n3A_636] : memref<512x32xf32, #tpu.memory_space<vmem>>[vector<16xi32>, vector<16xi32>], vector<16xf32>,
          %mul3A_638 = arith.mulf %gather3A_637, %get3A_186 : vector<16xf32>
          tpu.vector_store_idx %arg9[%broadcast_in_dim3A_184, %select_n3A_636, %add3A_183], %mul3A_638 : memref<2x32x256xf32, #tpu.memory_space<vmem>>[vector<16xi32>, vector<16xi32>, vector<16xi32>], vector<16xf32>,
          %add3A_639 = arith.constant 17 : i32
          %add3A_640 = vector.broadcast %add3A_639 : i32 to vector<16xi32>
          %add3A_641 = arith.addi %iota3A, %add3A_640 : vector<16xi32>
          %jit3A_642 = arith.constant 32 : i32
          %eq3A_643 = arith.constant 0 : i32
          %eq3A_644 = arith.cmpi eq, %jit3A_642, %eq3A_643 : i32
          %jit3A_645 = arith.constant 1 : i32
          %select_n3A_646 = arith.select %eq3A_644, %jit3A_645, %jit3A_642 : i32
          %rem3A_647 = vector.broadcast %select_n3A_646 : i32 to vector<16xi32>
          %rem3A_648 = arith.remsi %add3A_641, %rem3A_647 : vector<16xi32>
          %ne3A_649 = arith.constant 0 : i32
          %ne3A_650 = vector.broadcast %ne3A_649 : i32 to vector<16xi32>
          %ne3A_651 = arith.cmpi ne, %rem3A_648, %ne3A_650 : vector<16xi32>
          %lt3A_652 = arith.constant 0 : i32
          %lt3A_653 = vector.broadcast %lt3A_652 : i32 to vector<16xi32>
          %lt3A_654 = arith.cmpi slt, %rem3A_648, %lt3A_653 : vector<16xi32>
          %lt3A_655 = arith.constant 0 : i32
          %lt3A_656 = arith.cmpi slt, %select_n3A_646, %lt3A_655 : i32
          %ne3A_657 = vector.broadcast %lt3A_656 : i1 to vector<16xi1>
          %ne3A_658 = vector.broadcast %ne3A_657 : vector<16xi1> to vector<16xi1>
          %ne3A_659 = arith.xori %lt3A_654, %ne3A_658 : vector<16xi1>
          %and3A_660 = arith.andi %ne3A_659, %ne3A_651 : vector<16xi1>
          %add3A_661 = vector.broadcast %select_n3A_646 : i32 to vector<16xi32>
          %add3A_662 = arith.addi %rem3A_648, %add3A_661 : vector<16xi32>
          %select_n3A_663 = arith.select %and3A_660, %add3A_662, %rem3A_648 : vector<16xi1>, vector<16xi32>
          %gather3A_664 = tpu.vector_load_idx %arg8[%add3A_181, %select_n3A_663] : memref<512x32xf32, #tpu.memory_space<vmem>>[vector<16xi32>, vector<16xi32>], vector<16xf32>,
          %mul3A_665 = arith.mulf %gather3A_664, %get3A_186 : vector<16xf32>
          tpu.vector_store_idx %arg9[%broadcast_in_dim3A_184, %select_n3A_663, %add3A_183], %mul3A_665 : memref<2x32x256xf32, #tpu.memory_space<vmem>>[vector<16xi32>, vector<16xi32>, vector<16xi32>], vector<16xf32>,
          %add3A_666 = arith.constant 18 : i32
          %add3A_667 = vector.broadcast %add3A_666 : i32 to vector<16xi32>
          %add3A_668 = arith.addi %iota3A, %add3A_667 : vector<16xi32>
          %jit3A_669 = arith.constant 32 : i32
          %eq3A_670 = arith.constant 0 : i32
          %eq3A_671 = arith.cmpi eq, %jit3A_669, %eq3A_670 : i32
          %jit3A_672 = arith.constant 1 : i32
          %select_n3A_673 = arith.select %eq3A_671, %jit3A_672, %jit3A_669 : i32
          %rem3A_674 = vector.broadcast %select_n3A_673 : i32 to vector<16xi32>
          %rem3A_675 = arith.remsi %add3A_668, %rem3A_674 : vector<16xi32>
          %ne3A_676 = arith.constant 0 : i32
          %ne3A_677 = vector.broadcast %ne3A_676 : i32 to vector<16xi32>
          %ne3A_678 = arith.cmpi ne, %rem3A_675, %ne3A_677 : vector<16xi32>
          %lt3A_679 = arith.constant 0 : i32
          %lt3A_680 = vector.broadcast %lt3A_679 : i32 to vector<16xi32>
          %lt3A_681 = arith.cmpi slt, %rem3A_675, %lt3A_680 : vector<16xi32>
          %lt3A_682 = arith.constant 0 : i32
          %lt3A_683 = arith.cmpi slt, %select_n3A_673, %lt3A_682 : i32
          %ne3A_684 = vector.broadcast %lt3A_683 : i1 to vector<16xi1>
          %ne3A_685 = vector.broadcast %ne3A_684 : vector<16xi1> to vector<16xi1>
          %ne3A_686 = arith.xori %lt3A_681, %ne3A_685 : vector<16xi1>
          %and3A_687 = arith.andi %ne3A_686, %ne3A_678 : vector<16xi1>
          %add3A_688 = vector.broadcast %select_n3A_673 : i32 to vector<16xi32>
          %add3A_689 = arith.addi %rem3A_675, %add3A_688 : vector<16xi32>
          %select_n3A_690 = arith.select %and3A_687, %add3A_689, %rem3A_675 : vector<16xi1>, vector<16xi32>
          %gather3A_691 = tpu.vector_load_idx %arg8[%add3A_181, %select_n3A_690] : memref<512x32xf32, #tpu.memory_space<vmem>>[vector<16xi32>, vector<16xi32>], vector<16xf32>,
          %mul3A_692 = arith.mulf %gather3A_691, %get3A_186 : vector<16xf32>
          tpu.vector_store_idx %arg9[%broadcast_in_dim3A_184, %select_n3A_690, %add3A_183], %mul3A_692 : memref<2x32x256xf32, #tpu.memory_space<vmem>>[vector<16xi32>, vector<16xi32>, vector<16xi32>], vector<16xf32>,
          %add3A_693 = arith.constant 19 : i32
          %add3A_694 = vector.broadcast %add3A_693 : i32 to vector<16xi32>
          %add3A_695 = arith.addi %iota3A, %add3A_694 : vector<16xi32>
          %jit3A_696 = arith.constant 32 : i32
          %eq3A_697 = arith.constant 0 : i32
          %eq3A_698 = arith.cmpi eq, %jit3A_696, %eq3A_697 : i32
          %jit3A_699 = arith.constant 1 : i32
          %select_n3A_700 = arith.select %eq3A_698, %jit3A_699, %jit3A_696 : i32
          %rem3A_701 = vector.broadcast %select_n3A_700 : i32 to vector<16xi32>
          %rem3A_702 = arith.remsi %add3A_695, %rem3A_701 : vector<16xi32>
          %ne3A_703 = arith.constant 0 : i32
          %ne3A_704 = vector.broadcast %ne3A_703 : i32 to vector<16xi32>
          %ne3A_705 = arith.cmpi ne, %rem3A_702, %ne3A_704 : vector<16xi32>
          %lt3A_706 = arith.constant 0 : i32
          %lt3A_707 = vector.broadcast %lt3A_706 : i32 to vector<16xi32>
          %lt3A_708 = arith.cmpi slt, %rem3A_702, %lt3A_707 : vector<16xi32>
          %lt3A_709 = arith.constant 0 : i32
          %lt3A_710 = arith.cmpi slt, %select_n3A_700, %lt3A_709 : i32
          %ne3A_711 = vector.broadcast %lt3A_710 : i1 to vector<16xi1>
          %ne3A_712 = vector.broadcast %ne3A_711 : vector<16xi1> to vector<16xi1>
          %ne3A_713 = arith.xori %lt3A_708, %ne3A_712 : vector<16xi1>
          %and3A_714 = arith.andi %ne3A_713, %ne3A_705 : vector<16xi1>
          %add3A_715 = vector.broadcast %select_n3A_700 : i32 to vector<16xi32>
          %add3A_716 = arith.addi %rem3A_702, %add3A_715 : vector<16xi32>
          %select_n3A_717 = arith.select %and3A_714, %add3A_716, %rem3A_702 : vector<16xi1>, vector<16xi32>
          %gather3A_718 = tpu.vector_load_idx %arg8[%add3A_181, %select_n3A_717] : memref<512x32xf32, #tpu.memory_space<vmem>>[vector<16xi32>, vector<16xi32>], vector<16xf32>,
          %mul3A_719 = arith.mulf %gather3A_718, %get3A_186 : vector<16xf32>
          tpu.vector_store_idx %arg9[%broadcast_in_dim3A_184, %select_n3A_717, %add3A_183], %mul3A_719 : memref<2x32x256xf32, #tpu.memory_space<vmem>>[vector<16xi32>, vector<16xi32>, vector<16xi32>], vector<16xf32>,
          %add3A_720 = arith.constant 20 : i32
          %add3A_721 = vector.broadcast %add3A_720 : i32 to vector<16xi32>
          %add3A_722 = arith.addi %iota3A, %add3A_721 : vector<16xi32>
          %jit3A_723 = arith.constant 32 : i32
          %eq3A_724 = arith.constant 0 : i32
          %eq3A_725 = arith.cmpi eq, %jit3A_723, %eq3A_724 : i32
          %jit3A_726 = arith.constant 1 : i32
          %select_n3A_727 = arith.select %eq3A_725, %jit3A_726, %jit3A_723 : i32
          %rem3A_728 = vector.broadcast %select_n3A_727 : i32 to vector<16xi32>
          %rem3A_729 = arith.remsi %add3A_722, %rem3A_728 : vector<16xi32>
          %ne3A_730 = arith.constant 0 : i32
          %ne3A_731 = vector.broadcast %ne3A_730 : i32 to vector<16xi32>
          %ne3A_732 = arith.cmpi ne, %rem3A_729, %ne3A_731 : vector<16xi32>
          %lt3A_733 = arith.constant 0 : i32
          %lt3A_734 = vector.broadcast %lt3A_733 : i32 to vector<16xi32>
          %lt3A_735 = arith.cmpi slt, %rem3A_729, %lt3A_734 : vector<16xi32>
          %lt3A_736 = arith.constant 0 : i32
          %lt3A_737 = arith.cmpi slt, %select_n3A_727, %lt3A_736 : i32
          %ne3A_738 = vector.broadcast %lt3A_737 : i1 to vector<16xi1>
          %ne3A_739 = vector.broadcast %ne3A_738 : vector<16xi1> to vector<16xi1>
          %ne3A_740 = arith.xori %lt3A_735, %ne3A_739 : vector<16xi1>
          %and3A_741 = arith.andi %ne3A_740, %ne3A_732 : vector<16xi1>
          %add3A_742 = vector.broadcast %select_n3A_727 : i32 to vector<16xi32>
          %add3A_743 = arith.addi %rem3A_729, %add3A_742 : vector<16xi32>
          %select_n3A_744 = arith.select %and3A_741, %add3A_743, %rem3A_729 : vector<16xi1>, vector<16xi32>
          %gather3A_745 = tpu.vector_load_idx %arg8[%add3A_181, %select_n3A_744] : memref<512x32xf32, #tpu.memory_space<vmem>>[vector<16xi32>, vector<16xi32>], vector<16xf32>,
          %mul3A_746 = arith.mulf %gather3A_745, %get3A_186 : vector<16xf32>
          tpu.vector_store_idx %arg9[%broadcast_in_dim3A_184, %select_n3A_744, %add3A_183], %mul3A_746 : memref<2x32x256xf32, #tpu.memory_space<vmem>>[vector<16xi32>, vector<16xi32>, vector<16xi32>], vector<16xf32>,
          %add3A_747 = arith.constant 21 : i32
          %add3A_748 = vector.broadcast %add3A_747 : i32 to vector<16xi32>
          %add3A_749 = arith.addi %iota3A, %add3A_748 : vector<16xi32>
          %jit3A_750 = arith.constant 32 : i32
          %eq3A_751 = arith.constant 0 : i32
          %eq3A_752 = arith.cmpi eq, %jit3A_750, %eq3A_751 : i32
          %jit3A_753 = arith.constant 1 : i32
          %select_n3A_754 = arith.select %eq3A_752, %jit3A_753, %jit3A_750 : i32
          %rem3A_755 = vector.broadcast %select_n3A_754 : i32 to vector<16xi32>
          %rem3A_756 = arith.remsi %add3A_749, %rem3A_755 : vector<16xi32>
          %ne3A_757 = arith.constant 0 : i32
          %ne3A_758 = vector.broadcast %ne3A_757 : i32 to vector<16xi32>
          %ne3A_759 = arith.cmpi ne, %rem3A_756, %ne3A_758 : vector<16xi32>
          %lt3A_760 = arith.constant 0 : i32
          %lt3A_761 = vector.broadcast %lt3A_760 : i32 to vector<16xi32>
          %lt3A_762 = arith.cmpi slt, %rem3A_756, %lt3A_761 : vector<16xi32>
          %lt3A_763 = arith.constant 0 : i32
          %lt3A_764 = arith.cmpi slt, %select_n3A_754, %lt3A_763 : i32
          %ne3A_765 = vector.broadcast %lt3A_764 : i1 to vector<16xi1>
          %ne3A_766 = vector.broadcast %ne3A_765 : vector<16xi1> to vector<16xi1>
          %ne3A_767 = arith.xori %lt3A_762, %ne3A_766 : vector<16xi1>
          %and3A_768 = arith.andi %ne3A_767, %ne3A_759 : vector<16xi1>
          %add3A_769 = vector.broadcast %select_n3A_754 : i32 to vector<16xi32>
          %add3A_770 = arith.addi %rem3A_756, %add3A_769 : vector<16xi32>
          %select_n3A_771 = arith.select %and3A_768, %add3A_770, %rem3A_756 : vector<16xi1>, vector<16xi32>
          %gather3A_772 = tpu.vector_load_idx %arg8[%add3A_181, %select_n3A_771] : memref<512x32xf32, #tpu.memory_space<vmem>>[vector<16xi32>, vector<16xi32>], vector<16xf32>,
          %mul3A_773 = arith.mulf %gather3A_772, %get3A_186 : vector<16xf32>
          tpu.vector_store_idx %arg9[%broadcast_in_dim3A_184, %select_n3A_771, %add3A_183], %mul3A_773 : memref<2x32x256xf32, #tpu.memory_space<vmem>>[vector<16xi32>, vector<16xi32>, vector<16xi32>], vector<16xf32>,
          %add3A_774 = arith.constant 22 : i32
          %add3A_775 = vector.broadcast %add3A_774 : i32 to vector<16xi32>
          %add3A_776 = arith.addi %iota3A, %add3A_775 : vector<16xi32>
          %jit3A_777 = arith.constant 32 : i32
          %eq3A_778 = arith.constant 0 : i32
          %eq3A_779 = arith.cmpi eq, %jit3A_777, %eq3A_778 : i32
          %jit3A_780 = arith.constant 1 : i32
          %select_n3A_781 = arith.select %eq3A_779, %jit3A_780, %jit3A_777 : i32
          %rem3A_782 = vector.broadcast %select_n3A_781 : i32 to vector<16xi32>
          %rem3A_783 = arith.remsi %add3A_776, %rem3A_782 : vector<16xi32>
          %ne3A_784 = arith.constant 0 : i32
          %ne3A_785 = vector.broadcast %ne3A_784 : i32 to vector<16xi32>
          %ne3A_786 = arith.cmpi ne, %rem3A_783, %ne3A_785 : vector<16xi32>
          %lt3A_787 = arith.constant 0 : i32
          %lt3A_788 = vector.broadcast %lt3A_787 : i32 to vector<16xi32>
          %lt3A_789 = arith.cmpi slt, %rem3A_783, %lt3A_788 : vector<16xi32>
          %lt3A_790 = arith.constant 0 : i32
          %lt3A_791 = arith.cmpi slt, %select_n3A_781, %lt3A_790 : i32
          %ne3A_792 = vector.broadcast %lt3A_791 : i1 to vector<16xi1>
          %ne3A_793 = vector.broadcast %ne3A_792 : vector<16xi1> to vector<16xi1>
          %ne3A_794 = arith.xori %lt3A_789, %ne3A_793 : vector<16xi1>
          %and3A_795 = arith.andi %ne3A_794, %ne3A_786 : vector<16xi1>
          %add3A_796 = vector.broadcast %select_n3A_781 : i32 to vector<16xi32>
          %add3A_797 = arith.addi %rem3A_783, %add3A_796 : vector<16xi32>
          %select_n3A_798 = arith.select %and3A_795, %add3A_797, %rem3A_783 : vector<16xi1>, vector<16xi32>
          %gather3A_799 = tpu.vector_load_idx %arg8[%add3A_181, %select_n3A_798] : memref<512x32xf32, #tpu.memory_space<vmem>>[vector<16xi32>, vector<16xi32>], vector<16xf32>,
          %mul3A_800 = arith.mulf %gather3A_799, %get3A_186 : vector<16xf32>
          tpu.vector_store_idx %arg9[%broadcast_in_dim3A_184, %select_n3A_798, %add3A_183], %mul3A_800 : memref<2x32x256xf32, #tpu.memory_space<vmem>>[vector<16xi32>, vector<16xi32>, vector<16xi32>], vector<16xf32>,
          %add3A_801 = arith.constant 23 : i32
          %add3A_802 = vector.broadcast %add3A_801 : i32 to vector<16xi32>
          %add3A_803 = arith.addi %iota3A, %add3A_802 : vector<16xi32>
          %jit3A_804 = arith.constant 32 : i32
          %eq3A_805 = arith.constant 0 : i32
          %eq3A_806 = arith.cmpi eq, %jit3A_804, %eq3A_805 : i32
          %jit3A_807 = arith.constant 1 : i32
          %select_n3A_808 = arith.select %eq3A_806, %jit3A_807, %jit3A_804 : i32
          %rem3A_809 = vector.broadcast %select_n3A_808 : i32 to vector<16xi32>
          %rem3A_810 = arith.remsi %add3A_803, %rem3A_809 : vector<16xi32>
          %ne3A_811 = arith.constant 0 : i32
          %ne3A_812 = vector.broadcast %ne3A_811 : i32 to vector<16xi32>
          %ne3A_813 = arith.cmpi ne, %rem3A_810, %ne3A_812 : vector<16xi32>
          %lt3A_814 = arith.constant 0 : i32
          %lt3A_815 = vector.broadcast %lt3A_814 : i32 to vector<16xi32>
          %lt3A_816 = arith.cmpi slt, %rem3A_810, %lt3A_815 : vector<16xi32>
          %lt3A_817 = arith.constant 0 : i32
          %lt3A_818 = arith.cmpi slt, %select_n3A_808, %lt3A_817 : i32
          %ne3A_819 = vector.broadcast %lt3A_818 : i1 to vector<16xi1>
          %ne3A_820 = vector.broadcast %ne3A_819 : vector<16xi1> to vector<16xi1>
          %ne3A_821 = arith.xori %lt3A_816, %ne3A_820 : vector<16xi1>
          %and3A_822 = arith.andi %ne3A_821, %ne3A_813 : vector<16xi1>
          %add3A_823 = vector.broadcast %select_n3A_808 : i32 to vector<16xi32>
          %add3A_824 = arith.addi %rem3A_810, %add3A_823 : vector<16xi32>
          %select_n3A_825 = arith.select %and3A_822, %add3A_824, %rem3A_810 : vector<16xi1>, vector<16xi32>
          %gather3A_826 = tpu.vector_load_idx %arg8[%add3A_181, %select_n3A_825] : memref<512x32xf32, #tpu.memory_space<vmem>>[vector<16xi32>, vector<16xi32>], vector<16xf32>,
          %mul3A_827 = arith.mulf %gather3A_826, %get3A_186 : vector<16xf32>
          tpu.vector_store_idx %arg9[%broadcast_in_dim3A_184, %select_n3A_825, %add3A_183], %mul3A_827 : memref<2x32x256xf32, #tpu.memory_space<vmem>>[vector<16xi32>, vector<16xi32>, vector<16xi32>], vector<16xf32>,
          %add3A_828 = arith.constant 24 : i32
          %add3A_829 = vector.broadcast %add3A_828 : i32 to vector<16xi32>
          %add3A_830 = arith.addi %iota3A, %add3A_829 : vector<16xi32>
          %jit3A_831 = arith.constant 32 : i32
          %eq3A_832 = arith.constant 0 : i32
          %eq3A_833 = arith.cmpi eq, %jit3A_831, %eq3A_832 : i32
          %jit3A_834 = arith.constant 1 : i32
          %select_n3A_835 = arith.select %eq3A_833, %jit3A_834, %jit3A_831 : i32
          %rem3A_836 = vector.broadcast %select_n3A_835 : i32 to vector<16xi32>
          %rem3A_837 = arith.remsi %add3A_830, %rem3A_836 : vector<16xi32>
          %ne3A_838 = arith.constant 0 : i32
          %ne3A_839 = vector.broadcast %ne3A_838 : i32 to vector<16xi32>
          %ne3A_840 = arith.cmpi ne, %rem3A_837, %ne3A_839 : vector<16xi32>
          %lt3A_841 = arith.constant 0 : i32
          %lt3A_842 = vector.broadcast %lt3A_841 : i32 to vector<16xi32>
          %lt3A_843 = arith.cmpi slt, %rem3A_837, %lt3A_842 : vector<16xi32>
          %lt3A_844 = arith.constant 0 : i32
          %lt3A_845 = arith.cmpi slt, %select_n3A_835, %lt3A_844 : i32
          %ne3A_846 = vector.broadcast %lt3A_845 : i1 to vector<16xi1>
          %ne3A_847 = vector.broadcast %ne3A_846 : vector<16xi1> to vector<16xi1>
          %ne3A_848 = arith.xori %lt3A_843, %ne3A_847 : vector<16xi1>
          %and3A_849 = arith.andi %ne3A_848, %ne3A_840 : vector<16xi1>
          %add3A_850 = vector.broadcast %select_n3A_835 : i32 to vector<16xi32>
          %add3A_851 = arith.addi %rem3A_837, %add3A_850 : vector<16xi32>
          %select_n3A_852 = arith.select %and3A_849, %add3A_851, %rem3A_837 : vector<16xi1>, vector<16xi32>
          %gather3A_853 = tpu.vector_load_idx %arg8[%add3A_181, %select_n3A_852] : memref<512x32xf32, #tpu.memory_space<vmem>>[vector<16xi32>, vector<16xi32>], vector<16xf32>,
          %mul3A_854 = arith.mulf %gather3A_853, %get3A_186 : vector<16xf32>
          tpu.vector_store_idx %arg9[%broadcast_in_dim3A_184, %select_n3A_852, %add3A_183], %mul3A_854 : memref<2x32x256xf32, #tpu.memory_space<vmem>>[vector<16xi32>, vector<16xi32>, vector<16xi32>], vector<16xf32>,
          %add3A_855 = arith.constant 25 : i32
          %add3A_856 = vector.broadcast %add3A_855 : i32 to vector<16xi32>
          %add3A_857 = arith.addi %iota3A, %add3A_856 : vector<16xi32>
          %jit3A_858 = arith.constant 32 : i32
          %eq3A_859 = arith.constant 0 : i32
          %eq3A_860 = arith.cmpi eq, %jit3A_858, %eq3A_859 : i32
          %jit3A_861 = arith.constant 1 : i32
          %select_n3A_862 = arith.select %eq3A_860, %jit3A_861, %jit3A_858 : i32
          %rem3A_863 = vector.broadcast %select_n3A_862 : i32 to vector<16xi32>
          %rem3A_864 = arith.remsi %add3A_857, %rem3A_863 : vector<16xi32>
          %ne3A_865 = arith.constant 0 : i32
          %ne3A_866 = vector.broadcast %ne3A_865 : i32 to vector<16xi32>
          %ne3A_867 = arith.cmpi ne, %rem3A_864, %ne3A_866 : vector<16xi32>
          %lt3A_868 = arith.constant 0 : i32
          %lt3A_869 = vector.broadcast %lt3A_868 : i32 to vector<16xi32>
          %lt3A_870 = arith.cmpi slt, %rem3A_864, %lt3A_869 : vector<16xi32>
          %lt3A_871 = arith.constant 0 : i32
          %lt3A_872 = arith.cmpi slt, %select_n3A_862, %lt3A_871 : i32
          %ne3A_873 = vector.broadcast %lt3A_872 : i1 to vector<16xi1>
          %ne3A_874 = vector.broadcast %ne3A_873 : vector<16xi1> to vector<16xi1>
          %ne3A_875 = arith.xori %lt3A_870, %ne3A_874 : vector<16xi1>
          %and3A_876 = arith.andi %ne3A_875, %ne3A_867 : vector<16xi1>
          %add3A_877 = vector.broadcast %select_n3A_862 : i32 to vector<16xi32>
          %add3A_878 = arith.addi %rem3A_864, %add3A_877 : vector<16xi32>
          %select_n3A_879 = arith.select %and3A_876, %add3A_878, %rem3A_864 : vector<16xi1>, vector<16xi32>
          %gather3A_880 = tpu.vector_load_idx %arg8[%add3A_181, %select_n3A_879] : memref<512x32xf32, #tpu.memory_space<vmem>>[vector<16xi32>, vector<16xi32>], vector<16xf32>,
          %mul3A_881 = arith.mulf %gather3A_880, %get3A_186 : vector<16xf32>
          tpu.vector_store_idx %arg9[%broadcast_in_dim3A_184, %select_n3A_879, %add3A_183], %mul3A_881 : memref<2x32x256xf32, #tpu.memory_space<vmem>>[vector<16xi32>, vector<16xi32>, vector<16xi32>], vector<16xf32>,
          %add3A_882 = arith.constant 26 : i32
          %add3A_883 = vector.broadcast %add3A_882 : i32 to vector<16xi32>
          %add3A_884 = arith.addi %iota3A, %add3A_883 : vector<16xi32>
          %jit3A_885 = arith.constant 32 : i32
          %eq3A_886 = arith.constant 0 : i32
          %eq3A_887 = arith.cmpi eq, %jit3A_885, %eq3A_886 : i32
          %jit3A_888 = arith.constant 1 : i32
          %select_n3A_889 = arith.select %eq3A_887, %jit3A_888, %jit3A_885 : i32
          %rem3A_890 = vector.broadcast %select_n3A_889 : i32 to vector<16xi32>
          %rem3A_891 = arith.remsi %add3A_884, %rem3A_890 : vector<16xi32>
          %ne3A_892 = arith.constant 0 : i32
          %ne3A_893 = vector.broadcast %ne3A_892 : i32 to vector<16xi32>
          %ne3A_894 = arith.cmpi ne, %rem3A_891, %ne3A_893 : vector<16xi32>
          %lt3A_895 = arith.constant 0 : i32
          %lt3A_896 = vector.broadcast %lt3A_895 : i32 to vector<16xi32>
          %lt3A_897 = arith.cmpi slt, %rem3A_891, %lt3A_896 : vector<16xi32>
          %lt3A_898 = arith.constant 0 : i32
          %lt3A_899 = arith.cmpi slt, %select_n3A_889, %lt3A_898 : i32
          %ne3A_900 = vector.broadcast %lt3A_899 : i1 to vector<16xi1>
          %ne3A_901 = vector.broadcast %ne3A_900 : vector<16xi1> to vector<16xi1>
          %ne3A_902 = arith.xori %lt3A_897, %ne3A_901 : vector<16xi1>
          %and3A_903 = arith.andi %ne3A_902, %ne3A_894 : vector<16xi1>
          %add3A_904 = vector.broadcast %select_n3A_889 : i32 to vector<16xi32>
          %add3A_905 = arith.addi %rem3A_891, %add3A_904 : vector<16xi32>
          %select_n3A_906 = arith.select %and3A_903, %add3A_905, %rem3A_891 : vector<16xi1>, vector<16xi32>
          %gather3A_907 = tpu.vector_load_idx %arg8[%add3A_181, %select_n3A_906] : memref<512x32xf32, #tpu.memory_space<vmem>>[vector<16xi32>, vector<16xi32>], vector<16xf32>,
          %mul3A_908 = arith.mulf %gather3A_907, %get3A_186 : vector<16xf32>
          tpu.vector_store_idx %arg9[%broadcast_in_dim3A_184, %select_n3A_906, %add3A_183], %mul3A_908 : memref<2x32x256xf32, #tpu.memory_space<vmem>>[vector<16xi32>, vector<16xi32>, vector<16xi32>], vector<16xf32>,
          %add3A_909 = arith.constant 27 : i32
          %add3A_910 = vector.broadcast %add3A_909 : i32 to vector<16xi32>
          %add3A_911 = arith.addi %iota3A, %add3A_910 : vector<16xi32>
          %jit3A_912 = arith.constant 32 : i32
          %eq3A_913 = arith.constant 0 : i32
          %eq3A_914 = arith.cmpi eq, %jit3A_912, %eq3A_913 : i32
          %jit3A_915 = arith.constant 1 : i32
          %select_n3A_916 = arith.select %eq3A_914, %jit3A_915, %jit3A_912 : i32
          %rem3A_917 = vector.broadcast %select_n3A_916 : i32 to vector<16xi32>
          %rem3A_918 = arith.remsi %add3A_911, %rem3A_917 : vector<16xi32>
          %ne3A_919 = arith.constant 0 : i32
          %ne3A_920 = vector.broadcast %ne3A_919 : i32 to vector<16xi32>
          %ne3A_921 = arith.cmpi ne, %rem3A_918, %ne3A_920 : vector<16xi32>
          %lt3A_922 = arith.constant 0 : i32
          %lt3A_923 = vector.broadcast %lt3A_922 : i32 to vector<16xi32>
          %lt3A_924 = arith.cmpi slt, %rem3A_918, %lt3A_923 : vector<16xi32>
          %lt3A_925 = arith.constant 0 : i32
          %lt3A_926 = arith.cmpi slt, %select_n3A_916, %lt3A_925 : i32
          %ne3A_927 = vector.broadcast %lt3A_926 : i1 to vector<16xi1>
          %ne3A_928 = vector.broadcast %ne3A_927 : vector<16xi1> to vector<16xi1>
          %ne3A_929 = arith.xori %lt3A_924, %ne3A_928 : vector<16xi1>
          %and3A_930 = arith.andi %ne3A_929, %ne3A_921 : vector<16xi1>
          %add3A_931 = vector.broadcast %select_n3A_916 : i32 to vector<16xi32>
          %add3A_932 = arith.addi %rem3A_918, %add3A_931 : vector<16xi32>
          %select_n3A_933 = arith.select %and3A_930, %add3A_932, %rem3A_918 : vector<16xi1>, vector<16xi32>
          %gather3A_934 = tpu.vector_load_idx %arg8[%add3A_181, %select_n3A_933] : memref<512x32xf32, #tpu.memory_space<vmem>>[vector<16xi32>, vector<16xi32>], vector<16xf32>,
          %mul3A_935 = arith.mulf %gather3A_934, %get3A_186 : vector<16xf32>
          tpu.vector_store_idx %arg9[%broadcast_in_dim3A_184, %select_n3A_933, %add3A_183], %mul3A_935 : memref<2x32x256xf32, #tpu.memory_space<vmem>>[vector<16xi32>, vector<16xi32>, vector<16xi32>], vector<16xf32>,
          %add3A_936 = arith.constant 28 : i32
          %add3A_937 = vector.broadcast %add3A_936 : i32 to vector<16xi32>
          %add3A_938 = arith.addi %iota3A, %add3A_937 : vector<16xi32>
          %jit3A_939 = arith.constant 32 : i32
          %eq3A_940 = arith.constant 0 : i32
          %eq3A_941 = arith.cmpi eq, %jit3A_939, %eq3A_940 : i32
          %jit3A_942 = arith.constant 1 : i32
          %select_n3A_943 = arith.select %eq3A_941, %jit3A_942, %jit3A_939 : i32
          %rem3A_944 = vector.broadcast %select_n3A_943 : i32 to vector<16xi32>
          %rem3A_945 = arith.remsi %add3A_938, %rem3A_944 : vector<16xi32>
          %ne3A_946 = arith.constant 0 : i32
          %ne3A_947 = vector.broadcast %ne3A_946 : i32 to vector<16xi32>
          %ne3A_948 = arith.cmpi ne, %rem3A_945, %ne3A_947 : vector<16xi32>
          %lt3A_949 = arith.constant 0 : i32
          %lt3A_950 = vector.broadcast %lt3A_949 : i32 to vector<16xi32>
          %lt3A_951 = arith.cmpi slt, %rem3A_945, %lt3A_950 : vector<16xi32>
          %lt3A_952 = arith.constant 0 : i32
          %lt3A_953 = arith.cmpi slt, %select_n3A_943, %lt3A_952 : i32
          %ne3A_954 = vector.broadcast %lt3A_953 : i1 to vector<16xi1>
          %ne3A_955 = vector.broadcast %ne3A_954 : vector<16xi1> to vector<16xi1>
          %ne3A_956 = arith.xori %lt3A_951, %ne3A_955 : vector<16xi1>
          %and3A_957 = arith.andi %ne3A_956, %ne3A_948 : vector<16xi1>
          %add3A_958 = vector.broadcast %select_n3A_943 : i32 to vector<16xi32>
          %add3A_959 = arith.addi %rem3A_945, %add3A_958 : vector<16xi32>
          %select_n3A_960 = arith.select %and3A_957, %add3A_959, %rem3A_945 : vector<16xi1>, vector<16xi32>
          %gather3A_961 = tpu.vector_load_idx %arg8[%add3A_181, %select_n3A_960] : memref<512x32xf32, #tpu.memory_space<vmem>>[vector<16xi32>, vector<16xi32>], vector<16xf32>,
          %mul3A_962 = arith.mulf %gather3A_961, %get3A_186 : vector<16xf32>
          tpu.vector_store_idx %arg9[%broadcast_in_dim3A_184, %select_n3A_960, %add3A_183], %mul3A_962 : memref<2x32x256xf32, #tpu.memory_space<vmem>>[vector<16xi32>, vector<16xi32>, vector<16xi32>], vector<16xf32>,
          %add3A_963 = arith.constant 29 : i32
          %add3A_964 = vector.broadcast %add3A_963 : i32 to vector<16xi32>
          %add3A_965 = arith.addi %iota3A, %add3A_964 : vector<16xi32>
          %jit3A_966 = arith.constant 32 : i32
          %eq3A_967 = arith.constant 0 : i32
          %eq3A_968 = arith.cmpi eq, %jit3A_966, %eq3A_967 : i32
          %jit3A_969 = arith.constant 1 : i32
          %select_n3A_970 = arith.select %eq3A_968, %jit3A_969, %jit3A_966 : i32
          %rem3A_971 = vector.broadcast %select_n3A_970 : i32 to vector<16xi32>
          %rem3A_972 = arith.remsi %add3A_965, %rem3A_971 : vector<16xi32>
          %ne3A_973 = arith.constant 0 : i32
          %ne3A_974 = vector.broadcast %ne3A_973 : i32 to vector<16xi32>
          %ne3A_975 = arith.cmpi ne, %rem3A_972, %ne3A_974 : vector<16xi32>
          %lt3A_976 = arith.constant 0 : i32
          %lt3A_977 = vector.broadcast %lt3A_976 : i32 to vector<16xi32>
          %lt3A_978 = arith.cmpi slt, %rem3A_972, %lt3A_977 : vector<16xi32>
          %lt3A_979 = arith.constant 0 : i32
          %lt3A_980 = arith.cmpi slt, %select_n3A_970, %lt3A_979 : i32
          %ne3A_981 = vector.broadcast %lt3A_980 : i1 to vector<16xi1>
          %ne3A_982 = vector.broadcast %ne3A_981 : vector<16xi1> to vector<16xi1>
          %ne3A_983 = arith.xori %lt3A_978, %ne3A_982 : vector<16xi1>
          %and3A_984 = arith.andi %ne3A_983, %ne3A_975 : vector<16xi1>
          %add3A_985 = vector.broadcast %select_n3A_970 : i32 to vector<16xi32>
          %add3A_986 = arith.addi %rem3A_972, %add3A_985 : vector<16xi32>
          %select_n3A_987 = arith.select %and3A_984, %add3A_986, %rem3A_972 : vector<16xi1>, vector<16xi32>
          %gather3A_988 = tpu.vector_load_idx %arg8[%add3A_181, %select_n3A_987] : memref<512x32xf32, #tpu.memory_space<vmem>>[vector<16xi32>, vector<16xi32>], vector<16xf32>,
          %mul3A_989 = arith.mulf %gather3A_988, %get3A_186 : vector<16xf32>
          tpu.vector_store_idx %arg9[%broadcast_in_dim3A_184, %select_n3A_987, %add3A_183], %mul3A_989 : memref<2x32x256xf32, #tpu.memory_space<vmem>>[vector<16xi32>, vector<16xi32>, vector<16xi32>], vector<16xf32>,
          %add3A_990 = arith.constant 30 : i32
          %add3A_991 = vector.broadcast %add3A_990 : i32 to vector<16xi32>
          %add3A_992 = arith.addi %iota3A, %add3A_991 : vector<16xi32>
          %jit3A_993 = arith.constant 32 : i32
          %eq3A_994 = arith.constant 0 : i32
          %eq3A_995 = arith.cmpi eq, %jit3A_993, %eq3A_994 : i32
          %jit3A_996 = arith.constant 1 : i32
          %select_n3A_997 = arith.select %eq3A_995, %jit3A_996, %jit3A_993 : i32
          %rem3A_998 = vector.broadcast %select_n3A_997 : i32 to vector<16xi32>
          %rem3A_999 = arith.remsi %add3A_992, %rem3A_998 : vector<16xi32>
          %ne3A_1000 = arith.constant 0 : i32
          %ne3A_1001 = vector.broadcast %ne3A_1000 : i32 to vector<16xi32>
          %ne3A_1002 = arith.cmpi ne, %rem3A_999, %ne3A_1001 : vector<16xi32>
          %lt3A_1003 = arith.constant 0 : i32
          %lt3A_1004 = vector.broadcast %lt3A_1003 : i32 to vector<16xi32>
          %lt3A_1005 = arith.cmpi slt, %rem3A_999, %lt3A_1004 : vector<16xi32>
          %lt3A_1006 = arith.constant 0 : i32
          %lt3A_1007 = arith.cmpi slt, %select_n3A_997, %lt3A_1006 : i32
          %ne3A_1008 = vector.broadcast %lt3A_1007 : i1 to vector<16xi1>
          %ne3A_1009 = vector.broadcast %ne3A_1008 : vector<16xi1> to vector<16xi1>
          %ne3A_1010 = arith.xori %lt3A_1005, %ne3A_1009 : vector<16xi1>
          %and3A_1011 = arith.andi %ne3A_1010, %ne3A_1002 : vector<16xi1>
          %add3A_1012 = vector.broadcast %select_n3A_997 : i32 to vector<16xi32>
          %add3A_1013 = arith.addi %rem3A_999, %add3A_1012 : vector<16xi32>
          %select_n3A_1014 = arith.select %and3A_1011, %add3A_1013, %rem3A_999 : vector<16xi1>, vector<16xi32>
          %gather3A_1015 = tpu.vector_load_idx %arg8[%add3A_181, %select_n3A_1014] : memref<512x32xf32, #tpu.memory_space<vmem>>[vector<16xi32>, vector<16xi32>], vector<16xf32>,
          %mul3A_1016 = arith.mulf %gather3A_1015, %get3A_186 : vector<16xf32>
          tpu.vector_store_idx %arg9[%broadcast_in_dim3A_184, %select_n3A_1014, %add3A_183], %mul3A_1016 : memref<2x32x256xf32, #tpu.memory_space<vmem>>[vector<16xi32>, vector<16xi32>, vector<16xi32>], vector<16xf32>,
          %add3A_1017 = arith.constant 31 : i32
          %add3A_1018 = vector.broadcast %add3A_1017 : i32 to vector<16xi32>
          %add3A_1019 = arith.addi %iota3A, %add3A_1018 : vector<16xi32>
          %jit3A_1020 = arith.constant 32 : i32
          %eq3A_1021 = arith.constant 0 : i32
          %eq3A_1022 = arith.cmpi eq, %jit3A_1020, %eq3A_1021 : i32
          %jit3A_1023 = arith.constant 1 : i32
          %select_n3A_1024 = arith.select %eq3A_1022, %jit3A_1023, %jit3A_1020 : i32
          %rem3A_1025 = vector.broadcast %select_n3A_1024 : i32 to vector<16xi32>
          %rem3A_1026 = arith.remsi %add3A_1019, %rem3A_1025 : vector<16xi32>
          %ne3A_1027 = arith.constant 0 : i32
          %ne3A_1028 = vector.broadcast %ne3A_1027 : i32 to vector<16xi32>
          %ne3A_1029 = arith.cmpi ne, %rem3A_1026, %ne3A_1028 : vector<16xi32>
          %lt3A_1030 = arith.constant 0 : i32
          %lt3A_1031 = vector.broadcast %lt3A_1030 : i32 to vector<16xi32>
          %lt3A_1032 = arith.cmpi slt, %rem3A_1026, %lt3A_1031 : vector<16xi32>
          %lt3A_1033 = arith.constant 0 : i32
          %lt3A_1034 = arith.cmpi slt, %select_n3A_1024, %lt3A_1033 : i32
          %ne3A_1035 = vector.broadcast %lt3A_1034 : i1 to vector<16xi1>
          %ne3A_1036 = vector.broadcast %ne3A_1035 : vector<16xi1> to vector<16xi1>
          %ne3A_1037 = arith.xori %lt3A_1032, %ne3A_1036 : vector<16xi1>
          %and3A_1038 = arith.andi %ne3A_1037, %ne3A_1029 : vector<16xi1>
          %add3A_1039 = vector.broadcast %select_n3A_1024 : i32 to vector<16xi32>
          %add3A_1040 = arith.addi %rem3A_1026, %add3A_1039 : vector<16xi32>
          %select_n3A_1041 = arith.select %and3A_1038, %add3A_1040, %rem3A_1026 : vector<16xi1>, vector<16xi32>
          %gather3A_1042 = tpu.vector_load_idx %arg8[%add3A_181, %select_n3A_1041] : memref<512x32xf32, #tpu.memory_space<vmem>>[vector<16xi32>, vector<16xi32>], vector<16xf32>,
          %mul3A_1043 = arith.mulf %gather3A_1042, %get3A_186 : vector<16xf32>
          tpu.vector_store_idx %arg9[%broadcast_in_dim3A_184, %select_n3A_1041, %add3A_183], %mul3A_1043 : memref<2x32x256xf32, #tpu.memory_space<vmem>>[vector<16xi32>, vector<16xi32>, vector<16xi32>], vector<16xf32>,
        }
        %scan3A_159 = arith.constant 16 : i32
        %dma_start3A_160 = arith.constant 1 : i32
        %dma_start3A_161 = arith.constant 0 : i32
        %dma_start3A_162 = arith.constant 0 : i32
        %dma_start3A_163 = tpu.memref_slice %arg9[%dma_start3A_160, %dma_start3A_161, %dma_start3A_162] : memref<2x32x256xf32, #tpu.memory_space<vmem>> -> memref<1x32x256xf32, #tpu.memory_space<vmem>>
        %dma_start3A_164 = tpu.memref_squeeze %dma_start3A_163 : memref<1x32x256xf32, #tpu.memory_space<vmem>> -> memref<32x256xf32, #tpu.memory_space<vmem>>
        %dma_start3A_165 = arith.constant 0 : i32
        %dma_start3A_166 = tpu.memref_slice %arg5[%add3A_123, %dma_start3A_165, %add3A_11] : memref<26x32x16384xf32, #tpu.memory_space<hbm>> -> memref<1x32x256xf32, #tpu.memory_space<hbm>>
        %dma_start3A_167 = tpu.memref_squeeze %dma_start3A_166 : memref<1x32x256xf32, #tpu.memory_space<hbm>> -> memref<32x256xf32, #tpu.memory_space<hbm>>
        %dma_start3A_168 = arith.constant 0 : i32
        %dma_start3A_169 = tpu.memref_slice %arg5[%add3A_123, %dma_start3A_168, %add3A_11] : memref<26x32x16384xf32, #tpu.memory_space<hbm>> -> memref<1x32x256xf32, #tpu.memory_space<hbm>>
        %dma_start3A_170 = tpu.memref_squeeze %dma_start3A_169 : memref<1x32x256xf32, #tpu.memory_space<hbm>> -> memref<32x256xf32, #tpu.memory_space<hbm>>
        %dma_start3A_171 = arith.constant 0 : i32
        %dma_start3A_172 = arith.constant 0 : i32
        %dma_start3A_173 = tpu.memref_slice %arg9[%dma_start3A_160, %dma_start3A_171, %dma_start3A_172] : memref<2x32x256xf32, #tpu.memory_space<vmem>> -> memref<1x32x256xf32, #tpu.memory_space<vmem>>
        %dma_start3A_174 = tpu.memref_squeeze %dma_start3A_173 : memref<1x32x256xf32, #tpu.memory_space<vmem>> -> memref<32x256xf32, #tpu.memory_space<vmem>>
        tpu.enqueue_dma source(%dma_start3A_174 : memref<32x256xf32, #tpu.memory_space<vmem>>) target(%dma_start3A_170 : memref<32x256xf32, #tpu.memory_space<hbm>>) target_semaphore(%arg11 : memref<!tpu.dma_semaphore, #tpu.memory_space<semaphore_mem>>)
      }
      %scan3A_36 = arith.constant 13 : i32
      %dma_wait3A = arith.constant 0 : i32
      %dma_wait3A_37 = arith.constant 24 : i32
      %dma_wait3A_38 = arith.constant 0 : i32
      %dma_wait3A_39 = arith.constant 0 : i32
      %dma_wait3A_40 = tpu.memref_slice %arg9[%dma_wait3A, %dma_wait3A_38, %dma_wait3A_39] : memref<2x32x256xf32, #tpu.memory_space<vmem>> -> memref<1x32x256xf32, #tpu.memory_space<vmem>>
      %dma_wait3A_41 = tpu.memref_squeeze %dma_wait3A_40 : memref<1x32x256xf32, #tpu.memory_space<vmem>> -> memref<32x256xf32, #tpu.memory_space<vmem>>
      %dma_wait3A_42 = arith.constant 0 : i32
      %dma_wait3A_43 = tpu.memref_slice %arg5[%dma_wait3A_37, %dma_wait3A_42, %add3A_11] : memref<26x32x16384xf32, #tpu.memory_space<hbm>> -> memref<1x32x256xf32, #tpu.memory_space<hbm>>
      %dma_wait3A_44 = tpu.memref_squeeze %dma_wait3A_43 : memref<1x32x256xf32, #tpu.memory_space<hbm>> -> memref<32x256xf32, #tpu.memory_space<hbm>>
      %dma_wait3A_45 = arith.constant 0 : i32
      %dma_wait3A_46 = tpu.memref_slice %arg5[%dma_wait3A_37, %dma_wait3A_45, %add3A_11] : memref<26x32x16384xf32, #tpu.memory_space<hbm>> -> memref<1x32x256xf32, #tpu.memory_space<hbm>>
      %dma_wait3A_47 = tpu.memref_squeeze %dma_wait3A_46 : memref<1x32x256xf32, #tpu.memory_space<hbm>> -> memref<32x256xf32, #tpu.memory_space<hbm>>
      %dma_wait3A_48 = arith.constant 0 : i32
      %dma_wait3A_49 = arith.constant 0 : i32
      %dma_wait3A_50 = tpu.memref_slice %arg9[%dma_wait3A, %dma_wait3A_48, %dma_wait3A_49] : memref<2x32x256xf32, #tpu.memory_space<vmem>> -> memref<1x32x256xf32, #tpu.memory_space<vmem>>
      %dma_wait3A_51 = tpu.memref_squeeze %dma_wait3A_50 : memref<1x32x256xf32, #tpu.memory_space<vmem>> -> memref<32x256xf32, #tpu.memory_space<vmem>>
      tpu.wait_dma2 semaphore(%arg11 : memref<!tpu.dma_semaphore, #tpu.memory_space<semaphore_mem>>) src(%dma_wait3A_51 : memref<32x256xf32, #tpu.memory_space<vmem>>) dst(%dma_wait3A_47 : memref<32x256xf32, #tpu.memory_space<hbm>>)
      %dma_wait3A_52 = arith.constant 1 : i32
      %dma_wait3A_53 = arith.constant 25 : i32
      %dma_wait3A_54 = arith.constant 0 : i32
      %dma_wait3A_55 = arith.constant 0 : i32
      %dma_wait3A_56 = tpu.memref_slice %arg9[%dma_wait3A_52, %dma_wait3A_54, %dma_wait3A_55] : memref<2x32x256xf32, #tpu.memory_space<vmem>> -> memref<1x32x256xf32, #tpu.memory_space<vmem>>
      %dma_wait3A_57 = tpu.memref_squeeze %dma_wait3A_56 : memref<1x32x256xf32, #tpu.memory_space<vmem>> -> memref<32x256xf32, #tpu.memory_space<vmem>>
      %dma_wait3A_58 = arith.constant 0 : i32
      %dma_wait3A_59 = tpu.memref_slice %arg5[%dma_wait3A_53, %dma_wait3A_58, %add3A_11] : memref<26x32x16384xf32, #tpu.memory_space<hbm>> -> memref<1x32x256xf32, #tpu.memory_space<hbm>>
      %dma_wait3A_60 = tpu.memref_squeeze %dma_wait3A_59 : memref<1x32x256xf32, #tpu.memory_space<hbm>> -> memref<32x256xf32, #tpu.memory_space<hbm>>
      %dma_wait3A_61 = arith.constant 0 : i32
      %dma_wait3A_62 = tpu.memref_slice %arg5[%dma_wait3A_53, %dma_wait3A_61, %add3A_11] : memref<26x32x16384xf32, #tpu.memory_space<hbm>> -> memref<1x32x256xf32, #tpu.memory_space<hbm>>
      %dma_wait3A_63 = tpu.memref_squeeze %dma_wait3A_62 : memref<1x32x256xf32, #tpu.memory_space<hbm>> -> memref<32x256xf32, #tpu.memory_space<hbm>>
      %dma_wait3A_64 = arith.constant 0 : i32
      %dma_wait3A_65 = arith.constant 0 : i32
      %dma_wait3A_66 = tpu.memref_slice %arg9[%dma_wait3A_52, %dma_wait3A_64, %dma_wait3A_65] : memref<2x32x256xf32, #tpu.memory_space<vmem>> -> memref<1x32x256xf32, #tpu.memory_space<vmem>>
      %dma_wait3A_67 = tpu.memref_squeeze %dma_wait3A_66 : memref<1x32x256xf32, #tpu.memory_space<vmem>> -> memref<32x256xf32, #tpu.memory_space<vmem>>
      tpu.wait_dma2 semaphore(%arg11 : memref<!tpu.dma_semaphore, #tpu.memory_space<semaphore_mem>>) src(%dma_wait3A_67 : memref<32x256xf32, #tpu.memory_space<vmem>>) dst(%dma_wait3A_63 : memref<32x256xf32, #tpu.memory_space<hbm>>)
    }
    %scan3A_7 = arith.constant 2 : i32
    return
  }
}

</mosaic_0001>

<sc_bundles>
// kernel: kernel.3.cloned.1.call-start
scs
__scs_entry_jumppad:
0x0: {  	(pc) =	sbr.rel $0x88, $3  }
0x1: {  	(tag) =	ssettag $0x0;
	lr =	simm.s32 $0x1  }
0x2: {  	[smem:$0x3F9E] =	sst lr;
	_ =	strace $0xD0000000  }
0x3: {  	_ = 	snop  }
0x4: {  	_ = 	snop  }
0x5: {  	_ = 	snop  }
0x6: {  	_ = 	snop  }
0x7: {  	_ = 	snop  }
__scs_overlays_trampoline_lowered:
0x8: {  	[smem:$0x3FAD] =	sst s0  }
0x9: {  	[smem:$0x3FAE] =	sst s1  }
0xa: {  	[smem:$0x3FAF] =	sst s2  }
0xb: {  	[smem:$0x3FB0] =	sst s3  }
0xc: {  	[smem:$0x3FB1] =	sst s4  }
0xd: {  	[smem:$0x3FB2] =	sst s5  }
0xe: {  	[smem:$0x3FB3] =	sst s6  }
0xf: {  	[smem:$0x3FB4] =	sst s7  }
0x10: {  	[smem:$0x3FB5] =	sst s8  }
0x11: {  	[smem:$0x3FB6] =	sst s9;
	s0 =	simm.s32 @!p0 $0x0  }
0x12: {  	s1 =	sld [smem:$0x3F9C];
	s0 =	simm.s32 @p0 $0x1  }
0x13: {  	[smem:$0x3FB7] =	sst s0;
	s0 =	simm.s32 @!p1 $0x0  }
0x14: {  	s2 =	sld [smem:$0x3F9B];
	s0 =	simm.s32 @p1 $0x1  }
0x15: {  	[smem:$0x3FB8] =	sst s0;
	s0 =	simm.s32 @!p2 $0x0  }
0x16: {  	s3 =	sld [smem:$0x3FDB];
	s0 =	simm.s32 @p2 $0x1  }
0x17: {  	s4 =	simm.s32 $0x1BF5;
	[smem:$0x3FBA] =	sst s0  }
0x18: {  	s0 =	sld [smem:$0x3F9D];
	_ =	swait.ge [sflag:s4], $0x0  }
0x19: {  	s7 =	sld [smem:$0x3F9E]  }
0x1a: {  	s8 =	sadd.s32 $0xFFFFE003, lr  }
0x1b: {  	s9 =	sadd.s32 $0xFFFFFEF7, lr;
	s5 =	simm.s32 $0xFFFFFFFF;
	p2 =	slt.u32 s8, $0xFFFFF086  }
0x1c: {  	p1 =	slt.u32 s9, $0xF7A;
	s5 =	simm.s32 @!p2 $0x0  }
0x1d: {  	s5 =	simm.s32 @p1 $0x1;
	p0 =	seq.s32 s7, s2  }
0x1e: {  	s7 =	smul.u32 @!p0 $0xF7A, s2;
	p2 =	seq.s32 @!p0 s5, $0x0  }
0x1f: {  	s9 =	smul.u32 $0xF7A, s1;
	s8 =	simm.s32 @!p0 $0x1BF5;
	p2 =	por !p2, p0  }
0x20: {  	[sflag:s8] =	ssyncset.s32 @!p0 $0xFFFFF086;
	s6 =	sadd.s32 @!p0 s3, s7;
	s7 =	simm.s32 @!p0 $0x108  }
0x21: {  	s3 =	sadd.s32 s3, s9;
	s6 =	sadd.s32 @!p0 $0x88, s6;
	s7 =	simm.s32 @p2 $0x1082  }
0x22: {  	[simem:s7], [sflag:s8] =	dma.local @!p0 [hbm:s6], $0xF7A  }
0x23: {  	s9 =	sor.u32 $0xD0000000, s2;
	s6 =	simm.s32 $0x108;
	_ =	swait.ge @!p0 [sflag:s8], $0x0  }
0x24: {  	s3 =	sadd.s32 $0x88, s3;
	s6 =	simm.s32 @!p1 $0x1082;
	[sflag:s4] =	ssyncset.s32 $0xFFFFF086  }
0x25: {  	[simem:s6], [sflag:s4] =	dma.local [hbm:s3], $0xF7A  }
0x26: {  	[smem:$0x3F9E] =	sst s1;
	(tag) =	ssettag s2;
	_ =	strace s9  }
0x27: {  	s1 =	sld [smem:$0x3FAE]  }
0x28: {  	s2 =	sld [smem:$0x3FAF]  }
0x29: {  	s4 =	sld [smem:$0x3FB1]  }
0x2a: {  	p0 =	seq.s32 s5, $0x0;
	s5 =	sld [smem:$0x3FB2]  }
0x2b: {  	s6 =	sld [smem:$0x3FB3]  }
0x2c: {  	s7 =	sld [smem:$0x3FB4]  }
0x2d: {  	s3 =	simm.s32 $0x108;
	s8 =	sld [smem:$0x3FB5]  }
0x2e: {  	s3 =	simm.s32 @!p0 $0x1082;
	s9 =	sld [smem:$0x3FB6]  }
0x2f: {  	lr =	sadd.s32 s0, s3;
	s0 =	sld [smem:$0x3FAD]  }
0x30: {  	s3 =	sld [smem:$0x3FB0]  }
0x31: {  	[smem:$0x3FB9] =	sst s10  }
0x32: {  	s10 =	sld [smem:$0x3FB7];
	_ =	sdelay $0x3  }
0x33: {  	p0 =	seq.s32 s10, $0x1;
	s10 =	sld [smem:$0x3FB9];
	_ =	sdelay $0x3  }
0x34: {  	[smem:$0x3FB9] =	sst s10  }
0x35: {  	s10 =	sld [smem:$0x3FB8];
	_ =	sdelay $0x3  }
0x36: {  	p1 =	seq.s32 s10, $0x1;
	s10 =	sld [smem:$0x3FB9];
	_ =	sdelay $0x3  }
0x37: {  	[smem:$0x3FB9] =	sst s10  }
0x38: {  	s10 =	sld [smem:$0x3FBA]  }
0x39: {  	_ = 	snop;
	(pc) =	sbr.ind lr, $3  }
0x3a: {  	_ = 	snop  }
0x3b: {  	_ = 	snop  }
0x3c: {  	p2 =	seq.s32 s10, $0x1;
	s10 =	sld [smem:$0x3FB9]  }
0x3d: {  	_ =	shalt  }
0x3e: {  	_ =	shalt  }
0x3f: {  	_ =	shalt  }
0x40: {  	_ =	shalt  }
0x41: {  	_ =	shalt  }
0x42: {  	_ =	shalt  }
0x43: {  	_ =	shalt  }
0x44: {  	_ =	shalt  }
0x45: {  	_ =	shalt  }
0x46: {  	_ =	shalt  }
0x47: {  	_ =	shalt  }
0x48: {  	_ =	shalt  }
0x49: {  	_ =	shalt  }
0x4a: {  	_ =	shalt  }
0x4b: {  	_ =	shalt  }
0x4c: {  	_ =	shalt  }
0x4d: {  	_ =	shalt  }
0x4e: {  	_ =	shalt  }
0x4f: {  	_ =	shalt  }
0x50: {  	_ =	shalt  }
0x51: {  	_ =	shalt  }
0x52: {  	_ =	shalt  }
0x53: {  	_ =	shalt  }
0x54: {  	_ =	shalt  }
0x55: {  	_ =	shalt  }
0x56: {  	_ =	shalt  }
0x57: {  	_ =	shalt  }
0x58: {  	_ =	shalt  }
0x59: {  	_ =	shalt  }
0x5a: {  	_ =	shalt  }
0x5b: {  	_ =	shalt  }
0x5c: {  	_ =	shalt  }
0x5d: {  	_ =	shalt  }
0x5e: {  	_ =	shalt  }
0x5f: {  	_ =	shalt  }
0x60: {  	_ =	shalt  }
0x61: {  	_ =	shalt  }
0x62: {  	_ =	shalt  }
0x63: {  	_ =	shalt  }
0x64: {  	_ =	shalt  }
0x65: {  	_ =	shalt  }
0x66: {  	_ =	shalt  }
0x67: {  	_ =	shalt  }
0x68: {  	_ =	shalt  }
0x69: {  	_ =	shalt  }
0x6a: {  	_ =	shalt  }
0x6b: {  	_ =	shalt  }
0x6c: {  	_ =	shalt  }
0x6d: {  	_ =	shalt  }
0x6e: {  	_ =	shalt  }
0x6f: {  	_ =	shalt  }
0x70: {  	_ =	shalt  }
0x71: {  	_ =	shalt  }
0x72: {  	_ =	shalt  }
0x73: {  	_ =	shalt  }
0x74: {  	_ =	shalt  }
0x75: {  	_ =	shalt  }
0x76: {  	_ =	shalt  }
0x77: {  	_ =	shalt  }
0x78: {  	_ =	shalt  }
0x79: {  	_ =	shalt  }
0x7a: {  	_ =	shalt  }
0x7b: {  	_ =	shalt  }
0x7c: {  	_ =	shalt  }
0x7d: {  	_ =	shalt  }
0x7e: {  	_ =	shalt  }
0x7f: {  	_ =	shalt  }
0x80: {  	_ =	shalt  }
0x81: {  	_ =	shalt  }
0x82: {  	_ =	shalt  }
0x83: {  	_ =	shalt  }
0x84: {  	_ =	shalt  }
0x85: {  	_ =	shalt  }
0x86: {  	_ =	shalt  }
0x87: {  	_ =	shalt  }
.Lfunc_end0:
.L_simem_size_0:
called_computation_lowered:
.L_overlay_start_0:
0x88: {  	s2 =	sld [smem:$0x3FD9]  }
0x89: {  	s3 =	sld [smem:$0x3FFE];
	_ =	sdelay $0x1  }
0x8a: {  	s1 =	srdreg.scid  }
0x8b: {  	s0 =	sand.u32 $0x1, s1  }
0x8c: {  	s17 =	sshll.u32 s0, $0xA;
	s2 =	sadd.s32 s3, s2  }
0x8d: {  	s2 =	sadd.s32 s2, s17  }
0x8e: {  	[smem:$0x3FC5] =	sst s2  }
0x8f: {  	_ = 	snop  }
0x90: {  	s2 =	sld [smem:$0x3FD0];
	(tm) =	ssettm $0x1  }
0x91: {  	s18 =	sld [smem:$0x3FFB];
	_ =	sdelay $0x3  }
0x92: {  	_ =	strace s18  }
0x93: {  	s3 =	sld [smem:$0x3FFC];
	_ =	sdelay $0x3  }
0x94: {  	_ =	strace s3  }
0x95: {  	s3 =	sld [smem:$0x3FFD];
	_ =	sdelay $0x3  }
0x96: {  	_ =	strace s3  }
0x97: {  	_ =	strace $0x8FFFFFFF  }
0x98: {  	s19 =	sld [smem:$0x3FDB];
	_ =	sdelay $0x1  }
0x99: {  	s4 =	simm.s32 $_scs_section_size  }
0x9a: {  	s5 =	simm.s32 $_size__tile_overlayer_lowered;
	s6 =	simm.s32 $_tile_overlayer_lowered  }
0x9b: {  	s22 =	simm.s32 $0x1BFF;
	s21 =	sshll.u32 s6, $0x1;
	s3 =	sadd.s32 s4, s19  }
0x9c: {  	s7 =	simm.s32 $0x0;
	s20 =	sshll.u32 s5, $0x1;
	s5 =	sadd.s32 s21, s3  }
0x9d: {  	[timem:s7], [sflag:s22] =	dma.local [hbm:s5], s20  }
0x9e: {  	_ =	swait.ge [sflag:s22], s20  }
0x9f: {  	s4 =	ssub.s32 $0x0, s20;
	[sflag:s22] =	ssyncset.done $0x0  }
0xa0: {  	[sflag:s22] =	ssyncadd.s32 s4;
	_ =	sdelay $0x1  }
0xa1: {  	s23 =	simm.s32 $0x1B8B  }
0xa2: {  	_ =	swait.ge [sflag:s23], $0x1  }
0xa3: {  	[sflag:s23] =	ssyncset.done $0x0  }
0xa4: {  	s25 =	simm.s32 $0x1B8E;
	s24 =	sld [smem:$0x3FFE];
	[sflag:s23] =	ssyncadd.s32 $0xFFFFFFFF  }
0xa5: {  	s26 =	simm.s32 $execute0_lowered;
	[smem:$0x3FD2] =	sst s25  }
0xa6: {  	s5 =	sshll.u32 s26, $0x1;
	_ =	strace $0x80000046;
	[dreg:$0x1] =	wrdreg $0xFFFFFFFF  }
0xa7: {  	s28 =	simm.s32 $_size_execute0_lowered;
	s3 =	sadd.s32 s3, s5;
	[dreg:$0x0] =	wrdreg $0x0  }
0xa8: {  	s5 =	sshll.u32 s28, $0x1;
	[dreg:$0x2] =	wrdreg s3  }
0xa9: {  	[dreg:$0x3] =	wrdreg s5  }
0xaa: {  	[dreg:$0x4] =	wrdreg $0xC0  }
0xab: {  	_ =	task [dreg:s7], $0x5FFFF  }
0xac: {  	[dreg:$0x1] =	wrdreg $0xFFFFFFFF  }
0xad: {  	[dreg:$0x0] =	wrdreg $0x60  }
0xae: {  	[dreg:$0x2] =	wrdreg s2  }
0xaf: {  	[dreg:$0x3] =	wrdreg s24  }
0xb0: {  	[dreg:$0x4] =	wrdreg $0x9  }
0xb1: {  	_ =	task.clear_ibuf [dreg:s7], $0x5FFFF;
	_ =	strace $0x90000046  }
0xb2: {  	s29 =	simm.s32 $0x9;
	_ =	strace $0x80000048  }
0xb3: {  	_ =	swait.ge [sflag:s29], $0x1  }
0xb4: {  	[sflag:s29] =	ssyncadd.s32 $0xFFFFFFFF  }
0xb5: {  	_ =	strace $0x90000048  }
0xb6: {  	_ =	sfence  }
0xb7: {  	s30 =	sld [smem:$0x0];
	_ =	sdelay $0x2  }
0xb8: {  	s31 =	sshll.u32 s1, $0xD;
	s1 =	sshrl.u32 s1, $0x2  }
0xb9: {  	s3 =	sand.u32 $0x4000, s31;
	s1 =	sadd.s32 s1, s30  }
0xba: {  	s0 =	sor.u32 s3, s0;
	s1 =	sshll.u32 s1, $0x11  }
0xbb: {  	s0 =	sor.u32 s1, s0  }
0xbc: {  	s0 =	sadd.s32 $0x8F2B, s0  }
0xbd: {  	[sflag:s0] =	ssyncadd.remote.s32 $0x1  }
0xbe: {  	_ =	sfence.sel $0xFFFF  }
0xbf: {  	[dreg:$0x0] =	wrdreg $0xFFFFFFFF;
	(pc) =	sbr.abs _section_cstart, $3  }
0xc0: {  	[dreg:$0x1] =	wrdreg $0xFFFFFFFF  }
0xc1: {  	_ =	task.clear_ibuf [dreg:s7], $0x2FFFF;
	_ =	strace $0x9FFFFFFF  }
0xc2: {  	(tm) =	ssettm $0x7FFFFFFF  }
0xc3: {  	_ =	shalt  }
tec
execute0_lowered:
.L_overlay_start_1:
0x0: {  	(tag) =	ssettag $0x1  }
0x1: {  	vm2 =	vcmask $0x300;
	v0 =	vimm.s32 $0xF07  }
0x2: {  	v1 =	vimm.s32 $0x14131211;
	v2 =	vimm.s32 $0x18171615;
	v3 =	vimm.s32 $0x1C1B1A19  }
0x3: {  	vm1 =	vcmask $0x1F10;
	v4 =	vimm.s32 $0x1F1E1D;
	v5 =	vimm.s32 $0x15141312  }
0x4: {  	v6 =	vimm.s32 $0x19181716;
	vm0 =	vcmask $0x704;
	v52 =	vimm.s32 $0x1D1C1B1A  }
0x5: {  	v7 =	vimm.s32 $0x16151413;
	v8 =	vimm.s32 $0x1A191817;
	v9 =	vimm.s32 $0x201001F  }
0x6: {  	v13 =	vimm.s32 $0x3020100;
	v14 =	vimm.s32 $0x1B1A1918;
	v23 =	vimm.s32 $0x32107654  }
0x7: {  	v55 =	vimm.s32 $0x43218765;
	vm13 =	vcmask $0x2F10;
	vm14 =	vcmask $0x3F30  }
0x8: {  	vm15 =	vcmask $0xB08;
	v41 =	vimm.s32 $0x707;
	v42 =	vimm.s32 $0x807  }
0x9: {  	v43 =	vimm.s32 $0x907;
	v44 =	vimm.s32 $0xA07;
	v45 =	vimm.s32 $0xB07  }
0xa: {  	v46 =	vimm.s32 $0xC07;
	v47 =	vimm.s32 $0xD07;
	v48 =	vimm.s32 $0xE07  }
0xb: {  	v49 =	vimm.s32 $0x200F;
	v50 =	vimm.s32 $0x210F;
	v51 =	vimm.s32 $0x220F  }
0xc: {  	v62 =	vimm.s32 $0x2D0F;
	v63 =	vimm.s32 $0x2E0F;
	vm4 =	vcmask $0xF0C  }
0xd: {  	vm5 =	vcmask $0x1310;
	vm6 =	vcmask $0x1714;
	vm7 =	vcmask $0x1B18  }
0xe: {  	vm8 =	vcmask $0x1F1C;
	vm9 =	vcmask $0x2320;
	vm10 =	vcmask $0x2724  }
0xf: {  	vm11 =	vcmask $0x2B28;
	vm12 =	vcmask $0x2F2C;
	v0 =	vsel vm2, $0x0, v0  }
0x10: {  	v1 =	vunpack.c.0.s8.s32 v1;
	v2 =	vunpack.c.0.s8.s32 v2;
	v3 =	vunpack.c.0.s8.s32 v3  }
0x11: {  	v4 =	vunpack.c.0.s8.s32 v4;
	v5 =	vunpack.c.0.s8.s32 v5;
	v12 =	vunpack.c.0.s8.s32 v6  }
0x12: {  	v7 =	vunpack.c.0.s8.s32 v7;
	v16 =	vunpack.c.0.s8.s32 v8;
	v8 =	vimm.s32 $0x1E1D1C1B  }
0x13: {  	v18 =	vunpack.c.0.s8.s32 v9;
	v13 =	vunpack.c.0.s8.s32 v13;
	v9 =	vimm.s32 $0x17161514  }
0x14: {  	v20 =	vunpack.c.0.s8.s32 v14;
	v14 =	vimm.s32 $0x5040302;
	v53 =	vunpack.c.l.s4.s8 v23  }
0x15: {  	v41 =	vsel vm2, $0x1800, v41;
	v42 =	vsel vm2, $0x1900, v42;
	v43 =	vsel vm2, $0x1A00, v43  }
0x16: {  	v44 =	vsel vm2, $0x1B00, v44;
	v45 =	vsel vm2, $0x1C00, v45;
	v46 =	vsel vm2, $0x1D00, v46  }
0x17: {  	v47 =	vsel vm2, $0x1E00, v47;
	v48 =	vsel vm2, $0x1F00, v48;
	v49 =	vsel vm2, $0x3100, v49  }
0x18: {  	v50 =	vsel vm2, $0x3200, v50;
	v51 =	vsel vm2, $0x3300, v51;
	v62 =	vsel vm2, $0x3E00, v62  }
0x19: {  	v63 =	vsel vm2, $0x3F00, v63;
	v17 =	vunpack.c.0.s8.s32 v8;
	v8 =	vimm.s32 $0x1F1E1D1C  }
0x1a: {  	v15 =	vunpack.c.0.s8.s32 v9;
	v14 =	vunpack.c.0.s8.s32 v14;
	v41 =	vsel vm0, $0x1901, v41  }
0x1b: {  	v42 =	vsel vm0, $0x1A01, v42;
	v43 =	vsel vm0, $0x1B01, v43;
	v44 =	vsel vm0, $0x1C01, v44  }
0x1c: {  	v45 =	vsel vm0, $0x1D01, v45;
	v46 =	vsel vm0, $0x1E01, v46;
	v47 =	vsel vm0, $0x1F01, v47  }
0x1d: {  	v48 =	vsel vm0, $0x1, v48;
	v49 =	vsel vm0, $0x3201, v49;
	v50 =	vsel vm0, $0x3301, v50  }
0x1e: {  	v51 =	vsel vm0, $0x3401, v51;
	v62 =	vsel vm0, $0x3F01, v62;
	v63 =	vsel vm0, $0x2001, v63  }
0x1f: {  	v1 =	vsel vm1, v2, v1;
	v11 =	vsel vm1, v4, v3;
	v5 =	vsel vm1, v12, v5  }
0x20: {  	v19 =	vunpack.c.0.s8.s32 v8;
	v25 =	vsel vm1, v3, v2;
	v54 =	vunpack.c.0.s8.s32 v53  }
0x21: {  	v2 =	vunpack.c.l.s4.s8 v55;
	v3 =	vimm.s32 $0x54329876;
	v53 =	vimm.s32 $0x240F  }
0x22: {  	v55 =	vimm.s32 $0x260F;
	v41 =	vsel vm15, $0x1A02, v41;
	v42 =	vsel vm15, $0x1B02, v42  }
0x23: {  	v43 =	vsel vm15, $0x1C02, v43;
	v44 =	vsel vm15, $0x1D02, v44;
	v45 =	vsel vm15, $0x1E02, v45  }
0x24: {  	v46 =	vsel vm15, $0x1F02, v46;
	v47 =	vsel vm15, $0x2, v47;
	v48 =	vsel vm15, $0x102, v48  }
0x25: {  	v49 =	vsel vm15, $0x3302, v49;
	v50 =	vsel vm15, $0x3402, v50;
	v51 =	vsel vm15, $0x3502, v51  }
0x26: {  	v62 =	vsel vm15, $0x2002, v62;
	v63 =	vsel vm15, $0x2102, v63;
	[tilespmem:$0x1FB80] =	vst v1;
	v1 =	vunpack.c.0.s8.s32 v52  }
0x27: {  	[tilespmem:$0x1FCA0] =	vst v5;
	v5 =	vimm.s32 $0x1001F1E;
	v22 =	vsel vm1, v20, v15;
	v15 =	vimm.s32 $0x6050403  }
0x28: {  	v3 =	vunpack.c.l.s4.s8 v3;
	v52 =	vimm.s32 $0x230F;
	v53 =	vsel vm2, $0x3500, v53  }
0x29: {  	v55 =	vsel vm2, $0x3700, v55;
	v41 =	vsel vm4, $0x1B03, v41;
	v42 =	vsel vm4, $0x1C03, v42  }
0x2a: {  	v43 =	vsel vm4, $0x1D03, v43;
	v44 =	vsel vm4, $0x1E03, v44;
	v45 =	vsel vm4, $0x1F03, v45  }
0x2b: {  	v46 =	vsel vm4, $0x3, v46;
	v47 =	vsel vm4, $0x103, v47;
	v48 =	vsel vm4, $0x203, v48  }
0x2c: {  	v49 =	vsel vm4, $0x3403, v49;
	v50 =	vsel vm4, $0x3503, v50;
	v51 =	vsel vm4, $0x3603, v51  }
0x2d: {  	v62 =	vsel vm4, $0x2103, v62;
	v63 =	vsel vm4, $0x2203, v63;
	v5 =	vunpack.c.0.s8.s32 v5  }
0x2e: {  	v21 =	vsel vm1, v13, v19;
	v13 =	vimm.s32 $0x4030201;
	v15 =	vunpack.c.0.s8.s32 v15  }
0x2f: {  	v2 =	vunpack.c.0.s8.s32 v2;
	v52 =	vsel vm2, $0x3400, v52;
	v53 =	vsel vm0, $0x3601, v53  }
0x30: {  	v55 =	vsel vm0, $0x3801, v55;
	v41 =	vsel vm5, $0x1C04, v41;
	v42 =	vsel vm5, $0x1D04, v42  }
0x31: {  	v43 =	vsel vm5, $0x1E04, v43;
	v44 =	vsel vm5, $0x1F04, v44;
	v45 =	vsel vm5, $0x4, v45  }
0x32: {  	v46 =	vsel vm5, $0x104, v46;
	v47 =	vsel vm5, $0x204, v47;
	v48 =	vsel vm5, $0x304, v48  }
0x33: {  	v49 =	vsel vm5, $0x3504, v49;
	v50 =	vsel vm5, $0x3604, v50;
	v51 =	vsel vm5, $0x3704, v51  }
0x34: {  	v62 =	vsel vm5, $0x2204, v62;
	v63 =	vsel vm5, $0x2304, v63;
	v13 =	vunpack.c.0.s8.s32 v13  }
0x35: {  	v3 =	vunpack.c.0.s8.s32 v3;
	v60 =	vcombine.low v22, v21;
	v22 =	vimm.s32 $0x407  }
0x36: {  	v52 =	vsel vm0, $0x3501, v52;
	v53 =	vsel vm15, $0x3702, v53;
	v55 =	vsel vm15, $0x3902, v55  }
0x37: {  	v41 =	vsel vm6, $0x1D05, v41;
	v42 =	vsel vm6, $0x1E05, v42;
	v43 =	vsel vm6, $0x1F05, v43  }
0x38: {  	v44 =	vsel vm6, $0x5, v44;
	v45 =	vsel vm6, $0x105, v45;
	v46 =	vsel vm6, $0x205, v46  }
0x39: {  	v47 =	vsel vm6, $0x305, v47;
	v48 =	vsel vm6, $0x405, v48;
	v49 =	vsel vm6, $0x3605, v49  }
0x3a: {  	v50 =	vsel vm6, $0x3705, v50;
	v51 =	vsel vm6, $0x3805, v51;
	v62 =	vsel vm6, $0x2305, v62  }
0x3b: {  	v63 =	vsel vm6, $0x2405, v63;
	v6 =	vsel vm1, v5, v1;
	v15 =	vsel vm1, v15, v18  }
0x3c: {  	v2 =	vand.u32 $0xF, v2;
	v22 =	vsel vm2, $0x1500, v22;
	v52 =	vsel vm15, $0x3602, v52  }
0x3d: {  	v53 =	vsel vm4, $0x3803, v53;
	v55 =	vsel vm4, $0x3A03, v55;
	v41 =	vsel vm7, $0x1E06, v41  }
0x3e: {  	v42 =	vsel vm7, $0x1F06, v42;
	v43 =	vsel vm7, $0x6, v43;
	v44 =	vsel vm7, $0x106, v44  }
0x3f: {  	v45 =	vsel vm7, $0x206, v45;
	v46 =	vsel vm7, $0x306, v46;
	v47 =	vsel vm7, $0x406, v47  }
0x40: {  	v48 =	vsel vm7, $0x506, v48;
	v49 =	vsel vm7, $0x3706, v49;
	v50 =	vsel vm7, $0x3806, v50  }
0x41: {  	v51 =	vsel vm7, $0x3906, v51;
	v62 =	vsel vm7, $0x2406, v62;
	v63 =	vsel vm7, $0x2506, v63  }
0x42: {  	[tilespmem:$0x1FCB0] =	vst v6;
	v6 =	vsel vm1, v16, v7;
	v24 =	vsel vm1, v13, v4;
	v13 =	vsel vm1, v14, v5  }
0x43: {  	v14 =	vsel vm1, v1, v12;
	v16 =	vsel vm1, v17, v16;
	v12 =	vsel vm1, v19, v20  }
0x44: {  	v1 =	vand.u32 $0xF, v54;
	v2 =	vsel vm13, v2, v4;
	v4 =	vimm.s32 $0xC0B0A09  }
0x45: {  	v3 =	vand.u32 $0xF, v3;
	v20 =	vsel vm0, $0x101, v0;
	v54 =	vimm.s32 $0x250F  }
0x46: {  	[tilespmem:$0x1FB60] =	vst v60;
	v60 =	vimm.s32 $0x2B0F;
	v22 =	vsel vm0, $0x1601, v22;
	v52 =	vsel vm4, $0x3703, v52  }
0x47: {  	v53 =	vsel vm5, $0x3904, v53;
	v55 =	vsel vm5, $0x3B04, v55;
	v41 =	vsel vm8, $0x1F07, v41  }
0x48: {  	v42 =	vsel vm8, $0x7, v42;
	v43 =	vsel vm8, $0x107, v43;
	v44 =	vsel vm8, $0x207, v44  }
0x49: {  	v45 =	vsel vm8, $0x307, v45;
	v46 =	vsel vm8, $0x407, v46;
	v47 =	vsel vm8, $0x507, v47  }
0x4a: {  	v48 =	vsel vm8, $0x607, v48;
	v49 =	vsel vm8, $0x3807, v49;
	v50 =	vsel vm8, $0x3907, v50  }
0x4b: {  	v51 =	vsel vm8, $0x3A07, v51;
	v62 =	vsel vm8, $0x2507, v62;
	v63 =	vsel vm8, $0x2607, v63  }
0x4c: {  	[tilespmem:$0x1FCD0] =	vst v6;
	v6 =	vsel vm1, v18, v17;
	v17 =	vimm.s32 $0x6543A987;
	v1 =	vsel vm13, v1, v19  }
0x4d: {  	v19 =	vimm.s32 $0xB0A0908;
	v4 =	vunpack.c.0.s8.s32 v4;
	v3 =	vsel vm13, v3, v5  }
0x4e: {  	v61 =	vcombine.low v25, v24;
	v24 =	vimm.s32 $0x507;
	v25 =	vimm.s32 $0x607  }
0x4f: {  	v54 =	vsel vm2, $0x3600, v54;
	v60 =	vsel vm2, $0x3C00, v60;
	v22 =	vsel vm15, $0x1702, v22  }
0x50: {  	v52 =	vsel vm5, $0x3804, v52;
	v53 =	vsel vm6, $0x3A05, v53;
	v55 =	vsel vm6, $0x3C05, v55  }
0x51: {  	v41 =	vsel vm9, $0x0, v41;
	v42 =	vsel vm9, $0x100, v42;
	v43 =	vsel vm9, $0x200, v43  }
0x52: {  	v44 =	vsel vm9, $0x300, v44;
	v45 =	vsel vm9, $0x400, v45;
	v46 =	vsel vm9, $0x500, v46  }
0x53: {  	v47 =	vsel vm9, $0x600, v47;
	v48 =	vsel vm9, $0x700, v48;
	v49 =	vsel vm9, $0x3908, v49  }
0x54: {  	v50 =	vsel vm9, $0x3A08, v50;
	v51 =	vsel vm9, $0x3B08, v51;
	v62 =	vsel vm9, $0x2608, v62  }
0x55: {  	v63 =	vsel vm9, $0x2708, v63;
	v17 =	vunpack.c.l.s4.s8 v17;
	v19 =	vunpack.c.0.s8.s32 v19  }
0x56: {  	v24 =	vsel vm2, $0x1600, v24;
	v25 =	vsel vm2, $0x1700, v25;
	v54 =	vsel vm0, $0x3701, v54  }
0x57: {  	v60 =	vsel vm0, $0x3D01, v60;
	v22 =	vsel vm4, $0x1803, v22;
	v52 =	vsel vm6, $0x3905, v52  }
0x58: {  	v53 =	vsel vm7, $0x3B06, v53;
	v55 =	vsel vm7, $0x3D06, v55;
	v41 =	vsel vm10, $0x101, v41  }
0x59: {  	v42 =	vsel vm10, $0x201, v42;
	v43 =	vsel vm10, $0x301, v43;
	v44 =	vsel vm10, $0x401, v44  }
0x5a: {  	v45 =	vsel vm10, $0x501, v45;
	v46 =	vsel vm10, $0x601, v46;
	v47 =	vsel vm10, $0x701, v47  }
0x5b: {  	v48 =	vsel vm10, $0x801, v48;
	v49 =	vsel vm10, $0x3A09, v49;
	v50 =	vsel vm10, $0x3B09, v50  }
0x5c: {  	v51 =	vsel vm10, $0x3C09, v51;
	v62 =	vsel vm10, $0x2709, v62;
	v63 =	vsel vm10, $0x2809, v63  }
0x5d: {  	v57 =	vsel vm14, v4, v2;
	v4 =	vimm.s32 $0x1007;
	[tilespmem:$0x1FB70] =	vst v61;
	v61 =	vimm.s32 $0x2C0F  }
0x5e: {  	v24 =	vsel vm0, $0x1701, v24;
	v25 =	vsel vm0, $0x1801, v25;
	v54 =	vsel vm15, $0x3802, v54  }
0x5f: {  	v60 =	vsel vm15, $0x3E02, v60;
	v22 =	vsel vm5, $0x1904, v22;
	v52 =	vsel vm7, $0x3A06, v52  }
0x60: {  	v53 =	vsel vm8, $0x3C07, v53;
	v55 =	vsel vm8, $0x3E07, v55;
	v41 =	vsel vm11, $0x202, v41  }
0x61: {  	v42 =	vsel vm11, $0x302, v42;
	v43 =	vsel vm11, $0x402, v43;
	v44 =	vsel vm11, $0x502, v44  }
0x62: {  	v45 =	vsel vm11, $0x602, v45;
	v46 =	vsel vm11, $0x702, v46;
	v47 =	vsel vm11, $0x802, v47  }
0x63: {  	v48 =	vsel vm11, $0x902, v48;
	v49 =	vsel vm11, $0x3B0A, v49;
	v50 =	vsel vm11, $0x3C0A, v50  }
0x64: {  	v51 =	vsel vm11, $0x3D0A, v51;
	v62 =	vsel vm11, $0x280A, v62;
	v63 =	vsel vm11, $0x290A, v63  }
0x65: {  	v17 =	vunpack.c.0.s8.s32 v17;
	v56 =	vsel vm14, v19, v1;
	[tilespmem:$0x1FB30] =	vst v57;
	v57 =	vimm.s32 $0x280F  }
0x66: {  	v61 =	vsel vm2, $0x3D00, v61;
	v24 =	vsel vm15, $0x1802, v24;
	v25 =	vsel vm15, $0x1902, v25  }
0x67: {  	v54 =	vsel vm4, $0x3903, v54;
	v60 =	vsel vm4, $0x3F03, v60;
	v22 =	vsel vm6, $0x1A05, v22  }
0x68: {  	v52 =	vsel vm8, $0x3B07, v52;
	v53 =	vsel vm9, $0x3D08, v53;
	v55 =	vsel vm9, $0x3F08, v55  }
0x69: {  	v41 =	vsel vm12, $0x303, v41;
	v42 =	vsel vm12, $0x403, v42;
	v43 =	vsel vm12, $0x503, v43  }
0x6a: {  	v44 =	vsel vm12, $0x603, v44;
	v45 =	vsel vm12, $0x703, v45;
	v46 =	vsel vm12, $0x803, v46  }
0x6b: {  	v47 =	vsel vm12, $0x903, v47;
	v48 =	vsel vm12, $0xA03, v48;
	v49 =	vsel vm12, $0x3C0B, v49  }
0x6c: {  	v50 =	vsel vm12, $0x3D0B, v50;
	v51 =	vsel vm12, $0x3E0B, v51;
	v62 =	vsel vm12, $0x290B, v62  }
0x6d: {  	v63 =	vsel vm12, $0x2A0B, v63;
	[tilespmem:$0x1FB20] =	vst v56;
	v56 =	vimm.s32 $0x270F;
	v57 =	vsel vm2, $0x3900, v57  }
0x6e: {  	v61 =	vsel vm0, $0x3E01, v61;
	v24 =	vsel vm4, $0x1903, v24;
	v25 =	vsel vm4, $0x1A03, v25  }
0x6f: {  	v54 =	vsel vm5, $0x3A04, v54;
	v60 =	vsel vm5, $0x2004, v60;
	v22 =	vsel vm7, $0x1B06, v22  }
0x70: {  	v52 =	vsel vm9, $0x3C08, v52;
	v53 =	vsel vm10, $0x3E09, v53;
	v55 =	vsel vm10, $0x2009, v55  }
0x71: {  	v5 =	vand.u32 $0xF, v17;
	v17 =	vimm.s32 $0xD0C0B0A;
	v56 =	vsel vm2, $0x3800, v56  }
0x72: {  	v57 =	vsel vm0, $0x3A01, v57;
	v61 =	vsel vm15, $0x3F02, v61;
	v24 =	vsel vm5, $0x1A04, v24  }
0x73: {  	v25 =	vsel vm5, $0x1B04, v25;
	v54 =	vsel vm6, $0x3B05, v54;
	v60 =	vsel vm6, $0x2105, v60  }
0x74: {  	v22 =	vsel vm8, $0x1C07, v22;
	v52 =	vsel vm10, $0x3D09, v52;
	v53 =	vsel vm11, $0x3F0A, v53  }
0x75: {  	v55 =	vsel vm11, $0x210A, v55;
	v5 =	vsel vm13, v5, v18;
	v18 =	vimm.s32 $0xE0D0C0B  }
0x76: {  	v17 =	vunpack.c.0.s8.s32 v17;
	v56 =	vsel vm0, $0x3901, v56;
	v57 =	vsel vm15, $0x3B02, v57  }
0x77: {  	v61 =	vsel vm4, $0x2003, v61;
	v24 =	vsel vm6, $0x1B05, v24;
	v25 =	vsel vm6, $0x1C05, v25  }
0x78: {  	v54 =	vsel vm7, $0x3C06, v54;
	v60 =	vsel vm7, $0x2206, v60;
	v22 =	vsel vm9, $0x1D00, v22  }
0x79: {  	vm13 =	vcmask $0x3330;
	v52 =	vsel vm11, $0x3E0A, v52;
	v53 =	vsel vm12, $0x200B, v53  }
0x7a: {  	v55 =	vsel vm12, $0x220B, v55;
	v18 =	vunpack.c.0.s8.s32 v18;
	v56 =	vsel vm15, $0x3A02, v56  }
0x7b: {  	v57 =	vsel vm4, $0x3C03, v57;
	v61 =	vsel vm5, $0x2104, v61;
	v24 =	vsel vm7, $0x1C06, v24  }
0x7c: {  	v25 =	vsel vm7, $0x1D06, v25;
	v54 =	vsel vm8, $0x3D07, v54;
	v60 =	vsel vm8, $0x2307, v60  }
0x7d: {  	v22 =	vsel vm10, $0x1E01, v22;
	v52 =	vsel vm12, $0x3F0B, v52;
	v41 =	vsel vm13, $0x404, v41  }
0x7e: {  	v42 =	vsel vm13, $0x504, v42;
	v43 =	vsel vm13, $0x604, v43;
	v44 =	vsel vm13, $0x704, v44  }
0x7f: {  	v45 =	vsel vm13, $0x804, v45;
	v46 =	vsel vm13, $0x904, v46;
	v47 =	vsel vm13, $0xA04, v47  }
0x80: {  	v48 =	vsel vm13, $0xB04, v48;
	v62 =	vsel vm13, $0x2A0C, v62;
	v63 =	vsel vm13, $0x2B0C, v63  }
0x81: {  	v58 =	vsel vm14, v17, v3;
	v17 =	vsel vm15, $0x202, v20;
	v56 =	vsel vm4, $0x3B03, v56  }
0x82: {  	v61 =	vsel vm6, $0x2205, v61;
	v24 =	vsel vm8, $0x1D07, v24;
	v25 =	vsel vm8, $0x1E07, v25  }
0x83: {  	v60 =	vsel vm9, $0x2408, v60;
	v22 =	vsel vm11, $0x1F02, v22;
	v59 =	vsel vm14, v18, v5  }
0x84: {  	v5 =	vimm.s32 $0x1107;
	v18 =	vsel vm2, $0x100, v4;
	v4 =	vimm.s32 $0x1207  }
0x85: {  	[tilespmem:$0x1FB40] =	vst v58;
	v58 =	vimm.s32 $0x290F;
	v17 =	vsel vm4, $0x303, v17;
	v56 =	vsel vm5, $0x3C04, v56  }
0x86: {  	v61 =	vsel vm7, $0x2306, v61;
	v24 =	vsel vm9, $0x1E00, v24;
	v25 =	vsel vm9, $0x1F00, v25  }
0x87: {  	v60 =	vsel vm10, $0x2509, v60;
	vm14 =	vcmask $0x3734;
	v22 =	vsel vm12, $0x3, v22  }
0x88: {  	v19 =	vsel vm2, $0x200, v5;
	v20 =	vsel vm2, $0x300, v4;
	v4 =	vimm.s32 $0x1307  }
0x89: {  	[tilespmem:$0x1FB50] =	vst v59;
	v5 =	vimm.s32 $0x1407;
	v58 =	vsel vm2, $0x3A00, v58;
	v59 =	vimm.s32 $0x2A0F  }
0x8a: {  	v18 =	vsel vm0, $0x201, v18;
	v17 =	vsel vm5, $0x404, v17;
	v56 =	vsel vm6, $0x3D05, v56  }
0x8b: {  	v61 =	vsel vm8, $0x2407, v61;
	v24 =	vsel vm10, $0x1F01, v24;
	v25 =	vsel vm10, $0x1, v25  }
0x8c: {  	v60 =	vsel vm11, $0x260A, v60;
	v22 =	vsel vm13, $0x104, v22;
	v41 =	vsel vm14, $0x505, v41  }
0x8d: {  	v0 =	vsel vm14, $0x605, v42;
	v9 =	vsel vm14, $0x705, v43;
	v10 =	vsel vm14, $0x805, v44  }
0x8e: {  	v45 =	vsel vm14, $0x905, v45;
	v46 =	vsel vm14, $0xA05, v46;
	v47 =	vsel vm14, $0xB05, v47  }
0x8f: {  	v48 =	vsel vm14, $0xC05, v48;
	v62 =	vsel vm14, $0x2B0D, v62;
	v63 =	vsel vm14, $0x2C0D, v63  }
0x90: {  	v23 =	vsel vm2, $0x400, v4;
	v26 =	vsel vm2, $0x500, v5;
	v4 =	vimm.s32 $0x1507  }
0x91: {  	v5 =	vimm.s32 $0x1707;
	v59 =	vsel vm2, $0x3B00, v59;
	v19 =	vsel vm0, $0x301, v19  }
0x92: {  	v20 =	vsel vm0, $0x401, v20;
	v58 =	vsel vm0, $0x3B01, v58;
	v18 =	vsel vm15, $0x302, v18  }
0x93: {  	v17 =	vsel vm6, $0x505, v17;
	v56 =	vsel vm7, $0x3E06, v56;
	v61 =	vsel vm9, $0x2508, v61  }
0x94: {  	v24 =	vsel vm11, $0x2, v24;
	v25 =	vsel vm11, $0x102, v25;
	v60 =	vsel vm12, $0x270B, v60  }
0x95: {  	v7 =	vsel vm14, $0x205, v22;
	[tilespmem:$0x1FC90] =	vst v63;
	v63 =	vcombine.low v14, v13;
	v14 =	vimm.s32 $0x87654321  }
0x96: {  	v27 =	vsel vm2, $0x600, v4;
	v4 =	vimm.s32 $0x1607;
	v29 =	vsel vm2, $0x800, v5  }
0x97: {  	v5 =	vimm.s32 $0x1A07;
	v23 =	vsel vm0, $0x501, v23;
	v26 =	vsel vm0, $0x601, v26  }
0x98: {  	v59 =	vsel vm0, $0x3C01, v59;
	v19 =	vsel vm15, $0x402, v19;
	v20 =	vsel vm15, $0x502, v20  }
0x99: {  	v58 =	vsel vm15, $0x3C02, v58;
	v18 =	vsel vm4, $0x403, v18;
	v17 =	vsel vm7, $0x606, v17  }
0x9a: {  	v56 =	vsel vm8, $0x3F07, v56;
	v61 =	vsel vm10, $0x2609, v61;
	v24 =	vsel vm12, $0x103, v24  }
0x9b: {  	v25 =	vsel vm12, $0x203, v25;
	v60 =	vsel vm13, $0x280C, v60;
	v14 =	vunpack.c.l.s4.s8 v14  }
0x9c: {  	v28 =	vsel vm2, $0x700, v4;
	v4 =	vimm.s32 $0x1807;
	v32 =	vsel vm2, $0xB00, v5  }
0x9d: {  	v5 =	vimm.s32 $0x1D07;
	v27 =	vsel vm0, $0x701, v27;
	v29 =	vsel vm0, $0x901, v29  }
0x9e: {  	v23 =	vsel vm15, $0x602, v23;
	v26 =	vsel vm15, $0x702, v26;
	v59 =	vsel vm15, $0x3D02, v59  }
0x9f: {  	v19 =	vsel vm4, $0x503, v19;
	v20 =	vsel vm4, $0x603, v20;
	v18 =	vsel vm5, $0x504, v18  }
0xa0: {  	v17 =	vsel vm8, $0x707, v17;
	v56 =	vsel vm9, $0x2008, v56;
	v61 =	vsel vm11, $0x270A, v61  }
0xa1: {  	v24 =	vsel vm13, $0x204, v24;
	v25 =	vsel vm13, $0x304, v25;
	v30 =	vsel vm2, $0x900, v4  }
0xa2: {  	v4 =	vimm.s32 $0x1907;
	v35 =	vsel vm2, $0xE00, v5;
	v5 =	vimm.s32 $0x7  }
0xa3: {  	v28 =	vsel vm0, $0x801, v28;
	v32 =	vsel vm0, $0xC01, v32;
	v27 =	vsel vm15, $0x802, v27  }
0xa4: {  	v29 =	vsel vm15, $0xA02, v29;
	v23 =	vsel vm4, $0x703, v23;
	v26 =	vsel vm4, $0x803, v26  }
0xa5: {  	v59 =	vsel vm4, $0x3E03, v59;
	v19 =	vsel vm5, $0x604, v19;
	v20 =	vsel vm5, $0x704, v20  }
0xa6: {  	v18 =	vsel vm6, $0x605, v18;
	v17 =	vsel vm9, $0x800, v17;
	v56 =	vsel vm10, $0x2109, v56  }
0xa7: {  	v61 =	vsel vm12, $0x280B, v61;
	v24 =	vsel vm14, $0x305, v24;
	v8 =	vsel vm14, $0x405, v25  }
0xa8: {  	v14 =	vunpack.c.0.s8.s32 v14;
	v31 =	vsel vm2, $0xA00, v4;
	v4 =	vimm.s32 $0x1B07  }
0xa9: {  	v38 =	vsel vm2, $0x1100, v5;
	v5 =	vimm.s32 $0x307;
	v30 =	vsel vm0, $0xA01, v30  }
0xaa: {  	v35 =	vsel vm0, $0xF01, v35;
	v28 =	vsel vm15, $0x902, v28;
	v32 =	vsel vm15, $0xD02, v32  }
0xab: {  	v27 =	vsel vm4, $0x903, v27;
	v29 =	vsel vm4, $0xB03, v29;
	v23 =	vsel vm5, $0x804, v23  }
0xac: {  	v26 =	vsel vm5, $0x904, v26;
	v59 =	vsel vm5, $0x3F04, v59;
	v19 =	vsel vm6, $0x705, v19  }
0xad: {  	v20 =	vsel vm6, $0x805, v20;
	v18 =	vsel vm7, $0x706, v18;
	v17 =	vsel vm10, $0x901, v17  }
0xae: {  	v56 =	vsel vm11, $0x220A, v56;
	v61 =	vsel vm13, $0x290C, v61;
	v33 =	vsel vm2, $0xC00, v4  }
0xaf: {  	v4 =	vimm.s32 $0x1C07;
	v21 =	vsel vm2, $0x1400, v5;
	v31 =	vsel vm0, $0xB01, v31  }
0xb0: {  	v38 =	vsel vm0, $0x1201, v38;
	v30 =	vsel vm15, $0xB02, v30;
	v35 =	vsel vm15, $0x1002, v35  }
0xb1: {  	v28 =	vsel vm4, $0xA03, v28;
	v32 =	vsel vm4, $0xE03, v32;
	v27 =	vsel vm5, $0xA04, v27  }
0xb2: {  	v29 =	vsel vm5, $0xC04, v29;
	v23 =	vsel vm6, $0x905, v23;
	v26 =	vsel vm6, $0xA05, v26  }
0xb3: {  	v59 =	vsel vm6, $0x2005, v59;
	v19 =	vsel vm7, $0x806, v19;
	v20 =	vsel vm7, $0x906, v20  }
0xb4: {  	v18 =	vsel vm8, $0x807, v18;
	v17 =	vsel vm11, $0xA02, v17;
	v56 =	vsel vm12, $0x230B, v56  }
0xb5: {  	v22 =	vsel vm14, $0x2A0D, v61;
	v61 =	vcombine.low v16, v15;
	v34 =	vsel vm2, $0xD00, v4  }
0xb6: {  	v4 =	vimm.s32 $0x1E07;
	v33 =	vsel vm0, $0xD01, v33;
	v21 =	vsel vm0, $0x1501, v21  }
0xb7: {  	v31 =	vsel vm15, $0xC02, v31;
	v38 =	vsel vm15, $0x1302, v38;
	v30 =	vsel vm4, $0xC03, v30  }
0xb8: {  	v35 =	vsel vm4, $0x1103, v35;
	v28 =	vsel vm5, $0xB04, v28;
	v32 =	vsel vm5, $0xF04, v32  }
0xb9: {  	v27 =	vsel vm6, $0xB05, v27;
	v29 =	vsel vm6, $0xD05, v29;
	v23 =	vsel vm7, $0xA06, v23  }
0xba: {  	v26 =	vsel vm7, $0xB06, v26;
	v59 =	vsel vm7, $0x2106, v59;
	v19 =	vsel vm8, $0x907, v19  }
0xbb: {  	v20 =	vsel vm8, $0xA07, v20;
	v18 =	vsel vm9, $0x900, v18;
	v17 =	vsel vm12, $0xB03, v17  }
0xbc: {  	v56 =	vsel vm13, $0x240C, v56;
	v36 =	vsel vm2, $0xF00, v4;
	v4 =	vimm.s32 $0x1F07  }
0xbd: {  	v34 =	vsel vm0, $0xE01, v34;
	v33 =	vsel vm15, $0xE02, v33;
	v21 =	vsel vm15, $0x1602, v21  }
0xbe: {  	v31 =	vsel vm4, $0xD03, v31;
	v38 =	vsel vm4, $0x1403, v38;
	v30 =	vsel vm5, $0xD04, v30  }
0xbf: {  	v35 =	vsel vm5, $0x1204, v35;
	v28 =	vsel vm6, $0xC05, v28;
	v32 =	vsel vm6, $0x1005, v32  }
0xc0: {  	v27 =	vsel vm7, $0xC06, v27;
	v29 =	vsel vm7, $0xE06, v29;
	v23 =	vsel vm8, $0xB07, v23  }
0xc1: {  	v26 =	vsel vm8, $0xC07, v26;
	v59 =	vsel vm8, $0x2207, v59;
	v19 =	vsel vm9, $0xA00, v19  }
0xc2: {  	v20 =	vsel vm9, $0xB00, v20;
	v18 =	vsel vm10, $0xA01, v18;
	v17 =	vsel vm13, $0xC04, v17  }
0xc3: {  	v56 =	vsel vm14, $0x250D, v56;
	v37 =	vsel vm2, $0x1000, v4;
	v4 =	vimm.s32 $0x107  }
0xc4: {  	v36 =	vsel vm0, $0x1001, v36;
	v34 =	vsel vm15, $0xF02, v34;
	v33 =	vsel vm4, $0xF03, v33  }
0xc5: {  	v21 =	vsel vm4, $0x1703, v21;
	v31 =	vsel vm5, $0xE04, v31;
	v38 =	vsel vm5, $0x1504, v38  }
0xc6: {  	v30 =	vsel vm6, $0xE05, v30;
	v35 =	vsel vm6, $0x1305, v35;
	v28 =	vsel vm7, $0xD06, v28  }
0xc7: {  	v32 =	vsel vm7, $0x1106, v32;
	v27 =	vsel vm8, $0xD07, v27;
	v29 =	vsel vm8, $0xF07, v29  }
0xc8: {  	v23 =	vsel vm9, $0xC00, v23;
	v26 =	vsel vm9, $0xD00, v26;
	v59 =	vsel vm9, $0x2308, v59  }
0xc9: {  	v19 =	vsel vm10, $0xB01, v19;
	v20 =	vsel vm10, $0xC01, v20;
	v18 =	vsel vm11, $0xB02, v18  }
0xca: {  	v17 =	vsel vm14, $0xD05, v17;
	v39 =	vsel vm2, $0x1200, v4;
	v4 =	vimm.s32 $0x207  }
0xcb: {  	v37 =	vsel vm0, $0x1101, v37;
	v36 =	vsel vm15, $0x1102, v36;
	v34 =	vsel vm4, $0x1003, v34  }
0xcc: {  	v33 =	vsel vm5, $0x1004, v33;
	v21 =	vsel vm5, $0x1804, v21;
	v31 =	vsel vm6, $0xF05, v31  }
0xcd: {  	v38 =	vsel vm6, $0x1605, v38;
	v30 =	vsel vm7, $0xF06, v30;
	v35 =	vsel vm7, $0x1406, v35  }
0xce: {  	v28 =	vsel vm8, $0xE07, v28;
	v32 =	vsel vm8, $0x1207, v32;
	v27 =	vsel vm9, $0xE00, v27  }
0xcf: {  	v29 =	vsel vm9, $0x1000, v29;
	v23 =	vsel vm10, $0xD01, v23;
	v26 =	vsel vm10, $0xE01, v26  }
0xd0: {  	v59 =	vsel vm10, $0x2409, v59;
	v19 =	vsel vm11, $0xC02, v19;
	v20 =	vsel vm11, $0xD02, v20  }
0xd1: {  	v18 =	vsel vm12, $0xC03, v18;
	v40 =	vsel vm2, $0x1300, v4;
	v39 =	vsel vm0, $0x1301, v39  }
0xd2: {  	v37 =	vsel vm15, $0x1202, v37;
	v34 =	vsel vm5, $0x1104, v34;
	v33 =	vsel vm6, $0x1105, v33  }
0xd3: {  	v21 =	vsel vm6, $0x1905, v21;
	v31 =	vsel vm7, $0x1006, v31;
	v38 =	vsel vm7, $0x1706, v38  }
0xd4: {  	v30 =	vsel vm8, $0x1007, v30;
	v35 =	vsel vm8, $0x1507, v35;
	v28 =	vsel vm9, $0xF00, v28  }
0xd5: {  	v32 =	vsel vm9, $0x1300, v32;
	v27 =	vsel vm10, $0xF01, v27;
	v29 =	vsel vm10, $0x1101, v29  }
0xd6: {  	v23 =	vsel vm11, $0xE02, v23;
	v26 =	vsel vm11, $0xF02, v26;
	v59 =	vsel vm11, $0x250A, v59  }
0xd7: {  	v19 =	vsel vm12, $0xD03, v19;
	v20 =	vsel vm12, $0xE03, v20;
	v18 =	vsel vm13, $0xD04, v18  }
0xd8: {  	v4 =	vsel vm14, $0x290D, v60;
	v40 =	vsel vm0, $0x1401, v40;
	v39 =	vsel vm15, $0x1402, v39  }
0xd9: {  	v37 =	vsel vm4, $0x1303, v37;
	v34 =	vsel vm6, $0x1205, v34;
	v33 =	vsel vm7, $0x1206, v33  }
0xda: {  	v21 =	vsel vm7, $0x1A06, v21;
	v31 =	vsel vm8, $0x1107, v31;
	v38 =	vsel vm8, $0x1807, v38  }
0xdb: {  	v30 =	vsel vm9, $0x1100, v30;
	v35 =	vsel vm9, $0x1600, v35;
	v28 =	vsel vm10, $0x1001, v28  }
0xdc: {  	v32 =	vsel vm10, $0x1401, v32;
	v27 =	vsel vm11, $0x1002, v27;
	v29 =	vsel vm11, $0x1202, v29  }
0xdd: {  	v23 =	vsel vm12, $0xF03, v23;
	v26 =	vsel vm12, $0x1003, v26;
	v59 =	vsel vm12, $0x260B, v59  }
0xde: {  	v19 =	vsel vm13, $0xE04, v19;
	v20 =	vsel vm13, $0xF04, v20;
	v18 =	vsel vm14, $0xE05, v18  }
0xdf: {  	v40 =	vsel vm15, $0x1502, v40;
	v39 =	vsel vm4, $0x1503, v39;
	v37 =	vsel vm5, $0x1404, v37  }
0xe0: {  	v34 =	vsel vm7, $0x1306, v34;
	v33 =	vsel vm8, $0x1307, v33;
	v21 =	vsel vm8, $0x1B07, v21  }
0xe1: {  	v31 =	vsel vm9, $0x1200, v31;
	v38 =	vsel vm9, $0x1900, v38;
	v30 =	vsel vm10, $0x1201, v30  }
0xe2: {  	v28 =	vsel vm11, $0x1102, v28;
	v32 =	vsel vm11, $0x1502, v32;
	v27 =	vsel vm12, $0x1103, v27  }
0xe3: {  	v29 =	vsel vm12, $0x1303, v29;
	v23 =	vsel vm13, $0x1004, v23;
	v26 =	vsel vm13, $0x1104, v26  }
0xe4: {  	v59 =	vsel vm13, $0x270C, v59;
	vm15 =	vcmask $0x3B38;
	v19 =	vsel vm14, $0xF05, v19  }
0xe5: {  	v20 =	vsel vm14, $0x1005, v20;
	v40 =	vsel vm4, $0x1603, v40;
	v39 =	vsel vm5, $0x1604, v39  }
0xe6: {  	v37 =	vsel vm6, $0x1505, v37;
	v34 =	vsel vm8, $0x1407, v34;
	v33 =	vsel vm9, $0x1400, v33  }
0xe7: {  	v21 =	vsel vm9, $0x1C00, v21;
	v31 =	vsel vm10, $0x1301, v31;
	v38 =	vsel vm10, $0x1A01, v38  }
0xe8: {  	v30 =	vsel vm11, $0x1302, v30;
	v28 =	vsel vm12, $0x1203, v28;
	v32 =	vsel vm12, $0x1603, v32  }
0xe9: {  	v27 =	vsel vm13, $0x1204, v27;
	v29 =	vsel vm13, $0x1404, v29;
	v26 =	vsel vm14, $0x1205, v26  }
0xea: {  	v59 =	vsel vm14, $0x280D, v59;
	v60 =	vsel vm15, $0xE06, v17;
	v42 =	vsel vm15, $0x1106, v20  }
0xeb: {  	v8 =	vsel vm15, $0x506, v8;
	v45 =	vsel vm15, $0xA06, v45;
	v46 =	vsel vm15, $0xB06, v46  }
0xec: {  	v40 =	vsel vm5, $0x1704, v40;
	v39 =	vsel vm6, $0x1705, v39;
	v37 =	vsel vm7, $0x1606, v37  }
0xed: {  	v34 =	vsel vm9, $0x1500, v34;
	v33 =	vsel vm10, $0x1501, v33;
	v21 =	vsel vm10, $0x1D01, v21  }
0xee: {  	v31 =	vsel vm11, $0x1402, v31;
	v38 =	vsel vm11, $0x1B02, v38;
	v30 =	vsel vm12, $0x1403, v30  }
0xef: {  	v28 =	vsel vm13, $0x1304, v28;
	v32 =	vsel vm13, $0x1704, v32;
	v27 =	vsel vm14, $0x1305, v27  }
0xf0: {  	v25 =	vsel vm15, $0x1306, v26;
	[tilespmem:$0x1FBF0] =	vst v8;
	v8 =	vsel vm15, $0x606, v41;
	v41 =	vsel vm15, $0x906, v10  }
0xf1: {  	v40 =	vsel vm6, $0x1805, v40;
	v39 =	vsel vm7, $0x1806, v39;
	v37 =	vsel vm8, $0x1707, v37  }
0xf2: {  	v34 =	vsel vm10, $0x1601, v34;
	v33 =	vsel vm11, $0x1602, v33;
	v21 =	vsel vm11, $0x1E02, v21  }
0xf3: {  	v31 =	vsel vm12, $0x1503, v31;
	v38 =	vsel vm12, $0x1C03, v38;
	v30 =	vsel vm13, $0x1504, v30  }
0xf4: {  	v28 =	vsel vm14, $0x1405, v28;
	v32 =	vsel vm14, $0x1805, v32;
	v26 =	vsel vm15, $0x1406, v27  }
0xf5: {  	[tilespmem:$0x1FC00] =	vst v8;
	v8 =	vsel vm15, $0x706, v0;
	v40 =	vsel vm7, $0x1906, v40;
	v39 =	vsel vm8, $0x1907, v39  }
0xf6: {  	v37 =	vsel vm9, $0x1800, v37;
	v34 =	vsel vm11, $0x1702, v34;
	v33 =	vsel vm12, $0x1703, v33  }
0xf7: {  	v21 =	vsel vm12, $0x1F03, v21;
	v31 =	vsel vm13, $0x1604, v31;
	v38 =	vsel vm13, $0x1D04, v38  }
0xf8: {  	v40 =	vsel vm8, $0x1A07, v40;
	v39 =	vsel vm9, $0x1A00, v39;
	v37 =	vsel vm10, $0x1901, v37  }
0xf9: {  	[tilespmem:$0x1FCE0] =	vst v6;
	v34 =	vsel vm12, $0x1803, v34;
	v21 =	vsel vm13, $0x4, v21;
	v1 =	vsel vm14, $0x1E05, v38  }
0xfa: {  	[tilespmem:$0x1FC80] =	vst v62;
	v38 =	vsel vm15, $0xF06, v18;
	v40 =	vsel vm9, $0x1B00, v40;
	v39 =	vsel vm10, $0x1B01, v39  }
0xfb: {  	[tilespmem:$0x1FC40] =	vst v45;
	v37 =	vsel vm11, $0x1A02, v37;
	v34 =	vsel vm13, $0x1904, v34;
	v6 =	vsel vm14, $0x105, v21  }
0xfc: {  	[tilespmem:$0x1FC50] =	vst v46;
	v20 =	vsel vm15, $0x1F06, v1;
	v40 =	vsel vm10, $0x1C01, v40;
	v39 =	vsel vm11, $0x1C02, v39  }
0xfd: {  	[tilespmem:$0x1FC30] =	vst v41;
	v37 =	vsel vm12, $0x1B03, v37;
	v34 =	vsel vm14, $0x1A05, v34;
	v6 =	vsel vm15, $0x206, v6  }
0xfe: {  	[tilespmem:$0x1FC10] =	vst v8;
	v40 =	vsel vm11, $0x1D02, v40;
	v39 =	vsel vm12, $0x1D03, v39;
	v37 =	vsel vm13, $0x1C04, v37  }
0xff: {  	v18 =	vsel vm15, $0x1B06, v34;
	[tilespmem:$0x1FBC0] =	vst v6;
	v6 =	vsel vm15, $0x306, v7;
	v34 =	vsel vm15, $0xC06, v47  }
0x100: {  	[tilespmem:$0x1FB90] =	vst v20;
	v40 =	vsel vm12, $0x1E03, v40;
	v39 =	vsel vm13, $0x1E04, v39;
	v37 =	vsel vm14, $0x1D05, v37  }
0x101: {  	[tilespmem:$0x1FBD0] =	vst v6;
	v40 =	vsel vm13, $0x1F04, v40;
	v39 =	vsel vm14, $0x1F05, v39;
	v16 =	vsel vm15, $0x1E06, v37;
	v37 =	vld [tilespmem:$0x1FB80]  }
0x102: {  	v30 =	vsel vm14, $0x1605, v30;
	[tilespmem:$0x1FC60] =	vst v34;
	v40 =	vsel vm14, $0x5, v40;
	v20 =	vsel vm15, $0x6, v39  }
0x103: {  	v27 =	vsel vm15, $0x1506, v28;
	v43 =	vsel vm15, $0x1906, v32;
	[tilespmem:$0x1FBA0] =	vst v20;
	v20 =	vsel vm15, $0x106, v40  }
0x104: {  	v31 =	vsel vm14, $0x1705, v31;
	v6 =	vand.u32 $0xF, v14;
	v40 =	vsel vm15, $0x806, v9;
	[tilespmem:$0x1FBB0] =	vst v20  }
0x105: {  	v17 =	vsel vm15, $0x1806, v31;
	v32 =	vcombine.low v11, v6;
	[tilespmem:$0x1FC20] =	vst v40;
	v40 =	vsel vm15, $0xD06, v48  }
0x106: {  	s0 =	rddreg [dreg:$0x0];
	s2 =	simm.s32 $0x0;
	[tilespmem:$0x1FC70] =	vst v40;
	v62 =	vcombine.low v37, v11;
	v37 =	vmovc v27;
	v11 =	vsel vm15, $0x406, v24;
	v27 =	vlaneseq.u32  }
0x107: {  	[smem:$0x7FF] =	sst s2;
	v31 =	vsel vm15, $0x260E, v56;
	v56 =	vsel vm15, $0x290E, v59;
	v47 =	vld [tilespmem:$0x1FC80];
	[tilespmem:$0x1FBE0] =	vst v11;
	v59 =	vadd.s32 $0xD, v27  }
0x108: {  	s6 =	rddreg [dreg:$0x1];
	v23 =	vsel vm14, $0x1105, v23;
	v33 =	vsel vm13, $0x1804, v33;
	v48 =	vld [tilespmem:$0x1FC90];
	_ =	strace $0x80000047;
	[tilespmem:$0x1FCF0] =	vst v59  }
0x109: {  	v19 =	vsel vm15, $0x1006, v19;
	v29 =	vsel vm14, $0x1505, v29;
	v33 =	vsel vm14, $0x1905, v33;
	[tilespmem:$0x1FD30] =	vst v60  }
0x10a: {  	v23 =	vsel vm15, $0x1206, v23;
	v28 =	vsel vm15, $0x1606, v29;
	v29 =	vsel vm15, $0x1706, v30;
	v30 =	vmovc v19;
	[tilespmem:$0x1FD40] =	vst v38  }
0x10b: {  	v49 =	vsel vm13, $0x3D0C, v49;
	v36 =	vsel vm4, $0x1203, v36;
	v35 =	vsel vm10, $0x1701, v35;
	[tilespmem:$0x1FD50] =	vst v30  }
0x10c: {  	v36 =	vsel vm5, $0x1304, v36;
	v35 =	vsel vm11, $0x1802, v35;
	v44 =	vsel vm15, $0x1A06, v33;
	v33 =	vmovc v23;
	[tilespmem:$0x1FD60] =	vst v42  }
0x10d: {  	v50 =	vsel vm13, $0x3E0C, v50;
	v36 =	vsel vm6, $0x1405, v36;
	v35 =	vsel vm12, $0x1903, v35;
	v23 =	vmovc v25;
	[tilespmem:$0x1FD70] =	vst v33  }
0x10e: {  	v51 =	vsel vm13, $0x3F0C, v51;
	v36 =	vsel vm7, $0x1506, v36;
	v35 =	vsel vm13, $0x1A04, v35;
	[tilespmem:$0x1FD80] =	vst v23  }
0x10f: {  	v53 =	vsel vm13, $0x210C, v53;
	v36 =	vsel vm8, $0x1607, v36;
	v35 =	vsel vm14, $0x1B05, v35;
	[tilespmem:$0x1FD90] =	vst v26  }
0x110: {  	v55 =	vsel vm13, $0x230C, v55;
	v57 =	vsel vm5, $0x3D04, v57;
	v36 =	vsel vm9, $0x1700, v36;
	v39 =	vmovc v28;
	[tilespmem:$0x1FDA0] =	vst v37  }
0x111: {  	v54 =	vsel vm9, $0x3E08, v54;
	v52 =	vsel vm13, $0x200C, v52;
	v36 =	vsel vm10, $0x1801, v36;
	v28 =	vmovc v29;
	[tilespmem:$0x1FDB0] =	vst v39  }
0x112: {  	v57 =	vsel vm6, $0x3E05, v57;
	v36 =	vsel vm11, $0x1902, v36;
	v19 =	vsel vm15, $0x1C06, v35;
	v35 =	vmovc v17;
	[tilespmem:$0x1FDC0] =	vst v28  }
0x113: {  	v54 =	vsel vm10, $0x3F09, v54;
	v57 =	vsel vm7, $0x3F06, v57;
	v36 =	vsel vm12, $0x1A03, v36;
	[tilespmem:$0x1FDD0] =	vst v35  }
0x114: {  	v54 =	vsel vm11, $0x200A, v54;
	v49 =	vsel vm14, $0x3E0D, v49;
	v36 =	vsel vm13, $0x1B04, v36;
	v41 =	vmovc v44;
	[tilespmem:$0x1FDE0] =	vst v43  }
0x115: {  	v50 =	vsel vm14, $0x3F0D, v50;
	v51 =	vsel vm14, $0x200D, v51;
	v36 =	vsel vm14, $0x1C05, v36;
	v44 =	vmovc v18;
	[tilespmem:$0x1FDF0] =	vst v41  }
0x116: {  	v52 =	vsel vm14, $0x210D, v52;
	v13 =	vimm.s32 $0x76543210;
	v45 =	vmovc v19;
	v15 =	vsel vm15, $0x1D06, v36;
	[tilespmem:$0x1FE00] =	vst v44  }
0x117: {  	v53 =	vsel vm14, $0x220D, v53;
	v55 =	vsel vm14, $0x240D, v55;
	v13 =	vunpack.c.l.s4.s8 v13;
	v46 =	vmovc v15;
	[tilespmem:$0x1FE10] =	vst v45  }
0x118: {  	v57 =	vsel vm8, $0x2007, v57;
	v54 =	vsel vm12, $0x210B, v54;
	v58 =	vsel vm4, $0x3D03, v58;
	v40 =	vmovc v16;
	[tilespmem:$0x1FE20] =	vst v46  }
0x119: {  	v57 =	vsel vm9, $0x2108, v57;
	v58 =	vsel vm5, $0x3E04, v58;
	v13 =	vunpack.c.0.s8.s32 v13;
	[tilespmem:$0x1FE30] =	vst v40  }
0x11a: {  	v54 =	vsel vm13, $0x220C, v54;
	v58 =	vsel vm6, $0x3F05, v58;
	v9 =	vsel vm15, $0x3F0E, v49;
	[tilespmem:$0x1FE40] =	vst v62  }
0x11b: {  	v58 =	vsel vm7, $0x2006, v58;
	v21 =	vcombine.low v12, v13;
	v13 =	vsel vm15, $0x200E, v50;
	[tilespmem:$0x1FE50] =	vst v9  }
0x11c: {  	v57 =	vsel vm10, $0x2209, v57;
	v58 =	vsel vm8, $0x2107, v58;
	v34 =	vsel vm15, $0x210E, v51;
	[tilespmem:$0x1FE60] =	vst v13  }
0x11d: {  	v54 =	vsel vm14, $0x230D, v54;
	v58 =	vsel vm9, $0x2208, v58;
	v12 =	vsel vm15, $0x220E, v52;
	[tilespmem:$0x1FE70] =	vst v34  }
0x11e: {  	v57 =	vsel vm11, $0x230A, v57;
	v58 =	vsel vm10, $0x2309, v58;
	v20 =	vsel vm15, $0x230E, v53;
	[tilespmem:$0x1FE80] =	vst v12  }
0x11f: {  	v57 =	vsel vm12, $0x240B, v57;
	v58 =	vsel vm11, $0x240A, v58;
	v8 =	vsel vm15, $0x240E, v54;
	[tilespmem:$0x1FE90] =	vst v20  }
0x120: {  	v57 =	vsel vm13, $0x250C, v57;
	v58 =	vsel vm12, $0x250B, v58;
	v11 =	vsel vm15, $0x250E, v55;
	[tilespmem:$0x1FEA0] =	vst v8  }
0x121: {  	v57 =	vsel vm14, $0x260D, v57;
	v58 =	vsel vm13, $0x260C, v58;
	[tilespmem:$0x1FEB0] =	vst v11  }
0x122: {  	v58 =	vsel vm14, $0x270D, v58;
	v0 =	vsel vm15, $0x270E, v57;
	[tilespmem:$0x1FEC0] =	vst v31  }
0x123: {  	v58 =	vsel vm15, $0x280E, v58;
	[tilespmem:$0x1FED0] =	vst v0  }
0x124: {  	[tilespmem:$0x1FEE0] =	vst v58  }
0x125: {  	v57 =	vmov v21;
	v21 =	vsel vm15, $0x2A0E, v4;
	[tilespmem:$0x1FEF0] =	vst v56  }
0x126: {  	v22 =	vsel vm15, $0x2B0E, v22;
	[tilespmem:$0x1FF00] =	vst v21  }
0x127: {  	v52 =	vsel vm15, $0x2C0E, v47;
	[tilespmem:$0x1FF10] =	vst v22  }
0x128: {  	[tilespmem:$0x1FF20] =	vst v52  }
0x129: {  	v25 =	vadd.s32 $0x6, v27;
	[tilespmem:$0x1FF50] =	vst v63  }
0x12a: {  	[tilespmem:$0x1FF80] =	vst v25  }
0x12b: {  	v10 =	vadd.s32 $0x1, v27;
	[tilespmem:$0x1FFA0] =	vst v57;
	v49 =	vld [tilespmem:$0x1FCA0]  }
0x12c: {  	v7 =	vimm.s32 $0x98765432;
	v16 =	vadd.s32 $0x2, v27;
	[tilespmem:$0x1FFB0] =	vst v10;
	v50 =	vld [tilespmem:$0x1FCB0]  }
0x12d: {  	v6 =	vunpack.c.l.s4.s8 v7;
	v15 =	vadd.s32 $0x3, v27;
	[tilespmem:$0x1FFC0] =	vst v16;
	v54 =	vld [tilespmem:$0x1FCD0]  }
0x12e: {  	v7 =	vimm.s32 $0xA9876543;
	v47 =	vadd.s32 $0x4, v27;
	[tilespmem:$0x1FFD0] =	vst v15;
	v55 =	vld [tilespmem:$0x1FCE0]  }
0x12f: {  	v7 =	vunpack.c.l.s4.s8 v7;
	v6 =	vunpack.c.0.s8.s32 v6;
	v14 =	vadd.s32 $0x5, v27;
	[tilespmem:$0x1FFE0] =	vst v47  }
0x130: {  	v59 =	vor.u32 $0x10, v27;
	[tilespmem:$0x1FFF0] =	vst v14  }
0x131: {  	s3 =	srdreg.scid;
	s4 =	stileid.u32;
	v5 =	vunpack.c.0.s8.s32 v7;
	v6 =	vand.u32 $0xF, v6;
	v48 =	vsel vm15, $0x2D0E, v48;
	[tilespmem:$0x1FD20] =	vst v59  }
0x132: {  	s10 =	simm.s32 $0x4000;
	s11 =	simm.s32 $0x3;
	s12 =	simm.s32 $0x80;
	[tilespmem:$0x1FF30] =	vst v48;
	v53 =	vcombine.low v49, v50;
	v51 =	vcombine.low v50, v6;
	v50 =	vadd.s32 $0xE, v27  }
0x133: {  	s13 =	simm.s32 $0x3400;
	s14 =	simm.s32 $0x4400;
	s15 =	simm.s32 $0x1;
	v29 =	vcombine.low v54, v55;
	v54 =	vadd.s32 $0xF, v27;
	[tilespmem:$0x1FD00] =	vst v50  }
0x134: {  	s16 =	simm.s32 $0x5400;
	s17 =	simm.s32 $0x6400;
	s18 =	simm.s32 $0x7400;
	v6 =	vand.u32 $0xF, v5;
	v5 =	vadd.s32 $0xC, v27;
	[tilespmem:$0x1FD10] =	vst v54  }
0x135: {  	s19 =	simm.s32 $0x9400;
	s20 =	simm.s32 $0x2;
	s7 =	sand.u32 $0x1, s3;
	[tilespmem:$0x1FF60] =	vst v5  }
0x136: {  	s22 =	simm.s32 $0x0;
	s3 =	sadd.s32 $0x800, s6;
	s8 =	ssub.s32 $0x2, s7;
	v55 =	vcombine.low v55, v6;
	[tilespmem:$0x1FCC0] =	vst v51  }
0x137: {  	s5 =	sadd.s32 $0xF42C00, s6;
	s31 =	sshll.u32 s4, $0xA;
	s9 =	sshrl.u32 s8, $0x1;
	[tilespmem:$0x1FF90] =	vst v53  }
0x138: {  	s6 =	sadd.s32 $0xD800, s6;
	s7 =	sshll.u32 s7, $0x9;
	s8 =	ssub.s32 s8, s9;
	v17 =	vadd.s32 $0x8, v27;
	v51 =	vadd.s32 $0xB, v27;
	[tilespmem:$0x1FF40] =	vst v55  }
0x139: {  	s7 =	sor.u32 s7, s31;
	s9 =	simm.s32 $0x100;
	s8 =	smax.u32 s8, $0x1;
	v36 =	vmovc v26;
	v24 =	vmovc v43;
	v18 =	vadd.s32 $0x9, v27;
	v19 =	vadd.s32 $0xA, v27;
	v49 =	vadd.s32 $0x7, v27;
	[tilespmem:$0x1FF70] =	vst v51  }
.LBB2_1:
0x13a: {  	p1 =	por $0x1, $0x1;
	s21 =	simm.s32 $0x0  }
.LBB2_2:
0x13b: {  	s21 =	sor.u32 s7, s21  }
0x13c: {  	s23 =	sshrl.u32 s21, $0x3  }
0x13d: {  	s24 =	sadd.s32 s0, s23  }
0x13e: {  	[tilespmem:s22], [sflag:$0x3] =	stream.strided.gather [hbm4b:s24+s9], $0x1A00, s10, s9, $0x38;
	[tilespmem:$0xB400] =	vst v63  }
0x13f: {  	_ =	swait.ge [sflag:s11], $0x1A00  }
0x140: {  	[sflag:s11] =	ssyncset.done $0x0  }
0x141: {  	s31 =	sadd.s32 s3, s23;
	s23 =	simm.s32 $0x1A00;
	[sflag:s11] =	ssyncadd.s32 $0xFFFFE600  }
0x142: {  	[tilespmem:s23], [sflag:$0x3] =	stream.strided.gather [hbm4b:s31+s9], $0x1A00, s10, s9, $0x38;
	[tilespmem:$0xB400] =	vst v63  }
0x143: {  	_ =	swait.ge [sflag:s11], $0x1A00  }
0x144: {  	[sflag:s11] =	ssyncset.done $0x0  }
0x145: {  	v7 =	vld [tilespmem:$0x1FB60];
	[sflag:s11] =	ssyncadd.s32 $0xFFFFE600  }
0x146: {  	v2 =	vld [tilespmem:$0x1FCF0];
	[tilespmem:s13], [sflag:$0x1] =	stream.indirect.gather [hbm4b:s5+s12], $0x20, s22, s12, $0xb8  }
0x147: {  	p0 =	por p1, p1;
	s25 =	simm.s32 $0x0;
	s24 =	simm.s32 $0x1B00;
	v3 =	vld [tilespmem:$0x1FD00]  }
0x148: {  	v43 =	vmov v23;
	v4 =	vld [tilespmem:$0x1FD10];
	[tilespmem:s14], [sflag:$0x1] =	stream.indirect.gather [hbm4b:s5+s12], $0x20, s12, s12, $0xb8  }
.LBB2_3:
0x149: {  	_ =	swait.ge [sflag:s15], $0x1000  }
0x14a: {  	[sflag:s15] =	ssyncset.done $0x0  }
0x14b: {  	[sflag:s15] =	ssyncadd.s32 $0xFFFFF000  }
0x14c: {  	s26 =	sshllo.u32 s25, $0x1;
	_ =	swait.ge [sflag:s15], $0x1000  }
0x14d: {  	s28 =	sshll.u32 s26, $0x8;
	[sflag:s15] =	ssyncset.done $0x0  }
0x14e: {  	s28 =	sand.u32 $0x3FFFFF00, s28;
	[sflag:s15] =	ssyncadd.s32 $0xFFFFF000  }
0x14f: {  	v48 =	vmov v24;
	v24 =	vor.u32 s22, v27;
	[tilespmem:s16], [sflag:$0x1] =	stream.indirect.gather [hbm4b:s5+s12], $0x20, s28, s12, $0xb8;
	[tilespmem:$0xB400] =	vst v63  }
0x150: {  	p1 =	seq.s32 s25, $0x0;
	v23 =	vshll.u32 v24, $0x5;
	s28 =	sor.u32 $0x80, s28  }
0x151: {  	v26 =	vor.u32 v27, v23;
	[tilespmem:s17], [sflag:$0x1] =	stream.indirect.gather [hbm4b:s5+s12], $0x20, s28, s12, $0xb8;
	[tilespmem:$0xB400] =	vst v63  }
0x152: {  	s28 =	simm.s32 @!p1 $0x2  }
0x153: {  	_ =	swait.ge @!p1 [sflag:s28], $0x2000  }
0x154: {  	[sflag:s28] =	ssyncset.done @!p1 $0x0  }
0x155: {  	[sflag:s28] =	ssyncadd.s32 @!p1 $0xFFFFE000  }
0x156: {  	v34 =	vmov v28;
	v28 =	vld.idx.msk [tilespmem:v26+s13+$0x0], $0xffff  }
0x157: {  	v26 =	vld [tilespmem:s23+$0x0]  }
0x158: {  	v27 =	vand.u32 $0xF8, v24  }
0x159: {  	v24 =	vor.u32 v60, v27  }
0x15a: {  	v22 =	vmov v29;
	v29 =	vor.u32 v10, v23;
	_ =	sdelay $0x1  }
0x15b: {  	v28 =	vmul.f32 v28, v26;
	_ =	sdelay $0x1  }
0x15c: {  	[tilespmem:v24+s18+$0x0] =	vst.idx.msk $0xffff, v28  }
0x15d: {  	v24 =	vld.idx.msk [tilespmem:v29+s13+$0x0], $0xffff;
	_ =	sdelay $0x1  }
0x15e: {  	v12 =	vmov v16;
	v28 =	vor.u32 v38, v27  }
0x15f: {  	v29 =	vor.u32 v12, v23;
	_ =	sdelay $0x1  }
0x160: {  	v24 =	vmul.f32 v24, v26;
	_ =	sdelay $0x1  }
0x161: {  	[tilespmem:v28+s18+$0x0] =	vst.idx.msk $0xffff, v24  }
0x162: {  	v24 =	vld.idx.msk [tilespmem:v29+s13+$0x0], $0xffff;
	_ =	sdelay $0x1  }
0x163: {  	v11 =	vmov v15;
	v28 =	vor.u32 v30, v27  }
0x164: {  	v29 =	vor.u32 v11, v23;
	_ =	sdelay $0x1  }
0x165: {  	v24 =	vmul.f32 v24, v26;
	_ =	sdelay $0x1  }
0x166: {  	[tilespmem:v28+s18+$0x0] =	vst.idx.msk $0xffff, v24  }
0x167: {  	v24 =	vld.idx.msk [tilespmem:v29+s13+$0x0], $0xffff;
	_ =	sdelay $0x1  }
0x168: {  	v13 =	vmov v47;
	v28 =	vor.u32 v42, v27  }
0x169: {  	v29 =	vor.u32 v13, v23;
	_ =	sdelay $0x1  }
0x16a: {  	v24 =	vmul.f32 v24, v26;
	_ =	sdelay $0x1  }
0x16b: {  	[tilespmem:v28+s18+$0x0] =	vst.idx.msk $0xffff, v24  }
0x16c: {  	v24 =	vld.idx.msk [tilespmem:v29+s13+$0x0], $0xffff;
	_ =	sdelay $0x1  }
0x16d: {  	v28 =	vor.u32 v33, v27  }
0x16e: {  	v29 =	vor.u32 v14, v23;
	_ =	sdelay $0x1  }
0x16f: {  	v24 =	vmul.f32 v24, v26;
	_ =	sdelay $0x1  }
0x170: {  	[tilespmem:v28+s18+$0x0] =	vst.idx.msk $0xffff, v24  }
0x171: {  	v24 =	vld.idx.msk [tilespmem:v29+s13+$0x0], $0xffff;
	_ =	sdelay $0x1  }
0x172: {  	v28 =	vor.u32 v43, v27  }
0x173: {  	v29 =	vor.u32 v25, v23;
	_ =	sdelay $0x1  }
0x174: {  	v24 =	vmul.f32 v24, v26;
	_ =	sdelay $0x1  }
0x175: {  	[tilespmem:v28+s18+$0x0] =	vst.idx.msk $0xffff, v24  }
0x176: {  	v24 =	vld.idx.msk [tilespmem:v29+s13+$0x0], $0xffff;
	_ =	sdelay $0x1  }
0x177: {  	v28 =	vor.u32 v36, v27  }
0x178: {  	v29 =	vor.u32 v49, v23;
	_ =	sdelay $0x1  }
0x179: {  	v24 =	vmul.f32 v24, v26;
	_ =	sdelay $0x1  }
0x17a: {  	[tilespmem:v28+s18+$0x0] =	vst.idx.msk $0xffff, v24  }
0x17b: {  	v24 =	vld.idx.msk [tilespmem:v29+s13+$0x0], $0xffff;
	_ =	sdelay $0x1  }
0x17c: {  	v28 =	vor.u32 v37, v27  }
0x17d: {  	v29 =	vor.u32 v17, v23;
	_ =	sdelay $0x1  }
0x17e: {  	v24 =	vmul.f32 v24, v26;
	_ =	sdelay $0x1  }
0x17f: {  	[tilespmem:v28+s18+$0x0] =	vst.idx.msk $0xffff, v24  }
0x180: {  	v24 =	vld.idx.msk [tilespmem:v29+s13+$0x0], $0xffff;
	_ =	sdelay $0x1  }
0x181: {  	v28 =	vor.u32 v39, v27  }
0x182: {  	v29 =	vor.u32 v18, v23;
	_ =	sdelay $0x1  }
0x183: {  	v24 =	vmul.f32 v24, v26;
	_ =	sdelay $0x1  }
0x184: {  	[tilespmem:v28+s18+$0x0] =	vst.idx.msk $0xffff, v24  }
0x185: {  	v24 =	vld.idx.msk [tilespmem:v29+s13+$0x0], $0xffff;
	_ =	sdelay $0x1  }
0x186: {  	v28 =	vor.u32 v34, v27  }
0x187: {  	v29 =	vor.u32 v19, v23;
	_ =	sdelay $0x1  }
0x188: {  	v24 =	vmul.f32 v24, v26;
	_ =	sdelay $0x1  }
0x189: {  	[tilespmem:v28+s18+$0x0] =	vst.idx.msk $0xffff, v24  }
0x18a: {  	v24 =	vld.idx.msk [tilespmem:v29+s13+$0x0], $0xffff;
	_ =	sdelay $0x1  }
0x18b: {  	v28 =	vor.u32 v35, v27  }
0x18c: {  	v29 =	vor.u32 v51, v23;
	_ =	sdelay $0x1  }
0x18d: {  	v24 =	vmul.f32 v24, v26;
	_ =	sdelay $0x1  }
0x18e: {  	[tilespmem:v28+s18+$0x0] =	vst.idx.msk $0xffff, v24  }
0x18f: {  	v24 =	vld.idx.msk [tilespmem:v29+s13+$0x0], $0xffff;
	_ =	sdelay $0x1  }
0x190: {  	v28 =	vor.u32 v48, v27  }
0x191: {  	v29 =	vor.u32 v5, v23;
	_ =	sdelay $0x1  }
0x192: {  	v24 =	vmul.f32 v24, v26;
	_ =	sdelay $0x1  }
0x193: {  	[tilespmem:v28+s18+$0x0] =	vst.idx.msk $0xffff, v24  }
0x194: {  	v24 =	vld.idx.msk [tilespmem:v29+s13+$0x0], $0xffff;
	_ =	sdelay $0x1  }
0x195: {  	v28 =	vor.u32 v41, v27  }
0x196: {  	v29 =	vor.u32 v2, v23;
	_ =	sdelay $0x1  }
0x197: {  	v24 =	vmul.f32 v24, v26;
	_ =	sdelay $0x1  }
0x198: {  	[tilespmem:v28+s18+$0x0] =	vst.idx.msk $0xffff, v24  }
0x199: {  	v24 =	vld.idx.msk [tilespmem:v29+s13+$0x0], $0xffff;
	_ =	sdelay $0x1  }
0x19a: {  	v28 =	vor.u32 v44, v27  }
0x19b: {  	v29 =	vor.u32 v3, v23;
	_ =	sdelay $0x1  }
0x19c: {  	v24 =	vmul.f32 v24, v26;
	_ =	sdelay $0x1  }
0x19d: {  	[tilespmem:v28+s18+$0x0] =	vst.idx.msk $0xffff, v24  }
0x19e: {  	v24 =	vld.idx.msk [tilespmem:v29+s13+$0x0], $0xffff;
	_ =	sdelay $0x1  }
0x19f: {  	v28 =	vor.u32 v45, v27  }
0x1a0: {  	v29 =	vor.u32 v4, v23;
	_ =	sdelay $0x1  }
0x1a1: {  	v24 =	vmul.f32 v24, v26  }
0x1a2: {  	v0 =	vld [tilespmem:$0x1FD20]  }
0x1a3: {  	[tilespmem:v28+s18+$0x0] =	vst.idx.msk $0xffff, v24  }
0x1a4: {  	v24 =	vld.idx.msk [tilespmem:v29+s13+$0x0], $0xffff;
	_ =	sdelay $0x1  }
0x1a5: {  	v28 =	vor.u32 v46, v27  }
0x1a6: {  	v29 =	vor.u32 v0, v23;
	_ =	sdelay $0x1  }
0x1a7: {  	v24 =	vmul.f32 v24, v26;
	_ =	sdelay $0x1  }
0x1a8: {  	[tilespmem:v28+s18+$0x0] =	vst.idx.msk $0xffff, v24  }
0x1a9: {  	v24 =	vld.idx.msk [tilespmem:v29+s13+$0x0], $0xffff;
	_ =	sdelay $0x1  }
0x1aa: {  	v28 =	vor.u32 v40, v27  }
0x1ab: {  	v29 =	vor.u32 v62, v23;
	_ =	sdelay $0x1  }
0x1ac: {  	v16 =	vmov v49;
	v49 =	vld [tilespmem:$0x1FB90];
	v24 =	vmul.f32 v24, v26;
	_ =	sdelay $0x1  }
0x1ad: {  	[tilespmem:v28+s18+$0x0] =	vst.idx.msk $0xffff, v24  }
0x1ae: {  	v24 =	vld.idx.msk [tilespmem:v29+s13+$0x0], $0xffff;
	_ =	sdelay $0x1  }
0x1af: {  	v28 =	vor.u32 v49, v27  }
0x1b0: {  	v29 =	vor.u32 v53, v23;
	_ =	sdelay $0x1  }
0x1b1: {  	v50 =	vld [tilespmem:$0x1FBA0];
	v24 =	vmul.f32 v24, v26;
	_ =	sdelay $0x1  }
0x1b2: {  	[tilespmem:v28+s18+$0x0] =	vst.idx.msk $0xffff, v24  }
0x1b3: {  	v24 =	vld.idx.msk [tilespmem:v29+s13+$0x0], $0xffff;
	_ =	sdelay $0x1  }
0x1b4: {  	v28 =	vor.u32 v50, v27  }
0x1b5: {  	v29 =	vor.u32 v22, v23;
	_ =	sdelay $0x1  }
0x1b6: {  	v20 =	vmov v51;
	v51 =	vld [tilespmem:$0x1FBB0];
	v24 =	vmul.f32 v24, v26;
	_ =	sdelay $0x1  }
0x1b7: {  	[tilespmem:v28+s18+$0x0] =	vst.idx.msk $0xffff, v24  }
0x1b8: {  	v24 =	vld.idx.msk [tilespmem:v29+s13+$0x0], $0xffff;
	_ =	sdelay $0x1  }
0x1b9: {  	v28 =	vor.u32 v51, v27  }
0x1ba: {  	v29 =	vor.u32 v7, v23;
	_ =	sdelay $0x1  }
0x1bb: {  	v52 =	vld [tilespmem:$0x1FBC0];
	v24 =	vmul.f32 v24, v26  }
0x1bc: {  	v1 =	vld [tilespmem:$0x1FB70]  }
0x1bd: {  	[tilespmem:v28+s18+$0x0] =	vst.idx.msk $0xffff, v24  }
0x1be: {  	v24 =	vld.idx.msk [tilespmem:v29+s13+$0x0], $0xffff;
	_ =	sdelay $0x1  }
0x1bf: {  	v28 =	vor.u32 v52, v27  }
0x1c0: {  	v29 =	vor.u32 v1, v23;
	_ =	sdelay $0x1  }
0x1c1: {  	v6 =	vmov v53;
	v53 =	vld [tilespmem:$0x1FBD0];
	v24 =	vmul.f32 v24, v26;
	_ =	sdelay $0x1  }
0x1c2: {  	[tilespmem:v28+s18+$0x0] =	vst.idx.msk $0xffff, v24  }
0x1c3: {  	v24 =	vld.idx.msk [tilespmem:v29+s13+$0x0], $0xffff;
	_ =	sdelay $0x1  }
0x1c4: {  	v28 =	vor.u32 v53, v27  }
0x1c5: {  	v29 =	vor.u32 v63, v23;
	_ =	sdelay $0x1  }
0x1c6: {  	v54 =	vld [tilespmem:$0x1FBE0];
	v24 =	vmul.f32 v24, v26;
	_ =	sdelay $0x1  }
0x1c7: {  	[tilespmem:v28+s18+$0x0] =	vst.idx.msk $0xffff, v24  }
0x1c8: {  	v24 =	vld.idx.msk [tilespmem:v29+s13+$0x0], $0xffff;
	_ =	sdelay $0x1  }
0x1c9: {  	v28 =	vor.u32 v54, v27  }
0x1ca: {  	v29 =	vor.u32 v61, v23;
	_ =	sdelay $0x1  }
0x1cb: {  	v9 =	vmov v55;
	v55 =	vld [tilespmem:$0x1FBF0];
	v24 =	vmul.f32 v24, v26;
	_ =	sdelay $0x1  }
0x1cc: {  	[tilespmem:v28+s18+$0x0] =	vst.idx.msk $0xffff, v24  }
0x1cd: {  	v24 =	vld.idx.msk [tilespmem:v29+s13+$0x0], $0xffff;
	_ =	sdelay $0x1  }
0x1ce: {  	v28 =	vor.u32 v55, v27  }
0x1cf: {  	v29 =	vor.u32 v57, v23;
	_ =	sdelay $0x1  }
0x1d0: {  	v56 =	vld [tilespmem:$0x1FC00];
	v24 =	vmul.f32 v24, v26;
	_ =	sdelay $0x1  }
0x1d1: {  	[tilespmem:v28+s18+$0x0] =	vst.idx.msk $0xffff, v24  }
0x1d2: {  	v24 =	vld.idx.msk [tilespmem:v29+s13+$0x0], $0xffff;
	_ =	sdelay $0x1  }
0x1d3: {  	v28 =	vor.u32 v56, v27  }
0x1d4: {  	v29 =	vor.u32 v32, v23;
	_ =	sdelay $0x1  }
0x1d5: {  	v31 =	vmov v57;
	v57 =	vld [tilespmem:$0x1FC10];
	v24 =	vmul.f32 v24, v26  }
0x1d6: {  	v0 =	vld [tilespmem:$0x1FCC0]  }
0x1d7: {  	[tilespmem:v28+s18+$0x0] =	vst.idx.msk $0xffff, v24  }
0x1d8: {  	v24 =	vld.idx.msk [tilespmem:v29+s13+$0x0], $0xffff;
	_ =	sdelay $0x1  }
0x1d9: {  	v28 =	vor.u32 v57, v27  }
0x1da: {  	v29 =	vor.u32 v0, v23;
	_ =	sdelay $0x1  }
0x1db: {  	v0 =	vld [tilespmem:$0x1FC20];
	v24 =	vmul.f32 v24, v26;
	_ =	sdelay $0x1  }
0x1dc: {  	[tilespmem:v28+s18+$0x0] =	vst.idx.msk $0xffff, v24  }
0x1dd: {  	v24 =	vld.idx.msk [tilespmem:v29+s13+$0x0], $0xffff;
	_ =	sdelay $0x1  }
0x1de: {  	v28 =	vor.u32 v0, v27  }
0x1df: {  	v29 =	vor.u32 v9, v23;
	_ =	sdelay $0x1  }
0x1e0: {  	v24 =	vmul.f32 v24, v26;
	_ =	sdelay $0x1  }
0x1e1: {  	v58 =	vld [tilespmem:$0x1FC30];
	[tilespmem:v28+s18+$0x0] =	vst.idx.msk $0xffff, v24  }
0x1e2: {  	v24 =	vld.idx.msk [tilespmem:v29+s13+$0x0], $0xffff  }
0x1e3: {  	v29 =	vld [tilespmem:$0x1FB20];
	_ =	sdelay $0x3  }
0x1e4: {  	v28 =	vor.u32 v58, v27  }
0x1e5: {  	v29 =	vor.u32 v29, v23;
	_ =	sdelay $0x1  }
0x1e6: {  	v24 =	vmul.f32 v24, v26;
	_ =	sdelay $0x1  }
0x1e7: {  	v59 =	vld [tilespmem:$0x1FC40];
	[tilespmem:v28+s18+$0x0] =	vst.idx.msk $0xffff, v24  }
0x1e8: {  	v24 =	vld.idx.msk [tilespmem:v29+s13+$0x0], $0xffff  }
0x1e9: {  	v29 =	vld [tilespmem:$0x1FB30];
	_ =	sdelay $0x3  }
0x1ea: {  	v28 =	vor.u32 v59, v27  }
0x1eb: {  	v29 =	vor.u32 v29, v23;
	_ =	sdelay $0x1  }
0x1ec: {  	v24 =	vmul.f32 v24, v26;
	_ =	sdelay $0x1  }
0x1ed: {  	v47 =	vmov v5;
	v5 =	vmov v22;
	v22 =	vmov v61;
	v61 =	vld [tilespmem:$0x1FC50];
	[tilespmem:v28+s18+$0x0] =	vst.idx.msk $0xffff, v24  }
0x1ee: {  	v24 =	vld.idx.msk [tilespmem:v29+s13+$0x0], $0xffff  }
0x1ef: {  	v29 =	vld [tilespmem:$0x1FB40];
	_ =	sdelay $0x3  }
0x1f0: {  	v28 =	vor.u32 v61, v27  }
0x1f1: {  	v29 =	vor.u32 v29, v23;
	_ =	sdelay $0x1  }
0x1f2: {  	v24 =	vmul.f32 v24, v26;
	_ =	sdelay $0x1  }
0x1f3: {  	v15 =	vmov v25;
	v25 =	vmov v62;
	v62 =	vld [tilespmem:$0x1FC60];
	[tilespmem:v28+s18+$0x0] =	vst.idx.msk $0xffff, v24  }
0x1f4: {  	v24 =	vld.idx.msk [tilespmem:v29+s13+$0x0], $0xffff  }
0x1f5: {  	v29 =	vld [tilespmem:$0x1FB50];
	_ =	sdelay $0x3  }
0x1f6: {  	v28 =	vor.u32 v62, v27  }
0x1f7: {  	v23 =	vor.u32 v29, v23;
	_ =	sdelay $0x1  }
0x1f8: {  	v24 =	vmul.f32 v24, v26;
	_ =	sdelay $0x1  }
0x1f9: {  	v21 =	vmov v63;
	v63 =	vld [tilespmem:$0x1FC70];
	[tilespmem:v28+s18+$0x0] =	vst.idx.msk $0xffff, v24  }
0x1fa: {  	v29 =	vld.idx.msk [tilespmem:v23+s13+$0x0], $0xffff;
	_ =	sdelay $0x1  }
0x1fb: {  	v8 =	vlaneseq.u32;
	s28 =	simm.s32 $0x10  }
0x1fc: {  	v23 =	vor.u32 s28, v8  }
0x1fd: {  	v28 =	vor.u32 v63, v27;
	v24 =	vshll.u32 v23, $0x5  }
0x1fe: {  	s29 =	simm.s32 $0x20;
	s30 =	smov.u32 s23;
	s28 =	sshll.u32 s25, $0xB;
	v23 =	vand.u32 $0xF8, v23;
	v27 =	vor.u32 v8, v24;
	v26 =	vmul.f32 v29, v26  }
.LBB2_4:
0x1ff: {  	_ =	sdelay $0x2  }
0x200: {  	[tilespmem:v28+s18+$0x0] =	vst.idx.msk $0xffff, v26  }
0x201: {  	s30 =	sadd.s32 $0x10, s30;
	v27 =	vld.idx.msk [tilespmem:v27+s13+$0x0], $0xffff  }
0x202: {  	v26 =	vld [tilespmem:s30+$0x0];
	_ =	sdelay $0x1  }
0x203: {  	v28 =	vor.u32 v60, v23  }
0x204: {  	v29 =	vor.u32 v10, v24;
	_ =	sdelay $0x1  }
0x205: {  	v27 =	vmul.f32 v27, v26;
	_ =	sdelay $0x1  }
0x206: {  	[tilespmem:v28+s18+$0x0] =	vst.idx.msk $0xffff, v27  }
0x207: {  	v27 =	vld.idx.msk [tilespmem:v29+s13+$0x0], $0xffff;
	_ =	sdelay $0x1  }
0x208: {  	v28 =	vor.u32 v38, v23  }
0x209: {  	v29 =	vor.u32 v12, v24;
	_ =	sdelay $0x1  }
0x20a: {  	v27 =	vmul.f32 v27, v26;
	_ =	sdelay $0x1  }
0x20b: {  	[tilespmem:v28+s18+$0x0] =	vst.idx.msk $0xffff, v27  }
0x20c: {  	v27 =	vld.idx.msk [tilespmem:v29+s13+$0x0], $0xffff;
	_ =	sdelay $0x1  }
0x20d: {  	v28 =	vor.u32 v30, v23  }
0x20e: {  	v29 =	vor.u32 v11, v24;
	_ =	sdelay $0x1  }
0x20f: {  	v27 =	vmul.f32 v27, v26;
	_ =	sdelay $0x1  }
0x210: {  	[tilespmem:v28+s18+$0x0] =	vst.idx.msk $0xffff, v27  }
0x211: {  	v27 =	vld.idx.msk [tilespmem:v29+s13+$0x0], $0xffff;
	_ =	sdelay $0x1  }
0x212: {  	v28 =	vor.u32 v42, v23  }
0x213: {  	v29 =	vor.u32 v13, v24;
	_ =	sdelay $0x1  }
0x214: {  	v27 =	vmul.f32 v27, v26;
	_ =	sdelay $0x1  }
0x215: {  	[tilespmem:v28+s18+$0x0] =	vst.idx.msk $0xffff, v27  }
0x216: {  	v27 =	vld.idx.msk [tilespmem:v29+s13+$0x0], $0xffff;
	_ =	sdelay $0x1  }
0x217: {  	v28 =	vor.u32 v33, v23  }
0x218: {  	v29 =	vor.u32 v14, v24;
	_ =	sdelay $0x1  }
0x219: {  	v27 =	vmul.f32 v27, v26;
	_ =	sdelay $0x1  }
0x21a: {  	[tilespmem:v28+s18+$0x0] =	vst.idx.msk $0xffff, v27  }
0x21b: {  	v27 =	vld.idx.msk [tilespmem:v29+s13+$0x0], $0xffff;
	_ =	sdelay $0x1  }
0x21c: {  	v28 =	vor.u32 v43, v23  }
0x21d: {  	v29 =	vor.u32 v15, v24;
	_ =	sdelay $0x1  }
0x21e: {  	v27 =	vmul.f32 v27, v26;
	_ =	sdelay $0x1  }
0x21f: {  	[tilespmem:v28+s18+$0x0] =	vst.idx.msk $0xffff, v27  }
0x220: {  	v27 =	vld.idx.msk [tilespmem:v29+s13+$0x0], $0xffff;
	_ =	sdelay $0x1  }
0x221: {  	v28 =	vor.u32 v36, v23  }
0x222: {  	v29 =	vor.u32 v16, v24;
	_ =	sdelay $0x1  }
0x223: {  	v27 =	vmul.f32 v27, v26;
	_ =	sdelay $0x1  }
0x224: {  	[tilespmem:v28+s18+$0x0] =	vst.idx.msk $0xffff, v27  }
0x225: {  	v27 =	vld.idx.msk [tilespmem:v29+s13+$0x0], $0xffff;
	_ =	sdelay $0x1  }
0x226: {  	v28 =	vor.u32 v37, v23  }
0x227: {  	v29 =	vor.u32 v17, v24;
	_ =	sdelay $0x1  }
0x228: {  	v27 =	vmul.f32 v27, v26;
	_ =	sdelay $0x1  }
0x229: {  	[tilespmem:v28+s18+$0x0] =	vst.idx.msk $0xffff, v27  }
0x22a: {  	v27 =	vld.idx.msk [tilespmem:v29+s13+$0x0], $0xffff;
	_ =	sdelay $0x1  }
0x22b: {  	v28 =	vor.u32 v39, v23  }
0x22c: {  	v29 =	vor.u32 v18, v24;
	_ =	sdelay $0x1  }
0x22d: {  	v27 =	vmul.f32 v27, v26;
	_ =	sdelay $0x1  }
0x22e: {  	[tilespmem:v28+s18+$0x0] =	vst.idx.msk $0xffff, v27  }
0x22f: {  	v27 =	vld.idx.msk [tilespmem:v29+s13+$0x0], $0xffff;
	_ =	sdelay $0x1  }
0x230: {  	v28 =	vor.u32 v34, v23  }
0x231: {  	v29 =	vor.u32 v19, v24;
	_ =	sdelay $0x1  }
0x232: {  	v27 =	vmul.f32 v27, v26;
	_ =	sdelay $0x1  }
0x233: {  	[tilespmem:v28+s18+$0x0] =	vst.idx.msk $0xffff, v27  }
0x234: {  	v27 =	vld.idx.msk [tilespmem:v29+s13+$0x0], $0xffff;
	_ =	sdelay $0x1  }
0x235: {  	v28 =	vor.u32 v35, v23  }
0x236: {  	v29 =	vor.u32 v20, v24;
	_ =	sdelay $0x1  }
0x237: {  	v27 =	vmul.f32 v27, v26;
	_ =	sdelay $0x1  }
0x238: {  	[tilespmem:v28+s18+$0x0] =	vst.idx.msk $0xffff, v27  }
0x239: {  	v27 =	vld.idx.msk [tilespmem:v29+s13+$0x0], $0xffff;
	_ =	sdelay $0x1  }
0x23a: {  	v28 =	vor.u32 v48, v23  }
0x23b: {  	v29 =	vor.u32 v47, v24;
	_ =	sdelay $0x1  }
0x23c: {  	v27 =	vmul.f32 v27, v26;
	_ =	sdelay $0x1  }
0x23d: {  	[tilespmem:v28+s18+$0x0] =	vst.idx.msk $0xffff, v27  }
0x23e: {  	v27 =	vld.idx.msk [tilespmem:v29+s13+$0x0], $0xffff;
	_ =	sdelay $0x1  }
0x23f: {  	v28 =	vor.u32 v41, v23  }
0x240: {  	v29 =	vor.u32 v2, v24;
	_ =	sdelay $0x1  }
0x241: {  	v27 =	vmul.f32 v27, v26;
	_ =	sdelay $0x1  }
0x242: {  	[tilespmem:v28+s18+$0x0] =	vst.idx.msk $0xffff, v27  }
0x243: {  	v27 =	vld.idx.msk [tilespmem:v29+s13+$0x0], $0xffff;
	_ =	sdelay $0x1  }
0x244: {  	v28 =	vor.u32 v44, v23  }
0x245: {  	v29 =	vor.u32 v3, v24;
	_ =	sdelay $0x1  }
0x246: {  	v27 =	vmul.f32 v27, v26;
	_ =	sdelay $0x1  }
0x247: {  	[tilespmem:v28+s18+$0x0] =	vst.idx.msk $0xffff, v27  }
0x248: {  	v27 =	vld.idx.msk [tilespmem:v29+s13+$0x0], $0xffff;
	_ =	sdelay $0x1  }
0x249: {  	v28 =	vor.u32 v45, v23  }
0x24a: {  	v29 =	vor.u32 v4, v24;
	_ =	sdelay $0x1  }
0x24b: {  	v27 =	vmul.f32 v27, v26;
	_ =	sdelay $0x1  }
0x24c: {  	[tilespmem:v28+s18+$0x0] =	vst.idx.msk $0xffff, v27  }
0x24d: {  	v27 =	vld.idx.msk [tilespmem:v29+s13+$0x0], $0xffff  }
0x24e: {  	v29 =	vld [tilespmem:$0x1FD20];
	_ =	sdelay $0x3  }
0x24f: {  	v28 =	vor.u32 v46, v23  }
0x250: {  	v29 =	vor.u32 v29, v24;
	_ =	sdelay $0x1  }
0x251: {  	v27 =	vmul.f32 v27, v26;
	_ =	sdelay $0x1  }
0x252: {  	[tilespmem:v28+s18+$0x0] =	vst.idx.msk $0xffff, v27  }
0x253: {  	v27 =	vld.idx.msk [tilespmem:v29+s13+$0x0], $0xffff;
	_ =	sdelay $0x1  }
0x254: {  	v28 =	vor.u32 v40, v23  }
0x255: {  	v29 =	vor.u32 v25, v24;
	_ =	sdelay $0x1  }
0x256: {  	v27 =	vmul.f32 v27, v26;
	_ =	sdelay $0x1  }
0x257: {  	[tilespmem:v28+s18+$0x0] =	vst.idx.msk $0xffff, v27  }
0x258: {  	v27 =	vld.idx.msk [tilespmem:v29+s13+$0x0], $0xffff;
	_ =	sdelay $0x1  }
0x259: {  	v28 =	vor.u32 v49, v23  }
0x25a: {  	v29 =	vor.u32 v6, v24;
	_ =	sdelay $0x1  }
0x25b: {  	v27 =	vmul.f32 v27, v26;
	_ =	sdelay $0x1  }
0x25c: {  	[tilespmem:v28+s18+$0x0] =	vst.idx.msk $0xffff, v27  }
0x25d: {  	v27 =	vld.idx.msk [tilespmem:v29+s13+$0x0], $0xffff;
	_ =	sdelay $0x1  }
0x25e: {  	v28 =	vor.u32 v50, v23  }
0x25f: {  	v29 =	vor.u32 v5, v24;
	_ =	sdelay $0x1  }
0x260: {  	v27 =	vmul.f32 v27, v26;
	_ =	sdelay $0x1  }
0x261: {  	[tilespmem:v28+s18+$0x0] =	vst.idx.msk $0xffff, v27  }
0x262: {  	v27 =	vld.idx.msk [tilespmem:v29+s13+$0x0], $0xffff;
	_ =	sdelay $0x1  }
0x263: {  	v28 =	vor.u32 v51, v23  }
0x264: {  	v29 =	vor.u32 v7, v24;
	_ =	sdelay $0x1  }
0x265: {  	v27 =	vmul.f32 v27, v26;
	_ =	sdelay $0x1  }
0x266: {  	[tilespmem:v28+s18+$0x0] =	vst.idx.msk $0xffff, v27  }
0x267: {  	v27 =	vld.idx.msk [tilespmem:v29+s13+$0x0], $0xffff;
	_ =	sdelay $0x1  }
0x268: {  	v28 =	vor.u32 v52, v23  }
0x269: {  	v29 =	vor.u32 v1, v24;
	_ =	sdelay $0x1  }
0x26a: {  	v27 =	vmul.f32 v27, v26;
	_ =	sdelay $0x1  }
0x26b: {  	[tilespmem:v28+s18+$0x0] =	vst.idx.msk $0xffff, v27  }
0x26c: {  	v27 =	vld.idx.msk [tilespmem:v29+s13+$0x0], $0xffff;
	_ =	sdelay $0x1  }
0x26d: {  	v28 =	vor.u32 v53, v23  }
0x26e: {  	v29 =	vor.u32 v21, v24;
	_ =	sdelay $0x1  }
0x26f: {  	v27 =	vmul.f32 v27, v26;
	_ =	sdelay $0x1  }
0x270: {  	[tilespmem:v28+s18+$0x0] =	vst.idx.msk $0xffff, v27  }
0x271: {  	v27 =	vld.idx.msk [tilespmem:v29+s13+$0x0], $0xffff;
	_ =	sdelay $0x1  }
0x272: {  	v28 =	vor.u32 v54, v23  }
0x273: {  	v29 =	vor.u32 v22, v24;
	_ =	sdelay $0x1  }
0x274: {  	v27 =	vmul.f32 v27, v26;
	_ =	sdelay $0x1  }
0x275: {  	[tilespmem:v28+s18+$0x0] =	vst.idx.msk $0xffff, v27  }
0x276: {  	v27 =	vld.idx.msk [tilespmem:v29+s13+$0x0], $0xffff;
	_ =	sdelay $0x1  }
0x277: {  	v28 =	vor.u32 v55, v23  }
0x278: {  	v29 =	vor.u32 v31, v24;
	_ =	sdelay $0x1  }
0x279: {  	v27 =	vmul.f32 v27, v26;
	_ =	sdelay $0x1  }
0x27a: {  	[tilespmem:v28+s18+$0x0] =	vst.idx.msk $0xffff, v27  }
0x27b: {  	v27 =	vld.idx.msk [tilespmem:v29+s13+$0x0], $0xffff;
	_ =	sdelay $0x1  }
0x27c: {  	v28 =	vor.u32 v56, v23  }
0x27d: {  	v29 =	vor.u32 v32, v24;
	_ =	sdelay $0x1  }
0x27e: {  	v27 =	vmul.f32 v27, v26;
	_ =	sdelay $0x1  }
0x27f: {  	[tilespmem:v28+s18+$0x0] =	vst.idx.msk $0xffff, v27  }
0x280: {  	v27 =	vld.idx.msk [tilespmem:v29+s13+$0x0], $0xffff  }
0x281: {  	v29 =	vld [tilespmem:$0x1FCC0];
	_ =	sdelay $0x3  }
0x282: {  	v28 =	vor.u32 v57, v23  }
0x283: {  	v29 =	vor.u32 v29, v24;
	_ =	sdelay $0x1  }
0x284: {  	v27 =	vmul.f32 v27, v26;
	_ =	sdelay $0x1  }
0x285: {  	[tilespmem:v28+s18+$0x0] =	vst.idx.msk $0xffff, v27  }
0x286: {  	v27 =	vld.idx.msk [tilespmem:v29+s13+$0x0], $0xffff;
	_ =	sdelay $0x1  }
0x287: {  	v28 =	vor.u32 v0, v23  }
0x288: {  	v29 =	vor.u32 v9, v24;
	_ =	sdelay $0x1  }
0x289: {  	v27 =	vmul.f32 v27, v26;
	_ =	sdelay $0x1  }
0x28a: {  	[tilespmem:v28+s18+$0x0] =	vst.idx.msk $0xffff, v27  }
0x28b: {  	v27 =	vld.idx.msk [tilespmem:v29+s13+$0x0], $0xffff  }
0x28c: {  	v29 =	vld [tilespmem:$0x1FB20];
	_ =	sdelay $0x3  }
0x28d: {  	v28 =	vor.u32 v58, v23  }
0x28e: {  	v29 =	vor.u32 v29, v24;
	_ =	sdelay $0x1  }
0x28f: {  	v27 =	vmul.f32 v27, v26;
	_ =	sdelay $0x1  }
0x290: {  	[tilespmem:v28+s18+$0x0] =	vst.idx.msk $0xffff, v27  }
0x291: {  	v27 =	vld.idx.msk [tilespmem:v29+s13+$0x0], $0xffff  }
0x292: {  	v29 =	vld [tilespmem:$0x1FB30];
	_ =	sdelay $0x3  }
0x293: {  	v28 =	vor.u32 v59, v23  }
0x294: {  	v29 =	vor.u32 v29, v24;
	_ =	sdelay $0x1  }
0x295: {  	v27 =	vmul.f32 v27, v26;
	_ =	sdelay $0x1  }
0x296: {  	[tilespmem:v28+s18+$0x0] =	vst.idx.msk $0xffff, v27  }
0x297: {  	v27 =	vld.idx.msk [tilespmem:v29+s13+$0x0], $0xffff  }
0x298: {  	v29 =	vld [tilespmem:$0x1FB40];
	_ =	sdelay $0x3  }
0x299: {  	v28 =	vor.u32 v61, v23  }
0x29a: {  	v29 =	vor.u32 v29, v24;
	_ =	sdelay $0x1  }
0x29b: {  	v27 =	vmul.f32 v27, v26;
	_ =	sdelay $0x1  }
0x29c: {  	[tilespmem:v28+s18+$0x0] =	vst.idx.msk $0xffff, v27  }
0x29d: {  	v27 =	vld.idx.msk [tilespmem:v29+s13+$0x0], $0xffff  }
0x29e: {  	v29 =	vld [tilespmem:$0x1FB50];
	_ =	sdelay $0x3  }
0x29f: {  	v28 =	vor.u32 v62, v23  }
0x2a0: {  	v24 =	vor.u32 v29, v24;
	_ =	sdelay $0x1  }
0x2a1: {  	v27 =	vmul.f32 v27, v26;
	_ =	sdelay $0x1  }
0x2a2: {  	[tilespmem:v28+s18+$0x0] =	vst.idx.msk $0xffff, v27  }
0x2a3: {  	p1 =	sne.s32 s29, $0xF0;
	v29 =	vld.idx.msk [tilespmem:v24+s13+$0x0], $0xffff  }
.Ltmp0:
0x2a4: {  	_ = 	snop;
	(pc) =	sbr.rel @p1 .LBB2_4-.Ltmp0, $4  }
0x2a5: {  	s31 =	smov.u32 s29  }
0x2a6: {  	v27 =	vor.u32 s31, v8  }
0x2a7: {  	v28 =	vor.u32 v63, v23;
	v24 =	vshll.u32 v27, $0x5  }
0x2a8: {  	s29 =	sadd.s32 $0x10, s29;
	v23 =	vand.u32 $0xF8, v27;
	v27 =	vor.u32 v8, v24;
	v26 =	vmul.f32 v29, v26  }
0x2a9: {  	_ =	sdelay $0x3  }
0x2aa: {  	[tilespmem:v28+s18+$0x0] =	vst.idx.msk $0xffff, v26  }
0x2ab: {  	s29 =	sadd.s32 $0x10, s30;
	v27 =	vld.idx.msk [tilespmem:v27+s13+$0x0], $0xffff  }
0x2ac: {  	v26 =	vld [tilespmem:s29+$0x0];
	_ =	sdelay $0x1  }
0x2ad: {  	v28 =	vor.u32 v60, v23  }
0x2ae: {  	v29 =	vor.u32 v10, v24;
	_ =	sdelay $0x1  }
0x2af: {  	v27 =	vmul.f32 v27, v26;
	_ =	sdelay $0x1  }
0x2b0: {  	[tilespmem:v28+s18+$0x0] =	vst.idx.msk $0xffff, v27  }
0x2b1: {  	v27 =	vld.idx.msk [tilespmem:v29+s13+$0x0], $0xffff;
	_ =	sdelay $0x1  }
0x2b2: {  	v28 =	vor.u32 v38, v23  }
0x2b3: {  	v29 =	vor.u32 v12, v24;
	_ =	sdelay $0x1  }
0x2b4: {  	v27 =	vmul.f32 v27, v26;
	_ =	sdelay $0x1  }
0x2b5: {  	[tilespmem:v28+s18+$0x0] =	vst.idx.msk $0xffff, v27  }
0x2b6: {  	v27 =	vld.idx.msk [tilespmem:v29+s13+$0x0], $0xffff;
	_ =	sdelay $0x1  }
0x2b7: {  	v28 =	vor.u32 v30, v23  }
0x2b8: {  	v29 =	vor.u32 v11, v24;
	_ =	sdelay $0x1  }
0x2b9: {  	v27 =	vmul.f32 v27, v26;
	_ =	sdelay $0x1  }
0x2ba: {  	[tilespmem:v28+s18+$0x0] =	vst.idx.msk $0xffff, v27  }
0x2bb: {  	v27 =	vld.idx.msk [tilespmem:v29+s13+$0x0], $0xffff;
	_ =	sdelay $0x1  }
0x2bc: {  	v28 =	vor.u32 v42, v23  }
0x2bd: {  	v29 =	vor.u32 v13, v24;
	_ =	sdelay $0x1  }
0x2be: {  	v27 =	vmul.f32 v27, v26;
	_ =	sdelay $0x1  }
0x2bf: {  	[tilespmem:v28+s18+$0x0] =	vst.idx.msk $0xffff, v27  }
0x2c0: {  	v27 =	vld.idx.msk [tilespmem:v29+s13+$0x0], $0xffff;
	_ =	sdelay $0x1  }
0x2c1: {  	v28 =	vor.u32 v33, v23  }
0x2c2: {  	v29 =	vor.u32 v14, v24;
	_ =	sdelay $0x1  }
0x2c3: {  	v27 =	vmul.f32 v27, v26;
	_ =	sdelay $0x1  }
0x2c4: {  	[tilespmem:v28+s18+$0x0] =	vst.idx.msk $0xffff, v27  }
0x2c5: {  	v27 =	vld.idx.msk [tilespmem:v29+s13+$0x0], $0xffff;
	_ =	sdelay $0x1  }
0x2c6: {  	v28 =	vor.u32 v43, v23  }
0x2c7: {  	v29 =	vor.u32 v15, v24;
	_ =	sdelay $0x1  }
0x2c8: {  	v27 =	vmul.f32 v27, v26;
	_ =	sdelay $0x1  }
0x2c9: {  	[tilespmem:v28+s18+$0x0] =	vst.idx.msk $0xffff, v27  }
0x2ca: {  	v27 =	vld.idx.msk [tilespmem:v29+s13+$0x0], $0xffff;
	_ =	sdelay $0x1  }
0x2cb: {  	v28 =	vor.u32 v36, v23  }
0x2cc: {  	v29 =	vor.u32 v16, v24;
	_ =	sdelay $0x1  }
0x2cd: {  	v27 =	vmul.f32 v27, v26;
	_ =	sdelay $0x1  }
0x2ce: {  	[tilespmem:v28+s18+$0x0] =	vst.idx.msk $0xffff, v27  }
0x2cf: {  	v27 =	vld.idx.msk [tilespmem:v29+s13+$0x0], $0xffff;
	_ =	sdelay $0x1  }
0x2d0: {  	v28 =	vor.u32 v37, v23  }
0x2d1: {  	v29 =	vor.u32 v17, v24;
	_ =	sdelay $0x1  }
0x2d2: {  	v27 =	vmul.f32 v27, v26;
	_ =	sdelay $0x1  }
0x2d3: {  	[tilespmem:v28+s18+$0x0] =	vst.idx.msk $0xffff, v27  }
0x2d4: {  	v27 =	vld.idx.msk [tilespmem:v29+s13+$0x0], $0xffff;
	_ =	sdelay $0x1  }
0x2d5: {  	v28 =	vor.u32 v39, v23  }
0x2d6: {  	v29 =	vor.u32 v18, v24;
	_ =	sdelay $0x1  }
0x2d7: {  	v27 =	vmul.f32 v27, v26;
	_ =	sdelay $0x1  }
0x2d8: {  	[tilespmem:v28+s18+$0x0] =	vst.idx.msk $0xffff, v27  }
0x2d9: {  	v27 =	vld.idx.msk [tilespmem:v29+s13+$0x0], $0xffff;
	_ =	sdelay $0x1  }
0x2da: {  	v28 =	vor.u32 v34, v23  }
0x2db: {  	v29 =	vor.u32 v19, v24;
	_ =	sdelay $0x1  }
0x2dc: {  	v27 =	vmul.f32 v27, v26;
	_ =	sdelay $0x1  }
0x2dd: {  	[tilespmem:v28+s18+$0x0] =	vst.idx.msk $0xffff, v27  }
0x2de: {  	v27 =	vld.idx.msk [tilespmem:v29+s13+$0x0], $0xffff;
	_ =	sdelay $0x1  }
0x2df: {  	v28 =	vor.u32 v35, v23  }
0x2e0: {  	v29 =	vor.u32 v20, v24;
	_ =	sdelay $0x1  }
0x2e1: {  	v27 =	vmul.f32 v27, v26;
	_ =	sdelay $0x1  }
0x2e2: {  	[tilespmem:v28+s18+$0x0] =	vst.idx.msk $0xffff, v27  }
0x2e3: {  	v27 =	vld.idx.msk [tilespmem:v29+s13+$0x0], $0xffff;
	_ =	sdelay $0x1  }
0x2e4: {  	v28 =	vor.u32 v48, v23  }
0x2e5: {  	v29 =	vor.u32 v47, v24;
	_ =	sdelay $0x1  }
0x2e6: {  	v27 =	vmul.f32 v27, v26;
	_ =	sdelay $0x1  }
0x2e7: {  	[tilespmem:v28+s18+$0x0] =	vst.idx.msk $0xffff, v27  }
0x2e8: {  	v27 =	vld.idx.msk [tilespmem:v29+s13+$0x0], $0xffff;
	_ =	sdelay $0x1  }
0x2e9: {  	v28 =	vor.u32 v41, v23  }
0x2ea: {  	v29 =	vor.u32 v2, v24;
	_ =	sdelay $0x1  }
0x2eb: {  	v27 =	vmul.f32 v27, v26;
	_ =	sdelay $0x1  }
0x2ec: {  	[tilespmem:v28+s18+$0x0] =	vst.idx.msk $0xffff, v27  }
0x2ed: {  	v27 =	vld.idx.msk [tilespmem:v29+s13+$0x0], $0xffff;
	_ =	sdelay $0x1  }
0x2ee: {  	v28 =	vor.u32 v44, v23  }
0x2ef: {  	v29 =	vor.u32 v3, v24;
	_ =	sdelay $0x1  }
0x2f0: {  	v27 =	vmul.f32 v27, v26;
	_ =	sdelay $0x1  }
0x2f1: {  	[tilespmem:v28+s18+$0x0] =	vst.idx.msk $0xffff, v27  }
0x2f2: {  	v27 =	vld.idx.msk [tilespmem:v29+s13+$0x0], $0xffff;
	_ =	sdelay $0x1  }
0x2f3: {  	v28 =	vor.u32 v45, v23  }
0x2f4: {  	v29 =	vor.u32 v4, v24;
	_ =	sdelay $0x1  }
0x2f5: {  	v27 =	vmul.f32 v27, v26  }
0x2f6: {  	v20 =	vld [tilespmem:$0x1FD20]  }
0x2f7: {  	[tilespmem:v28+s18+$0x0] =	vst.idx.msk $0xffff, v27  }
0x2f8: {  	v27 =	vld.idx.msk [tilespmem:v29+s13+$0x0], $0xffff;
	_ =	sdelay $0x1  }
0x2f9: {  	v28 =	vor.u32 v46, v23  }
0x2fa: {  	v29 =	vor.u32 v20, v24;
	_ =	sdelay $0x1  }
0x2fb: {  	v27 =	vmul.f32 v27, v26;
	_ =	sdelay $0x1  }
0x2fc: {  	[tilespmem:v28+s18+$0x0] =	vst.idx.msk $0xffff, v27  }
0x2fd: {  	v27 =	vld.idx.msk [tilespmem:v29+s13+$0x0], $0xffff;
	_ =	sdelay $0x1  }
0x2fe: {  	v28 =	vor.u32 v40, v23  }
0x2ff: {  	v29 =	vor.u32 v25, v24;
	_ =	sdelay $0x1  }
0x300: {  	v27 =	vmul.f32 v27, v26;
	_ =	sdelay $0x1  }
0x301: {  	[tilespmem:v28+s18+$0x0] =	vst.idx.msk $0xffff, v27  }
0x302: {  	v27 =	vld.idx.msk [tilespmem:v29+s13+$0x0], $0xffff;
	_ =	sdelay $0x1  }
0x303: {  	v28 =	vor.u32 v49, v23  }
0x304: {  	v29 =	vor.u32 v6, v24;
	_ =	sdelay $0x1  }
0x305: {  	v27 =	vmul.f32 v27, v26;
	_ =	sdelay $0x1  }
0x306: {  	[tilespmem:v28+s18+$0x0] =	vst.idx.msk $0xffff, v27  }
0x307: {  	v27 =	vld.idx.msk [tilespmem:v29+s13+$0x0], $0xffff;
	_ =	sdelay $0x1  }
0x308: {  	v28 =	vor.u32 v50, v23  }
0x309: {  	v29 =	vor.u32 v5, v24;
	_ =	sdelay $0x1  }
0x30a: {  	v27 =	vmul.f32 v27, v26;
	_ =	sdelay $0x1  }
0x30b: {  	[tilespmem:v28+s18+$0x0] =	vst.idx.msk $0xffff, v27  }
0x30c: {  	v27 =	vld.idx.msk [tilespmem:v29+s13+$0x0], $0xffff;
	_ =	sdelay $0x1  }
0x30d: {  	v28 =	vor.u32 v51, v23  }
0x30e: {  	v29 =	vor.u32 v7, v24;
	_ =	sdelay $0x1  }
0x30f: {  	v27 =	vmul.f32 v27, v26;
	_ =	sdelay $0x1  }
0x310: {  	[tilespmem:v28+s18+$0x0] =	vst.idx.msk $0xffff, v27  }
0x311: {  	v27 =	vld.idx.msk [tilespmem:v29+s13+$0x0], $0xffff;
	_ =	sdelay $0x1  }
0x312: {  	v28 =	vor.u32 v52, v23  }
0x313: {  	v29 =	vor.u32 v1, v24;
	_ =	sdelay $0x1  }
0x314: {  	v27 =	vmul.f32 v27, v26;
	_ =	sdelay $0x1  }
0x315: {  	[tilespmem:v28+s18+$0x0] =	vst.idx.msk $0xffff, v27  }
0x316: {  	v27 =	vld.idx.msk [tilespmem:v29+s13+$0x0], $0xffff;
	_ =	sdelay $0x1  }
0x317: {  	v28 =	vor.u32 v53, v23  }
0x318: {  	v29 =	vor.u32 v21, v24;
	_ =	sdelay $0x1  }
0x319: {  	v27 =	vmul.f32 v27, v26;
	_ =	sdelay $0x1  }
0x31a: {  	[tilespmem:v28+s18+$0x0] =	vst.idx.msk $0xffff, v27  }
0x31b: {  	v27 =	vld.idx.msk [tilespmem:v29+s13+$0x0], $0xffff;
	_ =	sdelay $0x1  }
0x31c: {  	v28 =	vor.u32 v54, v23  }
0x31d: {  	v29 =	vor.u32 v22, v24;
	_ =	sdelay $0x1  }
0x31e: {  	v27 =	vmul.f32 v27, v26;
	_ =	sdelay $0x1  }
0x31f: {  	[tilespmem:v28+s18+$0x0] =	vst.idx.msk $0xffff, v27  }
0x320: {  	v27 =	vld.idx.msk [tilespmem:v29+s13+$0x0], $0xffff;
	_ =	sdelay $0x1  }
0x321: {  	v28 =	vor.u32 v55, v23  }
0x322: {  	v29 =	vor.u32 v31, v24;
	_ =	sdelay $0x1  }
0x323: {  	v27 =	vmul.f32 v27, v26;
	_ =	sdelay $0x1  }
0x324: {  	[tilespmem:v28+s18+$0x0] =	vst.idx.msk $0xffff, v27  }
0x325: {  	v27 =	vld.idx.msk [tilespmem:v29+s13+$0x0], $0xffff;
	_ =	sdelay $0x1  }
0x326: {  	v28 =	vor.u32 v56, v23  }
0x327: {  	v29 =	vor.u32 v32, v24;
	_ =	sdelay $0x1  }
0x328: {  	v27 =	vmul.f32 v27, v26  }
0x329: {  	v2 =	vld [tilespmem:$0x1FCC0]  }
0x32a: {  	[tilespmem:v28+s18+$0x0] =	vst.idx.msk $0xffff, v27  }
0x32b: {  	v27 =	vld.idx.msk [tilespmem:v29+s13+$0x0], $0xffff;
	_ =	sdelay $0x1  }
0x32c: {  	v28 =	vor.u32 v57, v23  }
0x32d: {  	v29 =	vor.u32 v2, v24;
	_ =	sdelay $0x1  }
0x32e: {  	v27 =	vmul.f32 v27, v26;
	_ =	sdelay $0x1  }
0x32f: {  	[tilespmem:v28+s18+$0x0] =	vst.idx.msk $0xffff, v27  }
0x330: {  	v27 =	vld.idx.msk [tilespmem:v29+s13+$0x0], $0xffff;
	_ =	sdelay $0x1  }
0x331: {  	v28 =	vor.u32 v0, v23  }
0x332: {  	v29 =	vor.u32 v9, v24;
	_ =	sdelay $0x1  }
0x333: {  	v27 =	vmul.f32 v27, v26  }
0x334: {  	v47 =	vmov v7;
	v7 =	vld [tilespmem:$0x1FB20]  }
0x335: {  	[tilespmem:v28+s18+$0x0] =	vst.idx.msk $0xffff, v27  }
0x336: {  	v27 =	vld.idx.msk [tilespmem:v29+s13+$0x0], $0xffff;
	_ =	sdelay $0x1  }
0x337: {  	v28 =	vor.u32 v58, v23  }
0x338: {  	v29 =	vor.u32 v7, v24;
	_ =	sdelay $0x1  }
0x339: {  	v27 =	vmul.f32 v27, v26  }
0x33a: {  	v0 =	vld [tilespmem:$0x1FB30]  }
0x33b: {  	[tilespmem:v28+s18+$0x0] =	vst.idx.msk $0xffff, v27  }
0x33c: {  	v27 =	vld.idx.msk [tilespmem:v29+s13+$0x0], $0xffff;
	_ =	sdelay $0x1  }
0x33d: {  	v28 =	vor.u32 v59, v23  }
0x33e: {  	v29 =	vor.u32 v0, v24;
	_ =	sdelay $0x1  }
0x33f: {  	v27 =	vmul.f32 v27, v26  }
0x340: {  	v60 =	vld [tilespmem:$0x1FB40]  }
0x341: {  	[tilespmem:v28+s18+$0x0] =	vst.idx.msk $0xffff, v27  }
0x342: {  	v27 =	vld.idx.msk [tilespmem:v29+s13+$0x0], $0xffff;
	_ =	sdelay $0x1  }
0x343: {  	v28 =	vor.u32 v61, v23  }
0x344: {  	v29 =	vor.u32 v60, v24;
	_ =	sdelay $0x1  }
0x345: {  	v27 =	vmul.f32 v27, v26  }
0x346: {  	v8 =	vmovc v10;
	v10 =	vmovc v12;
	v12 =	vmov v11;
	v11 =	vmov v13;
	v13 =	vmov v14;
	v14 =	vld [tilespmem:$0x1FB50]  }
0x347: {  	[tilespmem:v28+s18+$0x0] =	vst.idx.msk $0xffff, v27  }
0x348: {  	v27 =	vld.idx.msk [tilespmem:v29+s13+$0x0], $0xffff;
	_ =	sdelay $0x1  }
0x349: {  	v28 =	vor.u32 v62, v23  }
0x34a: {  	v24 =	vor.u32 v14, v24;
	_ =	sdelay $0x1  }
0x34b: {  	v27 =	vmul.f32 v27, v26;
	_ =	sdelay $0x1  }
0x34c: {  	[tilespmem:v28+s18+$0x0] =	vst.idx.msk $0xffff, v27  }
0x34d: {  	v24 =	vld.idx.msk [tilespmem:v24+s13+$0x0], $0xffff;
	_ =	sdelay $0x1  }
0x34e: {  	v23 =	vor.u32 v63, v23;
	_ =	sdelay $0x1  }
0x34f: {  	s29 =	sshll.u32 s25, $0x14  }
0x350: {  	s29 =	sor.u32 s21, s29;
	v24 =	vmul.f32 v24, v26  }
0x351: {  	s29 =	sshrl.u32 s29, $0x3  }
0x352: {  	s29 =	sadd.s32 s6, s29;
	[tilespmem:v23+s18+$0x0] =	vst.idx.msk $0xffff, v24  }
0x353: {  	[hbm4b:s29+s9] =	stream.strided.scatter [tilespmem:s18], [sflag:$0x2], $0x2000, s10, s9, $0x38;
	[tilespmem:$0xB400] =	vst v63  }
0x354: {  	_ =	swait.ge [sflag:s15], $0x1000  }
0x355: {  	[sflag:s15] =	ssyncset.done $0x0  }
0x356: {  	[sflag:s15] =	ssyncadd.s32 $0xFFFFF000  }
0x357: {  	p1 =	seq.s32 s25, $0xC;
	_ =	swait.ge [sflag:s15], $0x1000  }
0x358: {  	s28 =	sshrl.u32 @!p1 s28, $0x2;
	s30 =	simm.s32 @!p1 $0x80;
	[sflag:s15] =	ssyncset.done $0x0  }
0x359: {  	s31 =	simm.s32 @!p1 $0x3400;
	s29 =	sadd.s32 @!p1 $0x200, s28;
	[sflag:s15] =	ssyncadd.s32 $0xFFFFF000  }
0x35a: {  	[tilespmem:s31], [sflag:$0x1] =	stream.indirect.gather @!p1 [hbm4b:s5+s30], $0x20, s29, s30, $0xb8;
	[tilespmem:$0xB400] =	vst v63  }
0x35b: {  	s28 =	sadd.s32 @!p1 $0x280, s28;
	s29 =	simm.s32 @!p1 $0x4400  }
0x35c: {  	[tilespmem:s29], [sflag:$0x1] =	stream.indirect.gather @!p1 [hbm4b:s5+s30], $0x20, s28, s30, $0xb8;
	[tilespmem:$0xB400] =	vst v63  }
0x35d: {  	v0 =	vlaneseq.u32;
	s28 =	simm.s32 $0x100  }
0x35e: {  	v15 =	vmul.u32 $0x20, v0;
	v24 =	vmov s28  }
0x35f: {  	v24 =	vshll.u32 v24, $0x5  }
0x360: {  	p2 =	seq.s32 @!p1 s25, $0x0;
	v44 =	vor.u32 v15, v24  }
0x361: {  	p1 =	por p1, !p2;
	v24 =	vor.u32 v0, v44  }
0x362: {  	_ =	swait.ge @p1 [sflag:s20], $0x2000  }
0x363: {  	[sflag:s20] =	ssyncset.done @p1 $0x0  }
0x364: {  	[sflag:s20] =	ssyncadd.s32 @p1 $0xFFFFE000  }
0x365: {  	v43 =	vmul.u32 $0x101, v0;
	v45 =	vld [tilespmem:s24+$0x0]  }
0x366: {  	v26 =	vld.idx.msk [tilespmem:v24+s13+$0x0], $0xffff  }
0x367: {  	s30 =	simm.s32 $0x0;
	v0 =	vor.u32 $0x2000, v43  }
0x368: {  	v27 =	vor.u32 s30, v0  }
0x369: {  	v28 =	vor.u32 v8, v44;
	_ =	sdelay $0x1  }
0x36a: {  	v26 =	vmul.f32 v26, v45;
	_ =	sdelay $0x1  }
0x36b: {  	[tilespmem:v27+s18+$0x0] =	vst.idx.msk $0xffff, v26  }
0x36c: {  	v27 =	vld.idx.msk [tilespmem:v28+s13+$0x0], $0xffff  }
0x36d: {  	[tilespmem:$0x1FAF0] =	vst v0;
	v0 =	vadd.s32 $0x2100, v43  }
0x36e: {  	v28 =	vor.u32 s30, v0  }
0x36f: {  	v29 =	vor.u32 v10, v44;
	_ =	sdelay $0x1  }
0x370: {  	v27 =	vmul.f32 v27, v45;
	_ =	sdelay $0x1  }
0x371: {  	[tilespmem:v28+s18+$0x0] =	vst.idx.msk $0xffff, v27  }
0x372: {  	v28 =	vld.idx.msk [tilespmem:v29+s13+$0x0], $0xffff  }
0x373: {  	[tilespmem:$0x1FB00] =	vst v0;
	v0 =	vadd.s32 $0x2200, v43  }
0x374: {  	v29 =	vor.u32 s30, v0  }
0x375: {  	v30 =	vor.u32 v12, v44;
	_ =	sdelay $0x1  }
0x376: {  	v28 =	vmul.f32 v28, v45;
	_ =	sdelay $0x1  }
0x377: {  	[tilespmem:v29+s18+$0x0] =	vst.idx.msk $0xffff, v28  }
0x378: {  	v29 =	vld.idx.msk [tilespmem:v30+s13+$0x0], $0xffff  }
0x379: {  	[tilespmem:$0x1FB10] =	vst v0;
	v0 =	vadd.s32 $0x2300, v43  }
0x37a: {  	v30 =	vor.u32 s30, v0  }
0x37b: {  	v61 =	vor.u32 v11, v44;
	_ =	sdelay $0x1  }
0x37c: {  	v29 =	vmul.f32 v29, v45;
	_ =	sdelay $0x1  }
0x37d: {  	[tilespmem:v30+s18+$0x0] =	vst.idx.msk $0xffff, v29  }
0x37e: {  	v30 =	vld.idx.msk [tilespmem:v61+s13+$0x0], $0xffff  }
0x37f: {  	v28 =	vmov v0;
	v0 =	vadd.s32 $0x2400, v43  }
0x380: {  	v38 =	vor.u32 s30, v0  }
0x381: {  	v39 =	vor.u32 v13, v44;
	_ =	sdelay $0x1  }
0x382: {  	v30 =	vmul.f32 v30, v45  }
0x383: {  	v48 =	vmov v5;
	v5 =	vld [tilespmem:$0x1FF80]  }
0x384: {  	[tilespmem:v38+s18+$0x0] =	vst.idx.msk $0xffff, v30  }
0x385: {  	v33 =	vld.idx.msk [tilespmem:v39+s13+$0x0], $0xffff  }
0x386: {  	v26 =	vmov v0;
	v0 =	vadd.s32 $0x2500, v43  }
0x387: {  	v40 =	vor.u32 s30, v0  }
0x388: {  	v41 =	vor.u32 v5, v44;
	_ =	sdelay $0x1  }
0x389: {  	v33 =	vmul.f32 v33, v45;
	_ =	sdelay $0x1  }
0x38a: {  	[tilespmem:v40+s18+$0x0] =	vst.idx.msk $0xffff, v33  }
0x38b: {  	v34 =	vld.idx.msk [tilespmem:v41+s13+$0x0], $0xffff  }
0x38c: {  	v9 =	vmov v0;
	v0 =	vadd.s32 $0x2600, v43  }
0x38d: {  	v36 =	vmov v16;
	v42 =	vor.u32 s30, v0  }
0x38e: {  	v51 =	vmovc v32;
	v32 =	vmov v13;
	v13 =	vmov v36;
	v36 =	vor.u32 v36, v44;
	_ =	sdelay $0x1  }
0x38f: {  	v34 =	vmul.f32 v34, v45;
	_ =	sdelay $0x1  }
0x390: {  	[tilespmem:v42+s18+$0x0] =	vst.idx.msk $0xffff, v34  }
0x391: {  	v35 =	vld.idx.msk [tilespmem:v36+s13+$0x0], $0xffff  }
0x392: {  	v10 =	vmov v0;
	v0 =	vadd.s32 $0x2700, v43  }
0x393: {  	v37 =	vmov v17;
	v46 =	vor.u32 s30, v0  }
0x394: {  	v21 =	vmov v12;
	v12 =	vmov v37;
	v37 =	vor.u32 v37, v44;
	_ =	sdelay $0x1  }
0x395: {  	v35 =	vmul.f32 v35, v45;
	_ =	sdelay $0x1  }
0x396: {  	[tilespmem:v46+s18+$0x0] =	vst.idx.msk $0xffff, v35  }
0x397: {  	v36 =	vld.idx.msk [tilespmem:v37+s13+$0x0], $0xffff  }
0x398: {  	v34 =	vmov v0;
	v0 =	vadd.s32 $0x2800, v43  }
0x399: {  	v17 =	vmov v18;
	v63 =	vmov v47;
	v47 =	vor.u32 s30, v0  }
0x39a: {  	v50 =	vor.u32 v17, v44;
	_ =	sdelay $0x1  }
0x39b: {  	v36 =	vmul.f32 v36, v45;
	_ =	sdelay $0x1  }
0x39c: {  	[tilespmem:v47+s18+$0x0] =	vst.idx.msk $0xffff, v36  }
0x39d: {  	v37 =	vld.idx.msk [tilespmem:v50+s13+$0x0], $0xffff  }
0x39e: {  	v36 =	vadd.s32 $0x2900, v43  }
0x39f: {  	v16 =	vmov v19;
	v53 =	vor.u32 s30, v36  }
0x3a0: {  	v54 =	vor.u32 v16, v44;
	_ =	sdelay $0x1  }
0x3a1: {  	v37 =	vmul.f32 v37, v45  }
0x3a2: {  	v18 =	vmov v5;
	v5 =	vld [tilespmem:$0x1FF70]  }
0x3a3: {  	[tilespmem:v53+s18+$0x0] =	vst.idx.msk $0xffff, v37  }
0x3a4: {  	v38 =	vld.idx.msk [tilespmem:v54+s13+$0x0], $0xffff  }
0x3a5: {  	v37 =	vadd.s32 $0x2A00, v43  }
0x3a6: {  	v55 =	vor.u32 s30, v37  }
0x3a7: {  	v56 =	vor.u32 v5, v44;
	_ =	sdelay $0x1  }
0x3a8: {  	v38 =	vmul.f32 v38, v45  }
0x3a9: {  	v6 =	vld [tilespmem:$0x1FF60]  }
0x3aa: {  	[tilespmem:v55+s18+$0x0] =	vst.idx.msk $0xffff, v38  }
0x3ab: {  	v39 =	vld.idx.msk [tilespmem:v56+s13+$0x0], $0xffff  }
0x3ac: {  	v38 =	vadd.s32 $0x2B00, v43  }
0x3ad: {  	v57 =	vor.u32 s30, v38  }
0x3ae: {  	v58 =	vor.u32 v6, v44;
	_ =	sdelay $0x1  }
0x3af: {  	v39 =	vmul.f32 v39, v45  }
0x3b0: {  	v49 =	vmov v11;
	v11 =	vmov v5;
	v5 =	vmov v6;
	v6 =	vld [tilespmem:$0x1FCF0]  }
0x3b1: {  	[tilespmem:v57+s18+$0x0] =	vst.idx.msk $0xffff, v39  }
0x3b2: {  	v40 =	vld.idx.msk [tilespmem:v58+s13+$0x0], $0xffff  }
0x3b3: {  	v39 =	vadd.s32 $0x2C00, v43  }
0x3b4: {  	v59 =	vor.u32 s30, v39  }
0x3b5: {  	v23 =	vmov v7;
	v7 =	vmov v60;
	v60 =	vor.u32 v6, v44;
	_ =	sdelay $0x1  }
0x3b6: {  	v40 =	vmul.f32 v40, v45  }
0x3b7: {  	v62 =	vmov v2;
	v2 =	vmov v6;
	v6 =	vld [tilespmem:$0x1FD00]  }
0x3b8: {  	[tilespmem:v59+s18+$0x0] =	vst.idx.msk $0xffff, v40  }
0x3b9: {  	v41 =	vld.idx.msk [tilespmem:v60+s13+$0x0], $0xffff  }
0x3ba: {  	v40 =	vadd.s32 $0x2D00, v43  }
0x3bb: {  	v61 =	vor.u32 s30, v40  }
0x3bc: {  	v33 =	vor.u32 v6, v44;
	_ =	sdelay $0x1  }
0x3bd: {  	v41 =	vmul.f32 v41, v45  }
0x3be: {  	v3 =	vmov v6;
	v6 =	vld [tilespmem:$0x1FD10]  }
0x3bf: {  	[tilespmem:v61+s18+$0x0] =	vst.idx.msk $0xffff, v41  }
0x3c0: {  	v42 =	vld.idx.msk [tilespmem:v33+s13+$0x0], $0xffff  }
0x3c1: {  	v41 =	vadd.s32 $0x2E00, v43  }
0x3c2: {  	v35 =	vor.u32 s30, v41  }
0x3c3: {  	v50 =	vor.u32 v6, v44;
	_ =	sdelay $0x1  }
0x3c4: {  	v42 =	vmul.f32 v42, v45;
	_ =	sdelay $0x1  }
0x3c5: {  	[tilespmem:v35+s18+$0x0] =	vst.idx.msk $0xffff, v42  }
0x3c6: {  	v27 =	vmov v0;
	v0 =	vld.idx.msk [tilespmem:v50+s13+$0x0], $0xffff  }
0x3c7: {  	v42 =	vadd.s32 $0x2F00, v43  }
0x3c8: {  	v53 =	vor.u32 s30, v42  }
0x3c9: {  	v4 =	vmov v6;
	v6 =	vor.u32 v20, v44;
	_ =	sdelay $0x1  }
0x3ca: {  	v54 =	vmul.f32 v0, v45;
	_ =	sdelay $0x1  }
0x3cb: {  	v0 =	vld [tilespmem:$0x1FE40];
	[tilespmem:v53+s18+$0x0] =	vst.idx.msk $0xffff, v54  }
0x3cc: {  	v6 =	vld.idx.msk [tilespmem:v6+s13+$0x0], $0xffff;
	_ =	sdelay $0x1  }
0x3cd: {  	v43 =	vor.u32 $0x3000, v43  }
0x3ce: {  	v55 =	vor.u32 s30, v43  }
0x3cf: {  	v25 =	vmov v0;
	v0 =	vor.u32 v0, v44  }
0x3d0: {  	v56 =	vmul.f32 v6, v45;
	v6 =	vld [tilespmem:$0x1FE50];
	_ =	sdelay $0x2  }
0x3d1: {  	[tilespmem:v55+s18+$0x0] =	vst.idx.msk $0xffff, v56  }
0x3d2: {  	v46 =	vld.idx.msk [tilespmem:v0+s13+$0x0], $0xffff  }
0x3d3: {  	v0 =	vmov v6;
	v57 =	vor.u32 s30, v6;
	v6 =	vld [tilespmem:$0x1FF90];
	_ =	sdelay $0x4  }
0x3d4: {  	v53 =	vmov v6;
	v6 =	vor.u32 v6, v44;
	_ =	sdelay $0x1  }
0x3d5: {  	v46 =	vmul.f32 v46, v45;
	_ =	sdelay $0x1  }
0x3d6: {  	[tilespmem:v57+s18+$0x0] =	vst.idx.msk $0xffff, v46  }
0x3d7: {  	v46 =	vld.idx.msk [tilespmem:v6+s13+$0x0], $0xffff  }
0x3d8: {  	v6 =	vld [tilespmem:$0x1FE60];
	_ =	sdelay $0x4  }
0x3d9: {  	v58 =	vor.u32 s30, v6  }
0x3da: {  	v54 =	vmov v6;
	v6 =	vor.u32 v48, v44;
	_ =	sdelay $0x1  }
0x3db: {  	v46 =	vmul.f32 v46, v45;
	_ =	sdelay $0x1  }
0x3dc: {  	[tilespmem:v58+s18+$0x0] =	vst.idx.msk $0xffff, v46  }
0x3dd: {  	v46 =	vld.idx.msk [tilespmem:v6+s13+$0x0], $0xffff  }
0x3de: {  	v6 =	vld [tilespmem:$0x1FE70];
	_ =	sdelay $0x4  }
0x3df: {  	v59 =	vor.u32 s30, v6  }
0x3e0: {  	v8 =	vmov v6;
	v6 =	vor.u32 v63, v44;
	_ =	sdelay $0x1  }
0x3e1: {  	v46 =	vmul.f32 v46, v45;
	_ =	sdelay $0x1  }
0x3e2: {  	[tilespmem:v59+s18+$0x0] =	vst.idx.msk $0xffff, v46  }
0x3e3: {  	v46 =	vld.idx.msk [tilespmem:v6+s13+$0x0], $0xffff  }
0x3e4: {  	v6 =	vld [tilespmem:$0x1FE80];
	_ =	sdelay $0x4  }
0x3e5: {  	v60 =	vor.u32 s30, v6  }
0x3e6: {  	v52 =	vmov v22;
	v22 =	vmov v6;
	v6 =	vor.u32 v1, v44;
	_ =	sdelay $0x1  }
0x3e7: {  	v46 =	vmul.f32 v46, v45;
	_ =	sdelay $0x1  }
0x3e8: {  	[tilespmem:v60+s18+$0x0] =	vst.idx.msk $0xffff, v46  }
0x3e9: {  	v46 =	vld.idx.msk [tilespmem:v6+s13+$0x0], $0xffff  }
0x3ea: {  	v6 =	vld [tilespmem:$0x1FE90];
	_ =	sdelay $0x4  }
0x3eb: {  	v55 =	vmov v6;
	v61 =	vor.u32 s30, v6;
	v6 =	vld [tilespmem:$0x1FF50];
	_ =	sdelay $0x4  }
0x3ec: {  	v50 =	vmov v6;
	v6 =	vor.u32 v6, v44;
	_ =	sdelay $0x1  }
0x3ed: {  	v46 =	vmul.f32 v46, v45;
	_ =	sdelay $0x1  }
0x3ee: {  	[tilespmem:v61+s18+$0x0] =	vst.idx.msk $0xffff, v46  }
0x3ef: {  	v46 =	vld.idx.msk [tilespmem:v6+s13+$0x0], $0xffff  }
0x3f0: {  	v6 =	vld [tilespmem:$0x1FEA0];
	_ =	sdelay $0x4  }
0x3f1: {  	v33 =	vor.u32 s30, v6  }
0x3f2: {  	v56 =	vmov v6;
	v6 =	vor.u32 v52, v44;
	_ =	sdelay $0x1  }
0x3f3: {  	v46 =	vmul.f32 v46, v45;
	_ =	sdelay $0x1  }
0x3f4: {  	[tilespmem:v33+s18+$0x0] =	vst.idx.msk $0xffff, v46  }
0x3f5: {  	v46 =	vld.idx.msk [tilespmem:v6+s13+$0x0], $0xffff  }
0x3f6: {  	v6 =	vld [tilespmem:$0x1FEB0];
	_ =	sdelay $0x4  }
0x3f7: {  	v31 =	vmov v6;
	v35 =	vor.u32 s30, v6;
	v6 =	vld [tilespmem:$0x1FFA0];
	_ =	sdelay $0x4  }
0x3f8: {  	v57 =	vmov v6;
	v6 =	vor.u32 v6, v44;
	_ =	sdelay $0x1  }
0x3f9: {  	v46 =	vmul.f32 v46, v45;
	_ =	sdelay $0x1  }
0x3fa: {  	[tilespmem:v35+s18+$0x0] =	vst.idx.msk $0xffff, v46  }
0x3fb: {  	v46 =	vld.idx.msk [tilespmem:v6+s13+$0x0], $0xffff  }
0x3fc: {  	v6 =	vld [tilespmem:$0x1FEC0];
	_ =	sdelay $0x4  }
0x3fd: {  	v59 =	vor.u32 s30, v6  }
0x3fe: {  	v61 =	vmov v6;
	v6 =	vor.u32 v51, v44;
	_ =	sdelay $0x1  }
0x3ff: {  	v46 =	vmul.f32 v46, v45;
	_ =	sdelay $0x1  }
0x400: {  	[tilespmem:v59+s18+$0x0] =	vst.idx.msk $0xffff, v46  }
0x401: {  	v46 =	vld.idx.msk [tilespmem:v6+s13+$0x0], $0xffff  }
0x402: {  	v6 =	vld [tilespmem:$0x1FED0];
	_ =	sdelay $0x4  }
0x403: {  	v60 =	vor.u32 s30, v6  }
0x404: {  	v58 =	vmov v6;
	v6 =	vor.u32 v62, v44;
	_ =	sdelay $0x1  }
0x405: {  	v46 =	vmul.f32 v46, v45;
	_ =	sdelay $0x1  }
0x406: {  	[tilespmem:v60+s18+$0x0] =	vst.idx.msk $0xffff, v46  }
0x407: {  	v46 =	vld.idx.msk [tilespmem:v6+s13+$0x0], $0xffff  }
0x408: {  	v6 =	vld [tilespmem:$0x1FEE0]  }
0x409: {  	v19 =	vld [tilespmem:$0x1FF40];
	_ =	sdelay $0x3  }
0x40a: {  	v33 =	vor.u32 s30, v6  }
0x40b: {  	v59 =	vmov v6;
	v6 =	vmov v19;
	v19 =	vor.u32 v19, v44;
	_ =	sdelay $0x1  }
0x40c: {  	v29 =	vld [tilespmem:$0x1FEF0];
	v46 =	vmul.f32 v46, v45;
	_ =	sdelay $0x1  }
0x40d: {  	[tilespmem:v33+s18+$0x0] =	vst.idx.msk $0xffff, v46  }
0x40e: {  	v46 =	vld.idx.msk [tilespmem:v19+s13+$0x0], $0xffff;
	_ =	sdelay $0x1  }
0x40f: {  	v35 =	vor.u32 s30, v29;
	_ =	sdelay $0x1  }
0x410: {  	v24 =	vor.u32 v23, v44  }
0x411: {  	v46 =	vmul.f32 v46, v45  }
0x412: {  	v30 =	vld [tilespmem:$0x1FF00]  }
0x413: {  	[tilespmem:v35+s18+$0x0] =	vst.idx.msk $0xffff, v46;
	v35 =	vld [tilespmem:$0x1FB30];
	_ =	sdelay $0x1  }
0x414: {  	v46 =	vld.idx.msk [tilespmem:v24+s13+$0x0], $0xffff;
	_ =	sdelay $0x1  }
0x415: {  	v60 =	vor.u32 s30, v30  }
0x416: {  	v24 =	vor.u32 v35, v44;
	_ =	sdelay $0x1  }
0x417: {  	v19 =	vmov v29;
	v29 =	vmov v30;
	v30 =	vld [tilespmem:$0x1FF10];
	v46 =	vmul.f32 v46, v45;
	_ =	sdelay $0x1  }
0x418: {  	[tilespmem:v60+s18+$0x0] =	vst.idx.msk $0xffff, v46  }
0x419: {  	v46 =	vld.idx.msk [tilespmem:v24+s13+$0x0], $0xffff;
	_ =	sdelay $0x1  }
0x41a: {  	v33 =	vor.u32 s30, v30  }
0x41b: {  	v24 =	vor.u32 v7, v44;
	_ =	sdelay $0x1  }
0x41c: {  	v47 =	vld [tilespmem:$0x1FF20];
	v46 =	vmul.f32 v46, v45;
	_ =	sdelay $0x1  }
0x41d: {  	[tilespmem:v33+s18+$0x0] =	vst.idx.msk $0xffff, v46  }
0x41e: {  	v46 =	vld.idx.msk [tilespmem:v24+s13+$0x0], $0xffff;
	_ =	sdelay $0x1  }
0x41f: {  	v33 =	vor.u32 s30, v47  }
0x420: {  	v44 =	vor.u32 v14, v44;
	_ =	sdelay $0x1  }
0x421: {  	v46 =	vmul.f32 v46, v45  }
0x422: {  	s28 =	simm.s32 $0x110  }
0x423: {  	[tilespmem:v33+s18+$0x0] =	vst.idx.msk $0xffff, v46;
	v33 =	vmov s28  }
0x424: {  	v46 =	vld.idx.msk [tilespmem:v44+s13+$0x0], $0xffff;
	v44 =	vshll.u32 v33, $0x5  }
0x425: {  	v24 =	vmov v15;
	v44 =	vor.u32 v15, v44;
	v15 =	vld [tilespmem:$0x1FF30];
	_ =	sdelay $0x4  }
0x426: {  	v60 =	vmovc v30;
	v30 =	vmovc v47;
	v33 =	vmov v15;
	v47 =	vor.u32 s30, v15;
	v15 =	vlaneseq.u32;
	_ =	sdelay $0x2  }
0x427: {  	s29 =	simm.s32 $0x20;
	s28 =	simm.s32 $0x10;
	v45 =	vmul.f32 v46, v45;
	s30 =	smov.u32 s24;
	v46 =	vor.u32 v15, v44;
	v15 =	vmovc v35;
	v35 =	vmov v48  }
.LBB2_6:
0x428: {  	v48 =	vld [tilespmem:$0x1FAF0];
	_ =	sdelay $0x4  }
0x429: {  	[tilespmem:v47+s18+$0x0] =	vst.idx.msk $0xffff, v45;
	v47 =	vor.u32 s28, v48;
	v48 =	vld [tilespmem:$0x1FFB0]  }
0x42a: {  	s30 =	sadd.s32 $0x10, s30;
	v46 =	vld.idx.msk [tilespmem:v46+s13+$0x0], $0xffff  }
0x42b: {  	v45 =	vld [tilespmem:s30+$0x0];
	_ =	sdelay $0x2  }
0x42c: {  	v48 =	vor.u32 v48, v44;
	_ =	sdelay $0x1  }
0x42d: {  	v46 =	vmul.f32 v46, v45;
	_ =	sdelay $0x1  }
0x42e: {  	[tilespmem:v47+s18+$0x0] =	vst.idx.msk $0xffff, v46  }
0x42f: {  	v46 =	vld.idx.msk [tilespmem:v48+s13+$0x0], $0xffff  }
0x430: {  	v48 =	vld [tilespmem:$0x1FB00];
	_ =	sdelay $0x4  }
0x431: {  	v47 =	vor.u32 s28, v48;
	v48 =	vld [tilespmem:$0x1FFC0];
	_ =	sdelay $0x4  }
0x432: {  	v48 =	vor.u32 v48, v44;
	_ =	sdelay $0x1  }
0x433: {  	v46 =	vmul.f32 v46, v45;
	_ =	sdelay $0x1  }
0x434: {  	[tilespmem:v47+s18+$0x0] =	vst.idx.msk $0xffff, v46  }
0x435: {  	v46 =	vld.idx.msk [tilespmem:v48+s13+$0x0], $0xffff  }
0x436: {  	v48 =	vld [tilespmem:$0x1FB10];
	_ =	sdelay $0x4  }
0x437: {  	v47 =	vor.u32 s28, v48  }
0x438: {  	v48 =	vor.u32 v21, v44;
	_ =	sdelay $0x1  }
0x439: {  	v46 =	vmul.f32 v46, v45;
	_ =	sdelay $0x1  }
0x43a: {  	[tilespmem:v47+s18+$0x0] =	vst.idx.msk $0xffff, v46  }
0x43b: {  	v46 =	vld.idx.msk [tilespmem:v48+s13+$0x0], $0xffff;
	_ =	sdelay $0x1  }
0x43c: {  	v47 =	vor.u32 s28, v28  }
0x43d: {  	v48 =	vor.u32 v49, v44;
	_ =	sdelay $0x1  }
0x43e: {  	v46 =	vmul.f32 v46, v45;
	_ =	sdelay $0x1  }
0x43f: {  	[tilespmem:v47+s18+$0x0] =	vst.idx.msk $0xffff, v46  }
0x440: {  	v46 =	vld.idx.msk [tilespmem:v48+s13+$0x0], $0xffff;
	_ =	sdelay $0x1  }
0x441: {  	v47 =	vor.u32 s28, v26  }
0x442: {  	v48 =	vor.u32 v32, v44;
	_ =	sdelay $0x1  }
0x443: {  	v46 =	vmul.f32 v46, v45;
	_ =	sdelay $0x1  }
0x444: {  	[tilespmem:v47+s18+$0x0] =	vst.idx.msk $0xffff, v46  }
0x445: {  	v46 =	vld.idx.msk [tilespmem:v48+s13+$0x0], $0xffff;
	_ =	sdelay $0x1  }
0x446: {  	v47 =	vor.u32 s28, v9  }
0x447: {  	v48 =	vor.u32 v18, v44;
	_ =	sdelay $0x1  }
0x448: {  	v46 =	vmul.f32 v46, v45;
	_ =	sdelay $0x1  }
0x449: {  	[tilespmem:v47+s18+$0x0] =	vst.idx.msk $0xffff, v46  }
0x44a: {  	v46 =	vld.idx.msk [tilespmem:v48+s13+$0x0], $0xffff;
	_ =	sdelay $0x1  }
0x44b: {  	v47 =	vor.u32 s28, v10  }
0x44c: {  	v48 =	vor.u32 v13, v44;
	_ =	sdelay $0x1  }
0x44d: {  	v46 =	vmul.f32 v46, v45;
	_ =	sdelay $0x1  }
0x44e: {  	[tilespmem:v47+s18+$0x0] =	vst.idx.msk $0xffff, v46  }
0x44f: {  	v46 =	vld.idx.msk [tilespmem:v48+s13+$0x0], $0xffff;
	_ =	sdelay $0x1  }
0x450: {  	v47 =	vor.u32 s28, v34  }
0x451: {  	v48 =	vor.u32 v12, v44;
	_ =	sdelay $0x1  }
0x452: {  	v46 =	vmul.f32 v46, v45;
	_ =	sdelay $0x1  }
0x453: {  	[tilespmem:v47+s18+$0x0] =	vst.idx.msk $0xffff, v46  }
0x454: {  	v46 =	vld.idx.msk [tilespmem:v48+s13+$0x0], $0xffff;
	_ =	sdelay $0x1  }
0x455: {  	v47 =	vor.u32 s28, v27  }
0x456: {  	v48 =	vor.u32 v17, v44;
	_ =	sdelay $0x1  }
0x457: {  	v46 =	vmul.f32 v46, v45;
	_ =	sdelay $0x1  }
0x458: {  	[tilespmem:v47+s18+$0x0] =	vst.idx.msk $0xffff, v46  }
0x459: {  	v46 =	vld.idx.msk [tilespmem:v48+s13+$0x0], $0xffff;
	_ =	sdelay $0x1  }
0x45a: {  	v47 =	vor.u32 s28, v36  }
0x45b: {  	v48 =	vor.u32 v16, v44;
	_ =	sdelay $0x1  }
0x45c: {  	v46 =	vmul.f32 v46, v45;
	_ =	sdelay $0x1  }
0x45d: {  	[tilespmem:v47+s18+$0x0] =	vst.idx.msk $0xffff, v46  }
0x45e: {  	v46 =	vld.idx.msk [tilespmem:v48+s13+$0x0], $0xffff;
	_ =	sdelay $0x1  }
0x45f: {  	v47 =	vor.u32 s28, v37  }
0x460: {  	v48 =	vor.u32 v11, v44;
	_ =	sdelay $0x1  }
0x461: {  	v46 =	vmul.f32 v46, v45;
	_ =	sdelay $0x1  }
0x462: {  	[tilespmem:v47+s18+$0x0] =	vst.idx.msk $0xffff, v46  }
0x463: {  	v46 =	vld.idx.msk [tilespmem:v48+s13+$0x0], $0xffff;
	_ =	sdelay $0x1  }
0x464: {  	v47 =	vor.u32 s28, v38  }
0x465: {  	v48 =	vor.u32 v5, v44;
	_ =	sdelay $0x1  }
0x466: {  	v46 =	vmul.f32 v46, v45;
	_ =	sdelay $0x1  }
0x467: {  	[tilespmem:v47+s18+$0x0] =	vst.idx.msk $0xffff, v46  }
0x468: {  	v46 =	vld.idx.msk [tilespmem:v48+s13+$0x0], $0xffff;
	_ =	sdelay $0x1  }
0x469: {  	v47 =	vor.u32 s28, v39  }
0x46a: {  	v48 =	vor.u32 v2, v44;
	_ =	sdelay $0x1  }
0x46b: {  	v46 =	vmul.f32 v46, v45;
	_ =	sdelay $0x1  }
0x46c: {  	[tilespmem:v47+s18+$0x0] =	vst.idx.msk $0xffff, v46  }
0x46d: {  	v46 =	vld.idx.msk [tilespmem:v48+s13+$0x0], $0xffff;
	_ =	sdelay $0x1  }
0x46e: {  	v47 =	vor.u32 s28, v40  }
0x46f: {  	v48 =	vor.u32 v3, v44;
	_ =	sdelay $0x1  }
0x470: {  	v46 =	vmul.f32 v46, v45;
	_ =	sdelay $0x1  }
0x471: {  	[tilespmem:v47+s18+$0x0] =	vst.idx.msk $0xffff, v46  }
0x472: {  	v46 =	vld.idx.msk [tilespmem:v48+s13+$0x0], $0xffff;
	_ =	sdelay $0x1  }
0x473: {  	v47 =	vor.u32 s28, v41  }
0x474: {  	v48 =	vor.u32 v4, v44;
	_ =	sdelay $0x1  }
0x475: {  	v46 =	vmul.f32 v46, v45;
	_ =	sdelay $0x1  }
0x476: {  	[tilespmem:v47+s18+$0x0] =	vst.idx.msk $0xffff, v46  }
0x477: {  	v46 =	vld.idx.msk [tilespmem:v48+s13+$0x0], $0xffff;
	_ =	sdelay $0x1  }
0x478: {  	v47 =	vor.u32 s28, v42  }
0x479: {  	v48 =	vor.u32 v20, v44;
	_ =	sdelay $0x1  }
0x47a: {  	v46 =	vmul.f32 v46, v45;
	_ =	sdelay $0x1  }
0x47b: {  	[tilespmem:v47+s18+$0x0] =	vst.idx.msk $0xffff, v46  }
0x47c: {  	v46 =	vld.idx.msk [tilespmem:v48+s13+$0x0], $0xffff;
	_ =	sdelay $0x1  }
0x47d: {  	v47 =	vor.u32 s28, v43  }
0x47e: {  	v48 =	vor.u32 v25, v44;
	_ =	sdelay $0x1  }
0x47f: {  	v46 =	vmul.f32 v46, v45;
	_ =	sdelay $0x1  }
0x480: {  	[tilespmem:v47+s18+$0x0] =	vst.idx.msk $0xffff, v46  }
0x481: {  	v46 =	vld.idx.msk [tilespmem:v48+s13+$0x0], $0xffff;
	_ =	sdelay $0x1  }
0x482: {  	v47 =	vor.u32 s28, v0  }
0x483: {  	v48 =	vor.u32 v53, v44;
	_ =	sdelay $0x1  }
0x484: {  	v46 =	vmul.f32 v46, v45;
	_ =	sdelay $0x1  }
0x485: {  	[tilespmem:v47+s18+$0x0] =	vst.idx.msk $0xffff, v46  }
0x486: {  	v46 =	vld.idx.msk [tilespmem:v48+s13+$0x0], $0xffff;
	_ =	sdelay $0x1  }
0x487: {  	v47 =	vor.u32 s28, v54  }
0x488: {  	v48 =	vor.u32 v35, v44;
	_ =	sdelay $0x1  }
0x489: {  	v46 =	vmul.f32 v46, v45;
	_ =	sdelay $0x1  }
0x48a: {  	[tilespmem:v47+s18+$0x0] =	vst.idx.msk $0xffff, v46  }
0x48b: {  	v46 =	vld.idx.msk [tilespmem:v48+s13+$0x0], $0xffff;
	_ =	sdelay $0x1  }
0x48c: {  	v47 =	vor.u32 s28, v8  }
0x48d: {  	v48 =	vor.u32 v63, v44;
	_ =	sdelay $0x1  }
0x48e: {  	v46 =	vmul.f32 v46, v45;
	_ =	sdelay $0x1  }
0x48f: {  	[tilespmem:v47+s18+$0x0] =	vst.idx.msk $0xffff, v46  }
0x490: {  	v46 =	vld.idx.msk [tilespmem:v48+s13+$0x0], $0xffff;
	_ =	sdelay $0x1  }
0x491: {  	v47 =	vor.u32 s28, v22  }
0x492: {  	v48 =	vor.u32 v1, v44;
	_ =	sdelay $0x1  }
0x493: {  	v46 =	vmul.f32 v46, v45;
	_ =	sdelay $0x1  }
0x494: {  	[tilespmem:v47+s18+$0x0] =	vst.idx.msk $0xffff, v46  }
0x495: {  	v46 =	vld.idx.msk [tilespmem:v48+s13+$0x0], $0xffff;
	_ =	sdelay $0x1  }
0x496: {  	v47 =	vor.u32 s28, v55  }
0x497: {  	v48 =	vor.u32 v50, v44;
	_ =	sdelay $0x1  }
0x498: {  	v46 =	vmul.f32 v46, v45;
	_ =	sdelay $0x1  }
0x499: {  	[tilespmem:v47+s18+$0x0] =	vst.idx.msk $0xffff, v46  }
0x49a: {  	v46 =	vld.idx.msk [tilespmem:v48+s13+$0x0], $0xffff;
	_ =	sdelay $0x1  }
0x49b: {  	v47 =	vor.u32 s28, v56  }
0x49c: {  	v48 =	vor.u32 v52, v44;
	_ =	sdelay $0x1  }
0x49d: {  	v46 =	vmul.f32 v46, v45;
	_ =	sdelay $0x1  }
0x49e: {  	[tilespmem:v47+s18+$0x0] =	vst.idx.msk $0xffff, v46  }
0x49f: {  	v46 =	vld.idx.msk [tilespmem:v48+s13+$0x0], $0xffff;
	_ =	sdelay $0x1  }
0x4a0: {  	v47 =	vor.u32 s28, v31  }
0x4a1: {  	v48 =	vor.u32 v57, v44;
	_ =	sdelay $0x1  }
0x4a2: {  	v46 =	vmul.f32 v46, v45;
	_ =	sdelay $0x1  }
0x4a3: {  	[tilespmem:v47+s18+$0x0] =	vst.idx.msk $0xffff, v46  }
0x4a4: {  	v46 =	vld.idx.msk [tilespmem:v48+s13+$0x0], $0xffff;
	_ =	sdelay $0x1  }
0x4a5: {  	v47 =	vor.u32 s28, v61  }
0x4a6: {  	v48 =	vor.u32 v51, v44;
	_ =	sdelay $0x1  }
0x4a7: {  	v46 =	vmul.f32 v46, v45;
	_ =	sdelay $0x1  }
0x4a8: {  	[tilespmem:v47+s18+$0x0] =	vst.idx.msk $0xffff, v46  }
0x4a9: {  	v46 =	vld.idx.msk [tilespmem:v48+s13+$0x0], $0xffff;
	_ =	sdelay $0x1  }
0x4aa: {  	v47 =	vor.u32 s28, v58  }
0x4ab: {  	v48 =	vor.u32 v62, v44;
	_ =	sdelay $0x1  }
0x4ac: {  	v46 =	vmul.f32 v46, v45;
	_ =	sdelay $0x1  }
0x4ad: {  	[tilespmem:v47+s18+$0x0] =	vst.idx.msk $0xffff, v46  }
0x4ae: {  	v46 =	vld.idx.msk [tilespmem:v48+s13+$0x0], $0xffff;
	_ =	sdelay $0x1  }
0x4af: {  	v47 =	vor.u32 s28, v59  }
0x4b0: {  	v48 =	vor.u32 v6, v44;
	_ =	sdelay $0x1  }
0x4b1: {  	v46 =	vmul.f32 v46, v45;
	_ =	sdelay $0x1  }
0x4b2: {  	[tilespmem:v47+s18+$0x0] =	vst.idx.msk $0xffff, v46  }
0x4b3: {  	v46 =	vld.idx.msk [tilespmem:v48+s13+$0x0], $0xffff;
	_ =	sdelay $0x1  }
0x4b4: {  	v47 =	vor.u32 s28, v19  }
0x4b5: {  	v48 =	vor.u32 v23, v44;
	_ =	sdelay $0x1  }
0x4b6: {  	v46 =	vmul.f32 v46, v45;
	_ =	sdelay $0x1  }
0x4b7: {  	[tilespmem:v47+s18+$0x0] =	vst.idx.msk $0xffff, v46  }
0x4b8: {  	v46 =	vld.idx.msk [tilespmem:v48+s13+$0x0], $0xffff;
	_ =	sdelay $0x1  }
0x4b9: {  	v47 =	vor.u32 s28, v29  }
0x4ba: {  	v48 =	vor.u32 v15, v44;
	_ =	sdelay $0x1  }
0x4bb: {  	v46 =	vmul.f32 v46, v45;
	_ =	sdelay $0x1  }
0x4bc: {  	[tilespmem:v47+s18+$0x0] =	vst.idx.msk $0xffff, v46  }
0x4bd: {  	v46 =	vld.idx.msk [tilespmem:v48+s13+$0x0], $0xffff;
	_ =	sdelay $0x1  }
0x4be: {  	v47 =	vor.u32 s28, v60  }
0x4bf: {  	v48 =	vor.u32 v7, v44;
	_ =	sdelay $0x1  }
0x4c0: {  	v46 =	vmul.f32 v46, v45;
	_ =	sdelay $0x1  }
0x4c1: {  	[tilespmem:v47+s18+$0x0] =	vst.idx.msk $0xffff, v46  }
0x4c2: {  	v46 =	vld.idx.msk [tilespmem:v48+s13+$0x0], $0xffff;
	_ =	sdelay $0x1  }
0x4c3: {  	v47 =	vor.u32 s28, v30  }
0x4c4: {  	v48 =	vor.u32 v14, v44;
	_ =	sdelay $0x1  }
0x4c5: {  	v46 =	vmul.f32 v46, v45;
	_ =	sdelay $0x1  }
0x4c6: {  	[tilespmem:v47+s18+$0x0] =	vst.idx.msk $0xffff, v46  }
0x4c7: {  	p1 =	sne.s32 s29, $0xF0;
	s31 =	smov.u32 s29;
	v48 =	vld.idx.msk [tilespmem:v48+s13+$0x0], $0xffff  }
.Ltmp1:
0x4c8: {  	s1 =	sadd.s32 $0x100, s31;
	(pc) =	sbr.rel @p1 .LBB2_6-.Ltmp1, $4  }
0x4c9: {  	v44 =	vmov s1  }
0x4ca: {  	v44 =	vshll.u32 v44, $0x5  }
0x4cb: {  	v44 =	vor.u32 v24, v44;
	v46 =	vlaneseq.u32  }
0x4cc: {  	s29 =	sadd.s32 $0x10, s29;
	v47 =	vor.u32 s28, v33;
	s28 =	smov.u32 s31;
	v46 =	vor.u32 v46, v44;
	v45 =	vmul.f32 v48, v45  }
0x4cd: {  	v24 =	vld [tilespmem:$0x1FAF0];
	_ =	sdelay $0x4  }
0x4ce: {  	[tilespmem:v47+s18+$0x0] =	vst.idx.msk $0xffff, v45;
	v48 =	vor.u32 s28, v24;
	v24 =	vld [tilespmem:$0x1FFB0]  }
0x4cf: {  	s1 =	sadd.s32 $0x10, s30;
	v45 =	vld.idx.msk [tilespmem:v46+s13+$0x0], $0xffff  }
0x4d0: {  	v47 =	vld [tilespmem:s1+$0x0];
	_ =	sdelay $0x2  }
0x4d1: {  	v46 =	vor.u32 v24, v44  }
0x4d2: {  	v24 =	vld [tilespmem:$0x1FB00]  }
0x4d3: {  	v45 =	vmul.f32 v45, v47;
	_ =	sdelay $0x1  }
0x4d4: {  	[tilespmem:v48+s18+$0x0] =	vst.idx.msk $0xffff, v45  }
0x4d5: {  	v48 =	vld.idx.msk [tilespmem:v46+s13+$0x0], $0xffff  }
0x4d6: {  	v46 =	vor.u32 s28, v24;
	v24 =	vld [tilespmem:$0x1FFC0];
	_ =	sdelay $0x4  }
0x4d7: {  	v45 =	vor.u32 v24, v44;
	_ =	sdelay $0x1  }
0x4d8: {  	v24 =	vmul.f32 v48, v47;
	v48 =	vld [tilespmem:$0x1FB10];
	_ =	sdelay $0x1  }
0x4d9: {  	[tilespmem:v46+s18+$0x0] =	vst.idx.msk $0xffff, v24  }
0x4da: {  	v24 =	vld.idx.msk [tilespmem:v45+s13+$0x0], $0xffff;
	_ =	sdelay $0x1  }
0x4db: {  	v45 =	vor.u32 s28, v48  }
0x4dc: {  	v21 =	vor.u32 v21, v44;
	_ =	sdelay $0x1  }
0x4dd: {  	v24 =	vmul.f32 v24, v47;
	_ =	sdelay $0x1  }
0x4de: {  	[tilespmem:v45+s18+$0x0] =	vst.idx.msk $0xffff, v24  }
0x4df: {  	v24 =	vld.idx.msk [tilespmem:v21+s13+$0x0], $0xffff;
	_ =	sdelay $0x1  }
0x4e0: {  	v46 =	vor.u32 s28, v28  }
0x4e1: {  	v28 =	vor.u32 v49, v44;
	_ =	sdelay $0x1  }
0x4e2: {  	v24 =	vmul.f32 v24, v47;
	_ =	sdelay $0x1  }
0x4e3: {  	[tilespmem:v46+s18+$0x0] =	vst.idx.msk $0xffff, v24  }
0x4e4: {  	v24 =	vld.idx.msk [tilespmem:v28+s13+$0x0], $0xffff;
	_ =	sdelay $0x1  }
0x4e5: {  	v26 =	vor.u32 s28, v26  }
0x4e6: {  	v48 =	vor.u32 v32, v44;
	_ =	sdelay $0x1  }
0x4e7: {  	v24 =	vmul.f32 v24, v47;
	_ =	sdelay $0x1  }
0x4e8: {  	[tilespmem:v26+s18+$0x0] =	vst.idx.msk $0xffff, v24  }
0x4e9: {  	v24 =	vld.idx.msk [tilespmem:v48+s13+$0x0], $0xffff;
	_ =	sdelay $0x1  }
0x4ea: {  	v9 =	vor.u32 s28, v9  }
0x4eb: {  	v49 =	vor.u32 v18, v44;
	_ =	sdelay $0x1  }
0x4ec: {  	v24 =	vmul.f32 v24, v47;
	_ =	sdelay $0x1  }
0x4ed: {  	[tilespmem:v9+s18+$0x0] =	vst.idx.msk $0xffff, v24  }
0x4ee: {  	v24 =	vld.idx.msk [tilespmem:v49+s13+$0x0], $0xffff;
	_ =	sdelay $0x1  }
0x4ef: {  	v26 =	vor.u32 s28, v10  }
0x4f0: {  	v9 =	vor.u32 v13, v44;
	_ =	sdelay $0x1  }
0x4f1: {  	v24 =	vmul.f32 v24, v47;
	_ =	sdelay $0x1  }
0x4f2: {  	[tilespmem:v26+s18+$0x0] =	vst.idx.msk $0xffff, v24  }
0x4f3: {  	v24 =	vld.idx.msk [tilespmem:v9+s13+$0x0], $0xffff;
	_ =	sdelay $0x1  }
0x4f4: {  	v26 =	vor.u32 s28, v34  }
0x4f5: {  	v9 =	vor.u32 v12, v44;
	_ =	sdelay $0x1  }
0x4f6: {  	v24 =	vmul.f32 v24, v47;
	_ =	sdelay $0x1  }
0x4f7: {  	[tilespmem:v26+s18+$0x0] =	vst.idx.msk $0xffff, v24  }
0x4f8: {  	v24 =	vld.idx.msk [tilespmem:v9+s13+$0x0], $0xffff;
	_ =	sdelay $0x1  }
0x4f9: {  	v26 =	vor.u32 s28, v27  }
0x4fa: {  	v27 =	vor.u32 v17, v44;
	_ =	sdelay $0x1  }
0x4fb: {  	v24 =	vmul.f32 v24, v47;
	_ =	sdelay $0x1  }
0x4fc: {  	[tilespmem:v26+s18+$0x0] =	vst.idx.msk $0xffff, v24  }
0x4fd: {  	v24 =	vld.idx.msk [tilespmem:v27+s13+$0x0], $0xffff;
	_ =	sdelay $0x1  }
0x4fe: {  	v26 =	vor.u32 s28, v36  }
0x4ff: {  	v27 =	vor.u32 v16, v44;
	_ =	sdelay $0x1  }
0x500: {  	v24 =	vmul.f32 v24, v47;
	_ =	sdelay $0x1  }
0x501: {  	[tilespmem:v26+s18+$0x0] =	vst.idx.msk $0xffff, v24  }
0x502: {  	v24 =	vld.idx.msk [tilespmem:v27+s13+$0x0], $0xffff;
	_ =	sdelay $0x1  }
0x503: {  	v26 =	vor.u32 s28, v37  }
0x504: {  	v27 =	vor.u32 v11, v44;
	_ =	sdelay $0x1  }
0x505: {  	v24 =	vmul.f32 v24, v47;
	_ =	sdelay $0x1  }
0x506: {  	[tilespmem:v26+s18+$0x0] =	vst.idx.msk $0xffff, v24  }
0x507: {  	v24 =	vld.idx.msk [tilespmem:v27+s13+$0x0], $0xffff;
	_ =	sdelay $0x1  }
0x508: {  	v26 =	vor.u32 s28, v38  }
0x509: {  	v27 =	vor.u32 v5, v44;
	_ =	sdelay $0x1  }
0x50a: {  	v24 =	vmul.f32 v24, v47;
	_ =	sdelay $0x1  }
0x50b: {  	[tilespmem:v26+s18+$0x0] =	vst.idx.msk $0xffff, v24  }
0x50c: {  	v24 =	vld.idx.msk [tilespmem:v27+s13+$0x0], $0xffff;
	_ =	sdelay $0x1  }
0x50d: {  	v26 =	vor.u32 s28, v39  }
0x50e: {  	v27 =	vor.u32 v2, v44;
	_ =	sdelay $0x1  }
0x50f: {  	v24 =	vmul.f32 v24, v47;
	_ =	sdelay $0x1  }
0x510: {  	[tilespmem:v26+s18+$0x0] =	vst.idx.msk $0xffff, v24  }
0x511: {  	v24 =	vld.idx.msk [tilespmem:v27+s13+$0x0], $0xffff;
	_ =	sdelay $0x1  }
0x512: {  	v26 =	vor.u32 s28, v40  }
0x513: {  	v27 =	vor.u32 v3, v44;
	_ =	sdelay $0x1  }
0x514: {  	v24 =	vmul.f32 v24, v47;
	_ =	sdelay $0x1  }
0x515: {  	[tilespmem:v26+s18+$0x0] =	vst.idx.msk $0xffff, v24  }
0x516: {  	v24 =	vld.idx.msk [tilespmem:v27+s13+$0x0], $0xffff;
	_ =	sdelay $0x1  }
0x517: {  	v26 =	vor.u32 s28, v41  }
0x518: {  	v27 =	vor.u32 v4, v44;
	_ =	sdelay $0x1  }
0x519: {  	v24 =	vmul.f32 v24, v47;
	_ =	sdelay $0x1  }
0x51a: {  	[tilespmem:v26+s18+$0x0] =	vst.idx.msk $0xffff, v24  }
0x51b: {  	v24 =	vld.idx.msk [tilespmem:v27+s13+$0x0], $0xffff;
	_ =	sdelay $0x1  }
0x51c: {  	v26 =	vor.u32 s28, v42  }
0x51d: {  	v27 =	vor.u32 v20, v44;
	_ =	sdelay $0x1  }
0x51e: {  	v24 =	vmul.f32 v24, v47;
	_ =	sdelay $0x1  }
0x51f: {  	[tilespmem:v26+s18+$0x0] =	vst.idx.msk $0xffff, v24  }
0x520: {  	v24 =	vld.idx.msk [tilespmem:v27+s13+$0x0], $0xffff;
	_ =	sdelay $0x1  }
0x521: {  	v26 =	vor.u32 s28, v43  }
0x522: {  	v27 =	vor.u32 v25, v44;
	_ =	sdelay $0x1  }
0x523: {  	v24 =	vmul.f32 v24, v47;
	_ =	sdelay $0x1  }
0x524: {  	[tilespmem:v26+s18+$0x0] =	vst.idx.msk $0xffff, v24  }
0x525: {  	v24 =	vld.idx.msk [tilespmem:v27+s13+$0x0], $0xffff;
	_ =	sdelay $0x1  }
0x526: {  	v26 =	vor.u32 s28, v0  }
0x527: {  	v27 =	vor.u32 v53, v44;
	_ =	sdelay $0x1  }
0x528: {  	v24 =	vmul.f32 v24, v47;
	_ =	sdelay $0x1  }
0x529: {  	[tilespmem:v26+s18+$0x0] =	vst.idx.msk $0xffff, v24  }
0x52a: {  	v24 =	vld.idx.msk [tilespmem:v27+s13+$0x0], $0xffff;
	_ =	sdelay $0x1  }
0x52b: {  	v26 =	vor.u32 s28, v54  }
0x52c: {  	v27 =	vor.u32 v35, v44;
	_ =	sdelay $0x1  }
0x52d: {  	v24 =	vmul.f32 v24, v47;
	_ =	sdelay $0x1  }
0x52e: {  	[tilespmem:v26+s18+$0x0] =	vst.idx.msk $0xffff, v24  }
0x52f: {  	v24 =	vld.idx.msk [tilespmem:v27+s13+$0x0], $0xffff;
	_ =	sdelay $0x1  }
0x530: {  	v26 =	vor.u32 s28, v8  }
0x531: {  	v27 =	vor.u32 v63, v44;
	_ =	sdelay $0x1  }
0x532: {  	v24 =	vmul.f32 v24, v47;
	_ =	sdelay $0x1  }
0x533: {  	[tilespmem:v26+s18+$0x0] =	vst.idx.msk $0xffff, v24  }
0x534: {  	v24 =	vld.idx.msk [tilespmem:v27+s13+$0x0], $0xffff;
	_ =	sdelay $0x1  }
0x535: {  	v26 =	vor.u32 s28, v22  }
0x536: {  	v27 =	vor.u32 v1, v44;
	_ =	sdelay $0x1  }
0x537: {  	v24 =	vmul.f32 v24, v47;
	_ =	sdelay $0x1  }
0x538: {  	[tilespmem:v26+s18+$0x0] =	vst.idx.msk $0xffff, v24  }
0x539: {  	v24 =	vld.idx.msk [tilespmem:v27+s13+$0x0], $0xffff;
	_ =	sdelay $0x1  }
0x53a: {  	v26 =	vor.u32 s28, v55  }
0x53b: {  	v27 =	vor.u32 v50, v44;
	_ =	sdelay $0x1  }
0x53c: {  	v24 =	vmul.f32 v24, v47;
	_ =	sdelay $0x1  }
0x53d: {  	[tilespmem:v26+s18+$0x0] =	vst.idx.msk $0xffff, v24  }
0x53e: {  	v24 =	vld.idx.msk [tilespmem:v27+s13+$0x0], $0xffff;
	_ =	sdelay $0x1  }
0x53f: {  	v26 =	vor.u32 s28, v56  }
0x540: {  	v27 =	vor.u32 v52, v44;
	_ =	sdelay $0x1  }
0x541: {  	v24 =	vmul.f32 v24, v47;
	_ =	sdelay $0x1  }
0x542: {  	[tilespmem:v26+s18+$0x0] =	vst.idx.msk $0xffff, v24  }
0x543: {  	v24 =	vld.idx.msk [tilespmem:v27+s13+$0x0], $0xffff;
	_ =	sdelay $0x1  }
0x544: {  	v26 =	vor.u32 s28, v31  }
0x545: {  	v27 =	vor.u32 v57, v44;
	_ =	sdelay $0x1  }
0x546: {  	v24 =	vmul.f32 v24, v47;
	_ =	sdelay $0x1  }
0x547: {  	[tilespmem:v26+s18+$0x0] =	vst.idx.msk $0xffff, v24  }
0x548: {  	v24 =	vld.idx.msk [tilespmem:v27+s13+$0x0], $0xffff;
	_ =	sdelay $0x1  }
0x549: {  	v26 =	vor.u32 s28, v61  }
0x54a: {  	v27 =	vor.u32 v51, v44;
	_ =	sdelay $0x1  }
0x54b: {  	v24 =	vmul.f32 v24, v47;
	_ =	sdelay $0x1  }
0x54c: {  	[tilespmem:v26+s18+$0x0] =	vst.idx.msk $0xffff, v24  }
0x54d: {  	v24 =	vld.idx.msk [tilespmem:v27+s13+$0x0], $0xffff;
	_ =	sdelay $0x1  }
0x54e: {  	v26 =	vor.u32 s28, v58  }
0x54f: {  	v27 =	vor.u32 v62, v44;
	_ =	sdelay $0x1  }
0x550: {  	v24 =	vmul.f32 v24, v47;
	_ =	sdelay $0x1  }
0x551: {  	[tilespmem:v26+s18+$0x0] =	vst.idx.msk $0xffff, v24  }
0x552: {  	v24 =	vld.idx.msk [tilespmem:v27+s13+$0x0], $0xffff;
	_ =	sdelay $0x1  }
0x553: {  	v26 =	vor.u32 s28, v59  }
0x554: {  	v27 =	vor.u32 v6, v44;
	_ =	sdelay $0x1  }
0x555: {  	v24 =	vmul.f32 v24, v47;
	_ =	sdelay $0x1  }
0x556: {  	[tilespmem:v26+s18+$0x0] =	vst.idx.msk $0xffff, v24  }
0x557: {  	v24 =	vld.idx.msk [tilespmem:v27+s13+$0x0], $0xffff;
	_ =	sdelay $0x1  }
0x558: {  	v26 =	vor.u32 s28, v19  }
0x559: {  	v27 =	vor.u32 v23, v44;
	_ =	sdelay $0x1  }
0x55a: {  	v24 =	vmul.f32 v24, v47;
	_ =	sdelay $0x1  }
0x55b: {  	[tilespmem:v26+s18+$0x0] =	vst.idx.msk $0xffff, v24  }
0x55c: {  	v24 =	vld.idx.msk [tilespmem:v27+s13+$0x0], $0xffff;
	_ =	sdelay $0x1  }
0x55d: {  	v26 =	vor.u32 s28, v29  }
0x55e: {  	v27 =	vor.u32 v15, v44;
	_ =	sdelay $0x1  }
0x55f: {  	v24 =	vmul.f32 v24, v47;
	_ =	sdelay $0x1  }
0x560: {  	v45 =	vld [tilespmem:$0x1FE10];
	[tilespmem:v26+s18+$0x0] =	vst.idx.msk $0xffff, v24  }
0x561: {  	v24 =	vld.idx.msk [tilespmem:v27+s13+$0x0], $0xffff  }
0x562: {  	v46 =	vld [tilespmem:$0x1FE20]  }
0x563: {  	v28 =	vld [tilespmem:$0x1FDC0];
	v26 =	vor.u32 s28, v60  }
0x564: {  	v10 =	vld [tilespmem:$0x1FFB0];
	v27 =	vor.u32 v7, v44  }
0x565: {  	v36 =	vld [tilespmem:$0x1FD90]  }
0x566: {  	v18 =	vmovc v13;
	v13 =	vmov v12;
	v12 =	vmov v16;
	v16 =	vld [tilespmem:$0x1FFC0];
	v24 =	vmul.f32 v24, v47  }
0x567: {  	v37 =	vld [tilespmem:$0x1FDA0]  }
0x568: {  	v38 =	vld [tilespmem:$0x1FD40];
	[tilespmem:v26+s18+$0x0] =	vst.idx.msk $0xffff, v24  }
0x569: {  	v24 =	vld.idx.msk [tilespmem:v27+s13+$0x0], $0xffff  }
0x56a: {  	v39 =	vld [tilespmem:$0x1FDB0]  }
0x56b: {  	v40 =	vld [tilespmem:$0x1FE30];
	v26 =	vor.u32 s28, v30  }
0x56c: {  	v41 =	vld [tilespmem:$0x1FDF0];
	v27 =	vor.u32 v14, v44  }
0x56d: {  	v42 =	vld [tilespmem:$0x1FD60]  }
0x56e: {  	v43 =	vld [tilespmem:$0x1FD80];
	v24 =	vmul.f32 v24, v47  }
0x56f: {  	v54 =	vmov v35;
	v35 =	vld [tilespmem:$0x1FDD0]  }
0x570: {  	v59 =	vmov v25;
	v25 =	vld [tilespmem:$0x1FF80];
	[tilespmem:v26+s18+$0x0] =	vst.idx.msk $0xffff, v24  }
0x571: {  	v24 =	vld.idx.msk [tilespmem:v27+s13+$0x0], $0xffff  }
0x572: {  	v15 =	vld [tilespmem:$0x1FFD0]  }
0x573: {  	s25 =	sadd.s32 $0x1, s25;
	v60 =	vld [tilespmem:$0x1FD30];
	v26 =	vor.u32 s28, v33  }
0x574: {  	p1 =	sne.s32 s25, $0xD;
	v30 =	vld [tilespmem:$0x1FD50]  }
.Ltmp2:
0x575: {  	s31 =	sshll.u32 s26, $0x13;
	v44 =	vld [tilespmem:$0x1FE00];
	(pc) =	sbr.rel @p1 .LBB2_3-.Ltmp2, $4  }
0x576: {  	s1 =	sor.u32 s21, s31;
	v21 =	vmov v17;
	v14 =	vld [tilespmem:$0x1FFF0];
	v24 =	vmul.f32 v24, v47  }
0x577: {  	s1 =	sshrl.u32 s1, $0x3;
	v32 =	vmov v51;
	v49 =	vmov v18;
	v18 =	vmov v21;
	v33 =	vld [tilespmem:$0x1FD70]  }
0x578: {  	s23 =	sadd.s32 $0x200, s23;
	s24 =	sadd.s32 $0x200, s24;
	s1 =	sadd.s32 s6, s1;
	v17 =	vmovc v13;
	v55 =	vmovc v6;
	v61 =	vmov v52;
	v51 =	vmov v11;
	v62 =	vmov v59;
	v47 =	vld [tilespmem:$0x1FFE0];
	[tilespmem:v26+s18+$0x0] =	vst.idx.msk $0xffff, v24  }
0x579: {  	v19 =	vmovc v12;
	v29 =	vmovc v54;
	v7 =	vmov v63;
	v63 =	vmov v50;
	v27 =	vlaneseq.u32;
	v24 =	vld [tilespmem:$0x1FDE0];
	[hbm4b:s1+s9] =	stream.strided.scatter [tilespmem:s19], [sflag:$0x2], $0x2000, s10, s9, $0x38  }
0x57a: {  	_ =	swait.ge [sflag:s20], $0x2000  }
.Ltmp3:
0x57b: {  	[sflag:s20] =	ssyncset.done $0x0;
	(pc) =	sbr.rel @p0 .LBB2_2-.Ltmp3, $4  }
0x57c: {  	[sflag:s20] =	ssyncadd.s32 $0xFFFFE000  }
0x57d: {  	_ =	swait.ge [sflag:s20], $0x2000  }
0x57e: {  	[sflag:s20] =	ssyncset.done $0x0  }
0x57f: {  	v23 =	vmov v43;
	s21 =	simm.s32 $0x100;
	p1 =	por $0x0, $0x0;
	[sflag:s20] =	ssyncadd.s32 $0xFFFFE000  }
0x580: {  	s2 =	sadd.s32 $0x1, s2  }
0x581: {  	p0 =	sne.s32 s2, s8  }
.Ltmp4:
0x582: {  	_ = 	snop;
	(pc) =	sbr.rel @p0 .LBB2_1-.Ltmp4, $1  }
0x583: {  	_ =	sdelay $0x3  }
0x584: {  	_ =	sfence.sel $0x180000  }
0x585: {  	[bflag:$0x0] =	sbarrier.arrive $0xFFFF  }
0x586: {  	_ =	strace $0x90000047  }
0x587: {  	[bflag:$0x2] =	sbarrier.arrive $0xFFFF  }
0x588: {  	p0 =	sne.s32 s4, $0x0;
	s0 =	rddreg [dreg:$0x2]  }
0x589: {  	s0 =	sadd.s32 @!p0 $0x100000, s0  }
0x58a: {  	[sflag:s0] =	ssyncadd.tile.s32 @!p0 $0x1;
	_ =	shalt  }
.Lfunc_end2:
_tile_overlayer_lowered:
.L_overlay_start_2:
0x58b: {  	(tag) =	ssettag $0x2  }
0x58c: {  	s0 =	rddreg [dreg:$0x0];
	s2 =	stileid.u32  }
0x58d: {  	s1 =	rddreg [dreg:$0x1];
	p0 =	sne.s32 s2, $0x0  }
0x58e: {  	s3 =	rddreg [dreg:$0x2];
	[bflag:$0x3] =	sbarrier.arrive $0xFFFF;
	s2 =	simm.s32 @!p0 $0x1C03  }
0x58f: {  	[timem:s3], [sflag:s2] =	dma.local @!p0 [hbm:s0], s1  }
0x590: {  	s0 =	simm.s32 @!p0 $0x3  }
0x591: {  	_ =	swait.ge @!p0 [sflag:s0], s1  }
0x592: {  	s1 =	ssub.s32 @!p0 $0x0, s1;
	[sflag:s0] =	ssyncset.done @!p0 $0x0  }
0x593: {  	[sflag:s0] =	ssyncadd.s32 @!p0 s1  }
0x594: {  	[bflag:$0x3] =	sbarrier.arrive $0xFFFF  }
0x595: {  	_ =	shalt  }

</sc_bundles>
